<compile_context>
chip_gen: v7x
topology: tpu7x:2x2x1
jax: 0.10.2.dev20260603
libtpu: 0.0.44.dev20260713+nightly
codegen_flags: <defaults>
</compile_context>

<pallas_src>
import functools

import jax
import jax.numpy as jnp
from jax import lax
from jax.experimental import pallas as pl
from jax.experimental.pallas import tpu as pltpu
from jax.experimental.pallas import tpu_sc as plsc

N_NODES = 10000
N_EDGES = 160000
X_DIM = 11
HIDDEN_DIM = 32
LATENT_DIM = 16

N_PAD = 10240
NW = 32
CH = 128
NCH = 40
B_W = NCH * CH
E_PAD = NW * B_W

_F32 = jnp.float32


def _mesh():
    return plsc.VectorSubcoreMesh(core_axis_name="c", subcore_axis_name="s")



def _sc_gather(table, idx):

    @functools.partial(
        pl.kernel,
        mesh=_mesh(),
        compiler_params=pltpu.CompilerParams(use_tc_tiling_on_sc=False),
        out_type=jax.ShapeDtypeStruct((E_PAD, 16), _F32),
        scratch_types=[
            pltpu.VMEM((B_W,), jnp.int32),
            pltpu.VMEM((CH, 16), _F32),
            pltpu.VMEM((CH, 16), _F32),
            pltpu.VMEM((CH, 16), _F32),
            pltpu.VMEM((CH, 16), _F32),
            pltpu.SemaphoreType.DMA,
            pltpu.SemaphoreType.DMA,
            pltpu.SemaphoreType.DMA,
            pltpu.SemaphoreType.DMA,
        ],
    )
    def k(table_h, idx_h, out_h, idx_v, r0, r1, r2, r3, s0, s1, s2, s3):
        wid = lax.axis_index("s") * 2 + lax.axis_index("c")
        base = wid * B_W
        pltpu.sync_copy(idx_h.at[pl.ds(base, B_W)], idx_v)
        rows = [r0, r1, r2, r3]
        sems = [s0, s1, s2, s3]
        depth = 4

        def start(c, slot):
            pltpu.async_copy(
                table_h.at[idx_v.at[pl.ds(c * CH, CH)]], rows[slot], sems[slot])

        for p in range(depth):
            start(p, p)

        def body(c, carry):
            slot = lax.rem(c, depth)
            for s in range(depth):
                @pl.when(slot == s)
                def _(s=s):
                    pltpu.make_async_copy(
                        table_h.at[idx_v.at[pl.ds(c * CH, CH)]],
                        rows[s], sems[s]).wait()
                    pltpu.sync_copy(rows[s],
                                    out_h.at[pl.ds(base + c * CH, CH)])

                    @pl.when(c + depth < NCH)
                    def _():
                        start(c + depth, s)
            return carry

        lax.fori_loop(0, NCH, body, 0)

    return k(table, idx)


def _sc_scatter(msg, dst3, zeros_n):

    @functools.partial(
        pl.kernel,
        mesh=_mesh(),
        compiler_params=pltpu.CompilerParams(use_tc_tiling_on_sc=False),
        out_type=jax.ShapeDtypeStruct((2, N_PAD, 32), _F32),
        scratch_types=[
            pltpu.VMEM((NCH, CH), jnp.int32),
            pltpu.VMEM((CH, 32), _F32),
            pltpu.VMEM((CH, 32), _F32),
            pltpu.VMEM((CH, 32), _F32),
            pltpu.VMEM((CH, 32), _F32),
            pltpu.VMEM_SHARED((N_PAD, 32), _F32),
            pltpu.SemaphoreType.DMA,
            pltpu.SemaphoreType.DMA,
            pltpu.SemaphoreType.DMA,
            pltpu.SemaphoreType.DMA,
        ],
    )
    def k(msg_h, dst_h, zero_h, out_h, idx_v, r0, r1, r2, r3, agg_s,
          s0, s1, s2, s3):
        cid = lax.axis_index("c")
        sid = lax.axis_index("s")
        wid = sid * 2 + cid
        base = wid * B_W
        nrows = N_PAD // 16
        rslice = pl.ds(sid * nrows, nrows)
        pltpu.sync_copy(zero_h.at[rslice], agg_s.at[rslice])
        pltpu.sync_copy(dst_h.at[wid], idx_v)
        plsc.subcore_barrier()

        rows = [r0, r1, r2, r3]
        sems = [s0, s1, s2, s3]
        depth = 4

        def start(c, slot):
            pltpu.async_copy(
                msg_h.at[pl.ds(base + c * CH, CH)], rows[slot], sems[slot])

        for p in range(depth):
            start(p, p)

        def body(c, carry):
            slot = lax.rem(c, depth)
            for s in range(depth):
                @pl.when(slot == s)
                def _(s=s):
                    pltpu.make_async_copy(
                        msg_h.at[pl.ds(base + c * CH, CH)],
                        rows[s], sems[s]).wait()
                    pltpu.sync_copy(rows[s], agg_s.at[idx_v.at[c]], add=True)

                    @pl.when(c + depth < NCH)
                    def _():
                        start(c + depth, s)
            return carry

        lax.fori_loop(0, NCH, body, 0)
        plsc.subcore_barrier()
        pltpu.sync_copy(agg_s.at[rslice], out_h.at[cid, rslice])

    return k(msg, dst3, zeros_n)



def _repl(shape):
    nd = len(shape)
    return pl.BlockSpec(shape, lambda i: (0,) * nd)


def _repl0(shape):
    nd = len(shape)
    return pl.BlockSpec(shape, lambda: (0,) * nd)


def _tc_msg(edge_t, hs, fnet, w4r, r8, s8, d_out, deg_col, e_b):
    grid = E_PAD // e_b
    pad = 32 - d_out - (1 if deg_col else 0)
    w0 = fnet[0]["W"]
    b0 = fnet[0]["b"].reshape(1, -1)
    ws = [fnet[i]["W"] for i in (1, 2)]
    bs = [fnet[i]["b"].reshape(1, -1) for i in (1, 2)]

    def body(edge_ref, hs_ref, w0_ref, b0_ref, w1, b1, w2, b2,
             w4_ref, r8_ref, s8_ref, out_ref):
        t = jnp.maximum(
            lax.dot_general(edge_ref[...], w0_ref[...],
                            (((0,), (0,)), ((), ())),
                            preferred_element_type=_F32) + b0_ref[...], 0.0)
        t = jnp.maximum(jnp.dot(t, w1[...],
                                preferred_element_type=_F32) + b1[...], 0.0)
        t3 = jnp.maximum(jnp.dot(t, w2[...],
                                 preferred_element_type=_F32) + b2[...], 0.0)
        bf = jnp.bfloat16
        g = jnp.concatenate(
            [jnp.dot(hs_ref[:, 16 * j:16 * (j + 1)].astype(bf), w4_ref[...],
                     preferred_element_type=_F32) for j in range(8)],
            axis=0)
        t3rep = jnp.dot(t3.astype(bf), r8_ref[...],
                        preferred_element_type=_F32)
        msg = jnp.dot((t3rep * g).astype(bf), s8_ref[...],
                      preferred_element_type=_F32)
        rows = (lax.broadcasted_iota(jnp.int32, (e_b, 1), 0)
                + pl.program_id(0) * e_b)
        v = (rows < N_EDGES).astype(_F32)
        parts = [msg * v]
        if deg_col:
            parts.append(v)
        if pad:
            parts.append(jnp.zeros((e_b, pad), _F32))
        full = jnp.concatenate(parts, axis=1) if len(parts) > 1 else parts[0]
        q = e_b // 4
        out_ref[...] = jnp.concatenate(
            [full[q * j:q * (j + 1), :] for j in range(4)], axis=1)

    in_specs = [
        pl.BlockSpec((4, e_b), lambda i: (0, i)),
        pl.BlockSpec((e_b // 8, 128), lambda i: (i, 0)),
        _repl(w0.shape), _repl(b0.shape),
        _repl(ws[0].shape), _repl(bs[0].shape),
        _repl(ws[1].shape), _repl(bs[1].shape),
        _repl(w4r.shape), _repl(r8.shape), _repl(s8.shape),
    ]
    args = [edge_t, hs, w0, b0, ws[0], bs[0], ws[1], bs[1], w4r, r8, s8]

    return pl.pallas_call(
        body,
        grid=(grid,),
        in_specs=in_specs,
        out_specs=pl.BlockSpec((e_b // 4, 128), lambda i: (i, 0)),
        out_shape=jax.ShapeDtypeStruct((E_PAD // 4, 128), _F32),
    )(*args)


def _tc_update(p0, p1, x_p, w_root, b_root, d_prev):
    n_b = 1024

    def body(p0_ref, p1_ref, x_ref, w_ref, b_ref, h_ref, deg_ref):
        agg = p0_ref[...] + p1_ref[...]
        deg = agg[:, 16:17]
        a = agg[:, :16] / jnp.maximum(deg, 1.0)
        xr = jnp.dot(x_ref[...], w_ref[...], preferred_element_type=_F32)
        h_ref[...] = jnp.maximum(a + xr + b_ref[...], 0.0)
        deg_ref[...] = deg

    return pl.pallas_call(
        body,
        grid=(N_PAD // n_b,),
        in_specs=[
            pl.BlockSpec((n_b, 32), lambda i: (i, 0)),
            pl.BlockSpec((n_b, 32), lambda i: (i, 0)),
            pl.BlockSpec((n_b, d_prev), lambda i: (i, 0)),
            _repl(w_root.shape),
            _repl(b_root.shape),
        ],
        out_specs=[
            pl.BlockSpec((n_b, 16), lambda i: (i, 0)),
            pl.BlockSpec((n_b, 1), lambda i: (i, 0)),
        ],
        out_shape=[
            jax.ShapeDtypeStruct((N_PAD, 16), _F32),
            jax.ShapeDtypeStruct((N_PAD, 1), _F32),
        ],
    )(p0, p1, x_p, w_root, b_root)


def _tc_final(q0, q1, deg, h1, eps, wlist):
    n = N_NODES

    def body(q0_ref, q1_ref, deg_ref, h1_ref, epst_ref, *refs):
        ws = refs[:-5]
        oxc_ref, oxr_ref, oae_ref, mu_ref, lv_ref = refs[-5:]

        agg = (q0_ref[...] + q1_ref[...]) / jnp.maximum(deg_ref[...], 1.0)
        h2 = jnp.maximum(
            agg + jnp.dot(h1_ref[...], ws[0][...],
                          preferred_element_type=_F32) + ws[1][...], 0.0)

        def lin_t(xt, j):
            return lax.dot_general(
                ws[2 * j][...], xt, (((0,), (0,)), ((), ())),
                preferred_element_type=_F32) + ws[2 * j + 1][...]

        mu_t = lax.dot_general(ws[2][...], h2, (((0,), (1,)), ((), ())),
                               preferred_element_type=_F32) + ws[3][...]
        lv_t = lax.dot_general(ws[4][...], h2, (((0,), (1,)), ((), ())),
                               preferred_element_type=_F32) + ws[5][...]
        sigma_t = jnp.exp(0.5 * lv_t)
        z_t = mu_t + epst_ref[...] * sigma_t

        outs = []
        for c in range(3):
            t = z_t
            for j in range(3):
                t = jnp.maximum(lin_t(t, 3 + 4 * c + j), 0.0)
            outs.append(lin_t(t, 3 + 4 * c + 3))
        oxc_ref[...] = outs[0]
        oxr_ref[...] = outs[1]
        oae_ref[...] = outs[2]
        mu_ref[...] = mu_t
        lv_ref[...] = lv_t

    in_specs = [
        pl.BlockSpec((n, 32), lambda i: (0, 0)),
        pl.BlockSpec((n, 32), lambda i: (0, 0)),
        pl.BlockSpec((n, 1), lambda i: (0, 0)),
        pl.BlockSpec((n, 16), lambda i: (0, 0)),
        pl.BlockSpec((16, n), lambda i: (0, 0)),
    ]
    args = [q0, q1, deg, h1, eps]
    for w, b in wlist:
        in_specs += [_repl(w.shape), _repl(b.shape)]
        args += [w, b]

    return pl.pallas_call(
        body,
        grid=(1,),
        in_specs=in_specs,
        out_specs=[
            pl.BlockSpec((140, n), lambda i: (0, 0)),
            pl.BlockSpec((9, n), lambda i: (0, 0)),
            pl.BlockSpec((180, n), lambda i: (0, 0)),
            pl.BlockSpec((16, n), lambda i: (0, 0)),
            pl.BlockSpec((16, n), lambda i: (0, 0)),
        ],
        out_shape=[
            jax.ShapeDtypeStruct((140, n), _F32),
            jax.ShapeDtypeStruct((9, n), _F32),
            jax.ShapeDtypeStruct((180, n), _F32),
            jax.ShapeDtypeStruct((16, n), _F32),
            jax.ShapeDtypeStruct((16, n), _F32),
        ],
    )(*args)



def _make_w4r(layer, d_in, d_out):
    w4 = layer["W"].reshape(8, d_in, d_out)
    w4 = jnp.pad(w4, ((0, 0), (0, 16 - d_in), (0, 0)))
    return w4.transpose(1, 0, 2).reshape(16, 8 * d_out)


def _make_r8s8(d_out):
    k = jnp.arange(8 * d_out)
    r8 = (jnp.arange(8)[:, None] == (k // d_out)[None, :]).astype(_F32)
    s8 = ((k % d_out)[:, None] == jnp.arange(d_out)[None, :]).astype(_F32)
    return r8, s8


def kernel(x, adj, edge, params):
    src = adj[0].astype(jnp.int32)
    dst = adj[1].astype(jnp.int32)
    e_extra = E_PAD - N_EDGES
    e_b = 8192
    nb = E_PAD // e_b
    src_p = (jnp.pad(src, (0, e_extra))
             .reshape(nb, 8, e_b // 8).transpose(0, 2, 1).reshape(-1))
    dst3 = (jnp.pad(dst, (0, e_extra))
            .reshape(nb, 4, e_b // 4).transpose(0, 2, 1)
            .reshape(NW, NCH, CH))
    edge_t = jnp.pad(edge.T, ((0, 0), (0, e_extra)))
    x_p = jnp.pad(x, ((0, N_PAD - N_NODES), (0, 16 - X_DIM)))
    zeros_n = jnp.zeros((N_PAD, 32), _F32)

    ecc0, ecc1 = params["ecc"]
    bf = jnp.bfloat16
    w4r0 = _make_w4r(ecc0["fnet"][3], X_DIM, 16).astype(bf)
    w4r1 = _make_w4r(ecc1["fnet"][3], 16, 32).astype(bf)
    r80, s80 = [m.astype(bf) for m in _make_r8s8(16)]
    r81, s81 = [m.astype(bf) for m in _make_r8s8(32)]

    hs0 = _sc_gather(x_p, src_p)
    msg0 = _tc_msg(edge_t, hs0.reshape(E_PAD // 8, 128), ecc0["fnet"],
                   w4r0, r80, s80, d_out=16, deg_col=True, e_b=e_b)
    parts0 = _sc_scatter(msg0.reshape(E_PAD, 32), dst3, zeros_n)
    h1, deg = _tc_update(parts0[0], parts0[1], x_p,
                         jnp.pad(ecc0["root"]["W"], ((0, 16 - X_DIM), (0, 0))),
                         ecc0["root"]["b"].reshape(1, -1), 16)

    hs1 = _sc_gather(h1, src_p)
    msg1 = _tc_msg(edge_t, hs1.reshape(E_PAD // 8, 128), ecc1["fnet"],
                   w4r1, r81, s81, d_out=32, deg_col=False, e_b=e_b)
    parts1 = _sc_scatter(msg1.reshape(E_PAD, 32), dst3, zeros_n)

    eps_t = jax.random.uniform(jax.random.key(42), (N_NODES, LATENT_DIM),
                               dtype=_F32).T

    wlist = [(ecc1["root"]["W"], ecc1["root"]["b"].reshape(1, -1)),
             (params["latent_mu"]["W"],
              params["latent_mu"]["b"].reshape(-1, 1)),
             (params["latent_log_var"]["W"],
              params["latent_log_var"]["b"].reshape(-1, 1))]
    for chain, head in (("dec_x_class", "fc_out_x_class"),
                        ("dec_x_reg", "fc_out_x_reg"),
                        ("dec_adj_edge", "fc_out_adj_edge")):
        for l in params[chain]:
            wlist.append((l["W"], l["b"].reshape(-1, 1)))
        wlist.append((params[head]["W"], params[head]["b"].reshape(-1, 1)))

    oxc, oxr, oae, mu, lv = _tc_final(parts1[0], parts1[1], deg, h1,
                                      eps_t, wlist)
    return (oxc.T, oxr.T, oae.T, mu.T, lv.T)

# --- scband reference (transcript-rebuilt; emitter-appended) ---
"""Pipeline reference for scband-graph-vae-55611236548631 (READ-ONLY COPY).

The authoritative reference and input builder live on the scoring server;
editing this copy changes nothing except your own understanding.
"""

import jax, jax.numpy as jnp
import numpy as np

N_NODES = 10000
N_EDGES = 160000
X_DIM = 11
EDGE_DIM = 4
HIDDEN_DIM = 32
LATENT_DIM = 16
ECC_DIMS = [16]
MLP_DIMS = [64, 64]
FGN_DIMS = [8, 16, 8]
MAX_SIZE = 30
AA_DIM = 20
SS_DIM = 7
X_CLASS_DIM = 2
EDGE_CLASS_DIM = 3
WINIT = 5e-5

ENC_DIMS = [X_DIM] + ECC_DIMS + [HIDDEN_DIM]
DEC_DIMS = [LATENT_DIM] + MLP_DIMS + [HIDDEN_DIM]


def _linear_params(key, d_in, d_out, scale):
    kw, kb = jax.random.split(key)
    W = jax.random.uniform(kw, (d_in, d_out), minval=-scale, maxval=scale, dtype=jnp.float32)
    b = jnp.zeros((d_out,), dtype=jnp.float32)
    return {"W": W, "b": b}


def _mlp_params(key, dims, scale):
    keys = jax.random.split(key, len(dims) - 1)
    return [_linear_params(keys[i], dims[i], dims[i + 1], scale) for i in range(len(dims) - 1)]


def _mlp_apply(layers, x, act_last):
    for i, l in enumerate(layers):
        x = x @ l["W"] + l["b"]
        if i < len(layers) - 1 or act_last:
            x = jax.nn.relu(x)
    return x


def setup_inputs(seed: int = 0) -> dict:
    key = jax.random.key(seed)
    ks = jax.random.split(key, 12)
    x = jax.random.normal(ks[0], (N_NODES, X_DIM), dtype=jnp.float32)
    adj = jax.random.randint(ks[1], (2, N_EDGES), 0, N_NODES, dtype=jnp.int64)
    edge = jax.random.uniform(ks[2], (N_EDGES, EDGE_DIM), dtype=jnp.float32)
    ecc = []
    for i in range(len(ENC_DIMS) - 1):
        d_in, d_out = ENC_DIMS[i], ENC_DIMS[i + 1]
        kf, kr = jax.random.split(jax.random.fold_in(ks[3], i))
        fnet = _mlp_params(kf, [EDGE_DIM] + FGN_DIMS + [d_in * d_out], 0.1)
        root = _linear_params(kr, d_in, d_out, 0.1)
        ecc.append({"fnet": fnet, "root": root})
    params = {
        "ecc": ecc,
        "latent_mu": _linear_params(ks[4], HIDDEN_DIM, LATENT_DIM, WINIT),
        "latent_log_var": _linear_params(ks[5], HIDDEN_DIM, LATENT_DIM, WINIT),
        "dec_x_class": _mlp_params(ks[6], DEC_DIMS, WINIT),
        "dec_x_reg": _mlp_params(ks[7], DEC_DIMS, WINIT),
        "dec_adj_edge": _mlp_params(ks[8], DEC_DIMS, WINIT),
        "fc_out_x_class": _linear_params(ks[9], HIDDEN_DIM, AA_DIM * SS_DIM, WINIT),
        "fc_out_x_reg": _linear_params(ks[10], HIDDEN_DIM, X_DIM - X_CLASS_DIM, WINIT),
        "fc_out_adj_edge": _linear_params(ks[11], HIDDEN_DIM, MAX_SIZE * (EDGE_DIM + EDGE_CLASS_DIM - 1), WINIT),
    }
    return {"x": x, "adj": adj, "edge": edge, "params": params}


def reference(x, adj, edge, params):
    src, dst = adj[0], adj[1]
    h = x
    for i, layer in enumerate(params["ecc"]):
        d_in, d_out = ENC_DIMS[i], ENC_DIMS[i + 1]
        # edge-conditioned filter network generates a weight matrix per edge
        theta = _mlp_apply(layer["fnet"], edge, act_last=False).reshape(-1, d_in, d_out)
        msg = jnp.einsum("ei,eio->eo", jnp.take(h, src, axis=0), theta)
        agg = jax.ops.segment_sum(msg, dst, num_segments=N_NODES)
        deg = jax.ops.segment_sum(jnp.ones((msg.shape[0],), dtype=jnp.float32), dst, num_segments=N_NODES)
        agg = agg / jnp.clip(deg, 1.0)[:, None]
        h = jax.nn.relu(agg + h @ layer["root"]["W"] + layer["root"]["b"])
    mu = h @ params["latent_mu"]["W"] + params["latent_mu"]["b"]
    log_var = h @ params["latent_log_var"]["W"] + params["latent_log_var"]["b"]
    # reparametrize (torch.rand_like -> uniform epsilon, fixed key for determinism)
    sigma = jnp.exp(0.5 * log_var)
    epsilon = jax.random.uniform(jax.random.key(42), sigma.shape, dtype=jnp.float32)
    z = mu + epsilon * sigma
    hx_class = _mlp_apply(params["dec_x_class"], z, act_last=True)
    out_x_class = hx_class @ params["fc_out_x_class"]["W"] + params["fc_out_x_class"]["b"]
    hx_reg = _mlp_apply(params["dec_x_reg"], z, act_last=True)
    out_x_reg = hx_reg @ params["fc_out_x_reg"]["W"] + params["fc_out_x_reg"]["b"]
    h_ae = _mlp_apply(params["dec_adj_edge"], z, act_last=True)
    out_adj_edge = h_ae @ params["fc_out_adj_edge"]["W"] + params["fc_out_adj_edge"]["b"]
    return (out_x_class, out_x_reg, out_adj_edge, mu, log_var)

if __name__ == "__main__":
    import jax
    _d = setup_inputs()
    print(jax.jit(kernel)(*tuple(_d.values())))

</pallas_src>

<mosaic_0001>
#map = affine_map<(d0, d1) -> (0, 0)>
#map1 = affine_map<(d0, d1) -> (0)>
module attributes {stable_mosaic.version = 14 : i64} {
  func.func @k(%arg0: i32, %arg1: i32, %arg2: memref<10240x16xf32, #tpu.memory_space<hbm>>, %arg3: memref<163840xi32, #tpu.memory_space<hbm>>, %arg4: memref<163840x16xf32, #tpu.memory_space<hbm>>, %arg5: memref<5120xi32, #tpu.memory_space<vmem>>, %arg6: memref<128x16xf32, #tpu.memory_space<vmem>>, %arg7: memref<128x16xf32, #tpu.memory_space<vmem>>, %arg8: memref<128x16xf32, #tpu.memory_space<vmem>>, %arg9: memref<128x16xf32, #tpu.memory_space<vmem>>, %arg10: memref<!tpu.dma_semaphore, #tpu.memory_space<semaphore_mem>>, %arg11: memref<!tpu.dma_semaphore, #tpu.memory_space<semaphore_mem>>, %arg12: memref<!tpu.dma_semaphore, #tpu.memory_space<semaphore_mem>>, %arg13: memref<!tpu.dma_semaphore, #tpu.memory_space<semaphore_mem>>) attributes {dimension_semantics = [#tpu.dimension_semantics<core_parallel>, #tpu.dimension_semantics<subcore_parallel>], iteration_bounds = array<i64: 2, 16>, scalar_prefetch = 0 : i64, scratch_operands = 9 : i64, tpu.core_type = #tpu.core_type<sc_vector_subcore>, window_params = [{transform_indices = #map}, {transform_indices = #map1}, {transform_indices = #map}]} {
    %mul3A = arith.constant 2 : i32
    %mul3A_0 = arith.muli %arg1, %mul3A : i32
    %add3A = arith.addi %mul3A_0, %arg0 : i32
    %mul3A_1 = arith.constant 5120 : i32
    %mul3A_2 = arith.muli %add3A, %mul3A_1 : i32
    "tpu.region"() ({
      %run_scoped3A = tpu.sem_alloc : memref<!tpu.dma_semaphore, #tpu.memory_space<semaphore_mem>>
      %dma_start3A_27 = tpu.memref_slice %arg3[%mul3A_2] : memref<163840xi32, #tpu.memory_space<hbm>> -> memref<5120xi32, #tpu.memory_space<hbm>>
      %dma_start3A_28 = tpu.memref_slice %arg3[%mul3A_2] : memref<163840xi32, #tpu.memory_space<hbm>> -> memref<5120xi32, #tpu.memory_space<hbm>>
      tpu.enqueue_dma source(%dma_start3A_28 : memref<5120xi32, #tpu.memory_space<hbm>>) target(%arg5 : memref<5120xi32, #tpu.memory_space<vmem>>) target_semaphore(%run_scoped3A : memref<!tpu.dma_semaphore, #tpu.memory_space<semaphore_mem>>)
      %dma_wait3A = tpu.memref_slice %arg3[%mul3A_2] : memref<163840xi32, #tpu.memory_space<hbm>> -> memref<5120xi32, #tpu.memory_space<hbm>>
      %dma_wait3A_29 = tpu.memref_slice %arg3[%mul3A_2] : memref<163840xi32, #tpu.memory_space<hbm>> -> memref<5120xi32, #tpu.memory_space<hbm>>
      tpu.wait_dma2 semaphore(%run_scoped3A : memref<!tpu.dma_semaphore, #tpu.memory_space<semaphore_mem>>) src(%dma_wait3A_29 : memref<5120xi32, #tpu.memory_space<hbm>>) dst(%arg5 : memref<5120xi32, #tpu.memory_space<vmem>>)
      tpu.yield
    }) : () -> ()
    %dma_start3A = arith.constant 0 : i32
    %dma_start3A_3 = tpu.memref_slice %arg5[%dma_start3A] : memref<5120xi32, #tpu.memory_space<vmem>> -> memref<128xi32, #tpu.memory_space<vmem>>
    %dma_start3A_4 = arith.constant 0 : i32
    %dma_start3A_5 = arith.constant 0 : i32
    %dma_start3A_6 = tpu.memref_slice %arg2[%dma_start3A_4, %dma_start3A_5] : memref<10240x16xf32, #tpu.memory_space<hbm>> -> memref<10240x16xf32, #tpu.memory_space<hbm>>
    tpu.enqueue_indirect_dma source(%dma_start3A_6 : memref<10240x16xf32, #tpu.memory_space<hbm>>) target(%arg6 : memref<128x16xf32, #tpu.memory_space<vmem>>) offsets(%dma_start3A_3 : memref<128xi32, #tpu.memory_space<vmem>>) semaphore(%arg10 : memref<!tpu.dma_semaphore, #tpu.memory_space<semaphore_mem>>)
    %dma_start3A_7 = arith.constant 128 : i32
    %dma_start3A_8 = tpu.memref_slice %arg5[%dma_start3A_7] : memref<5120xi32, #tpu.memory_space<vmem>> -> memref<128xi32, #tpu.memory_space<vmem>>
    %dma_start3A_9 = arith.constant 0 : i32
    %dma_start3A_10 = arith.constant 0 : i32
    %dma_start3A_11 = tpu.memref_slice %arg2[%dma_start3A_9, %dma_start3A_10] : memref<10240x16xf32, #tpu.memory_space<hbm>> -> memref<10240x16xf32, #tpu.memory_space<hbm>>
    tpu.enqueue_indirect_dma source(%dma_start3A_11 : memref<10240x16xf32, #tpu.memory_space<hbm>>) target(%arg7 : memref<128x16xf32, #tpu.memory_space<vmem>>) offsets(%dma_start3A_8 : memref<128xi32, #tpu.memory_space<vmem>>) semaphore(%arg11 : memref<!tpu.dma_semaphore, #tpu.memory_space<semaphore_mem>>)
    %dma_start3A_12 = arith.constant 256 : i32
    %dma_start3A_13 = tpu.memref_slice %arg5[%dma_start3A_12] : memref<5120xi32, #tpu.memory_space<vmem>> -> memref<128xi32, #tpu.memory_space<vmem>>
    %dma_start3A_14 = arith.constant 0 : i32
    %dma_start3A_15 = arith.constant 0 : i32
    %dma_start3A_16 = tpu.memref_slice %arg2[%dma_start3A_14, %dma_start3A_15] : memref<10240x16xf32, #tpu.memory_space<hbm>> -> memref<10240x16xf32, #tpu.memory_space<hbm>>
    tpu.enqueue_indirect_dma source(%dma_start3A_16 : memref<10240x16xf32, #tpu.memory_space<hbm>>) target(%arg8 : memref<128x16xf32, #tpu.memory_space<vmem>>) offsets(%dma_start3A_13 : memref<128xi32, #tpu.memory_space<vmem>>) semaphore(%arg12 : memref<!tpu.dma_semaphore, #tpu.memory_space<semaphore_mem>>)
    %dma_start3A_17 = arith.constant 384 : i32
    %dma_start3A_18 = tpu.memref_slice %arg5[%dma_start3A_17] : memref<5120xi32, #tpu.memory_space<vmem>> -> memref<128xi32, #tpu.memory_space<vmem>>
    %dma_start3A_19 = arith.constant 0 : i32
    %dma_start3A_20 = arith.constant 0 : i32
    %dma_start3A_21 = tpu.memref_slice %arg2[%dma_start3A_19, %dma_start3A_20] : memref<10240x16xf32, #tpu.memory_space<hbm>> -> memref<10240x16xf32, #tpu.memory_space<hbm>>
    tpu.enqueue_indirect_dma source(%dma_start3A_21 : memref<10240x16xf32, #tpu.memory_space<hbm>>) target(%arg9 : memref<128x16xf32, #tpu.memory_space<vmem>>) offsets(%dma_start3A_18 : memref<128xi32, #tpu.memory_space<vmem>>) semaphore(%arg13 : memref<!tpu.dma_semaphore, #tpu.memory_space<semaphore_mem>>)
    %scan3A = arith.constant 0 : i32
    %scan3A_22 = arith.constant 0 : i32
    %scan3A_23 = arith.constant 40 : i32
    %scan3A_24 = arith.addi %scan3A_22, %scan3A_23 : i32
    %scan3A_25 = arith.constant 1 : i32
    scf.for %scan3A_27 = %scan3A_22 to %scan3A_24 step %scan3A_25  : i32 {
      %rem3A = arith.constant 4 : i32
      %rem3A_28 = arith.remsi %scan3A_27, %rem3A : i32
      %eq3A = arith.constant 0 : i32
      %eq3A_29 = arith.cmpi eq, %rem3A_28, %eq3A : i32
      %convert_element_type3A = arith.extui %eq3A_29 : i1 to i32
      %cond3A = arith.constant 0 : i32
      %cond3A_30 = arith.cmpi ne, %convert_element_type3A, %cond3A : i32
      scf.if %cond3A_30 {
        %mul3A_46 = arith.constant 128 : i32
        %mul3A_47 = arith.muli %scan3A_27, %mul3A_46 : i32
        %dma_wait3A = tpu.memref_slice %arg5[%mul3A_47] : memref<5120xi32, #tpu.memory_space<vmem>> -> memref<128xi32, #tpu.memory_space<vmem>>
        %dma_wait3A_48 = arith.constant 0 : i32
        %dma_wait3A_49 = arith.constant 0 : i32
        %dma_wait3A_50 = tpu.memref_slice %arg2[%dma_wait3A_48, %dma_wait3A_49] : memref<10240x16xf32, #tpu.memory_space<hbm>> -> memref<10240x16xf32, #tpu.memory_space<hbm>>
        tpu.wait_indirect_dma semaphore(%arg10 : memref<!tpu.dma_semaphore, #tpu.memory_space<semaphore_mem>>) src(%dma_wait3A_50 : memref<10240x16xf32, #tpu.memory_space<hbm>>) dst(%arg6 : memref<128x16xf32, #tpu.memory_space<vmem>>)
        %mul3A_51 = arith.constant 128 : i32
        %mul3A_52 = arith.muli %scan3A_27, %mul3A_51 : i32
        %add3A_53 = arith.addi %mul3A_2, %mul3A_52 : i32
        "tpu.region"() ({
          %run_scoped3A = tpu.sem_alloc : memref<!tpu.dma_semaphore, #tpu.memory_space<semaphore_mem>>
          %dma_start3A_60 = arith.constant 0 : i32
          %dma_start3A_61 = tpu.memref_slice %arg4[%add3A_53, %dma_start3A_60] : memref<163840x16xf32, #tpu.memory_space<hbm>> -> memref<128x16xf32, #tpu.memory_space<hbm>>
          %dma_start3A_62 = arith.constant 0 : i32
          %dma_start3A_63 = tpu.memref_slice %arg4[%add3A_53, %dma_start3A_62] : memref<163840x16xf32, #tpu.memory_space<hbm>> -> memref<128x16xf32, #tpu.memory_space<hbm>>
          tpu.enqueue_dma source(%arg6 : memref<128x16xf32, #tpu.memory_space<vmem>>) target(%dma_start3A_63 : memref<128x16xf32, #tpu.memory_space<hbm>>) target_semaphore(%run_scoped3A : memref<!tpu.dma_semaphore, #tpu.memory_space<semaphore_mem>>)
          %dma_wait3A_64 = arith.constant 0 : i32
          %dma_wait3A_65 = tpu.memref_slice %arg4[%add3A_53, %dma_wait3A_64] : memref<163840x16xf32, #tpu.memory_space<hbm>> -> memref<128x16xf32, #tpu.memory_space<hbm>>
          %dma_wait3A_66 = arith.constant 0 : i32
          %dma_wait3A_67 = tpu.memref_slice %arg4[%add3A_53, %dma_wait3A_66] : memref<163840x16xf32, #tpu.memory_space<hbm>> -> memref<128x16xf32, #tpu.memory_space<hbm>>
          tpu.wait_dma2 semaphore(%run_scoped3A : memref<!tpu.dma_semaphore, #tpu.memory_space<semaphore_mem>>) src(%arg6 : memref<128x16xf32, #tpu.memory_space<vmem>>) dst(%dma_wait3A_67 : memref<128x16xf32, #tpu.memory_space<hbm>>)
          tpu.yield
        }) : () -> ()
        %add3A_54 = arith.constant 4 : i32
        %add3A_55 = arith.addi %scan3A_27, %add3A_54 : i32
        %lt3A = arith.constant 40 : i32
        %lt3A_56 = arith.cmpi slt, %add3A_55, %lt3A : i32
        %convert_element_type3A_57 = arith.extui %lt3A_56 : i1 to i32
        %cond3A_58 = arith.constant 0 : i32
        %cond3A_59 = arith.cmpi ne, %convert_element_type3A_57, %cond3A_58 : i32
        scf.if %cond3A_59 {
          %add3A_60 = arith.constant 4 : i32
          %add3A_61 = arith.addi %scan3A_27, %add3A_60 : i32
          %mul3A_62 = arith.constant 128 : i32
          %mul3A_63 = arith.muli %add3A_61, %mul3A_62 : i32
          %dma_start3A_64 = tpu.memref_slice %arg5[%mul3A_63] : memref<5120xi32, #tpu.memory_space<vmem>> -> memref<128xi32, #tpu.memory_space<vmem>>
          %dma_start3A_65 = arith.constant 0 : i32
          %dma_start3A_66 = arith.constant 0 : i32
          %dma_start3A_67 = tpu.memref_slice %arg2[%dma_start3A_65, %dma_start3A_66] : memref<10240x16xf32, #tpu.memory_space<hbm>> -> memref<10240x16xf32, #tpu.memory_space<hbm>>
          tpu.enqueue_indirect_dma source(%dma_start3A_67 : memref<10240x16xf32, #tpu.memory_space<hbm>>) target(%arg6 : memref<128x16xf32, #tpu.memory_space<vmem>>) offsets(%dma_start3A_64 : memref<128xi32, #tpu.memory_space<vmem>>) semaphore(%arg10 : memref<!tpu.dma_semaphore, #tpu.memory_space<semaphore_mem>>)
        } else {
        }
      } else {
      }
      %eq3A_31 = arith.constant 1 : i32
      %eq3A_32 = arith.cmpi eq, %rem3A_28, %eq3A_31 : i32
      %convert_element_type3A_33 = arith.extui %eq3A_32 : i1 to i32
      %cond3A_34 = arith.constant 0 : i32
      %cond3A_35 = arith.cmpi ne, %convert_element_type3A_33, %cond3A_34 : i32
      scf.if %cond3A_35 {
        %mul3A_46 = arith.constant 128 : i32
        %mul3A_47 = arith.muli %scan3A_27, %mul3A_46 : i32
        %dma_wait3A = tpu.memref_slice %arg5[%mul3A_47] : memref<5120xi32, #tpu.memory_space<vmem>> -> memref<128xi32, #tpu.memory_space<vmem>>
        %dma_wait3A_48 = arith.constant 0 : i32
        %dma_wait3A_49 = arith.constant 0 : i32
        %dma_wait3A_50 = tpu.memref_slice %arg2[%dma_wait3A_48, %dma_wait3A_49] : memref<10240x16xf32, #tpu.memory_space<hbm>> -> memref<10240x16xf32, #tpu.memory_space<hbm>>
        tpu.wait_indirect_dma semaphore(%arg11 : memref<!tpu.dma_semaphore, #tpu.memory_space<semaphore_mem>>) src(%dma_wait3A_50 : memref<10240x16xf32, #tpu.memory_space<hbm>>) dst(%arg7 : memref<128x16xf32, #tpu.memory_space<vmem>>)
        %mul3A_51 = arith.constant 128 : i32
        %mul3A_52 = arith.muli %scan3A_27, %mul3A_51 : i32
        %add3A_53 = arith.addi %mul3A_2, %mul3A_52 : i32
        "tpu.region"() ({
          %run_scoped3A = tpu.sem_alloc : memref<!tpu.dma_semaphore, #tpu.memory_space<semaphore_mem>>
          %dma_start3A_60 = arith.constant 0 : i32
          %dma_start3A_61 = tpu.memref_slice %arg4[%add3A_53, %dma_start3A_60] : memref<163840x16xf32, #tpu.memory_space<hbm>> -> memref<128x16xf32, #tpu.memory_space<hbm>>
          %dma_start3A_62 = arith.constant 0 : i32
          %dma_start3A_63 = tpu.memref_slice %arg4[%add3A_53, %dma_start3A_62] : memref<163840x16xf32, #tpu.memory_space<hbm>> -> memref<128x16xf32, #tpu.memory_space<hbm>>
          tpu.enqueue_dma source(%arg7 : memref<128x16xf32, #tpu.memory_space<vmem>>) target(%dma_start3A_63 : memref<128x16xf32, #tpu.memory_space<hbm>>) target_semaphore(%run_scoped3A : memref<!tpu.dma_semaphore, #tpu.memory_space<semaphore_mem>>)
          %dma_wait3A_64 = arith.constant 0 : i32
          %dma_wait3A_65 = tpu.memref_slice %arg4[%add3A_53, %dma_wait3A_64] : memref<163840x16xf32, #tpu.memory_space<hbm>> -> memref<128x16xf32, #tpu.memory_space<hbm>>
          %dma_wait3A_66 = arith.constant 0 : i32
          %dma_wait3A_67 = tpu.memref_slice %arg4[%add3A_53, %dma_wait3A_66] : memref<163840x16xf32, #tpu.memory_space<hbm>> -> memref<128x16xf32, #tpu.memory_space<hbm>>
          tpu.wait_dma2 semaphore(%run_scoped3A : memref<!tpu.dma_semaphore, #tpu.memory_space<semaphore_mem>>) src(%arg7 : memref<128x16xf32, #tpu.memory_space<vmem>>) dst(%dma_wait3A_67 : memref<128x16xf32, #tpu.memory_space<hbm>>)
          tpu.yield
        }) : () -> ()
        %add3A_54 = arith.constant 4 : i32
        %add3A_55 = arith.addi %scan3A_27, %add3A_54 : i32
        %lt3A = arith.constant 40 : i32
        %lt3A_56 = arith.cmpi slt, %add3A_55, %lt3A : i32
        %convert_element_type3A_57 = arith.extui %lt3A_56 : i1 to i32
        %cond3A_58 = arith.constant 0 : i32
        %cond3A_59 = arith.cmpi ne, %convert_element_type3A_57, %cond3A_58 : i32
        scf.if %cond3A_59 {
          %add3A_60 = arith.constant 4 : i32
          %add3A_61 = arith.addi %scan3A_27, %add3A_60 : i32
          %mul3A_62 = arith.constant 128 : i32
          %mul3A_63 = arith.muli %add3A_61, %mul3A_62 : i32
          %dma_start3A_64 = tpu.memref_slice %arg5[%mul3A_63] : memref<5120xi32, #tpu.memory_space<vmem>> -> memref<128xi32, #tpu.memory_space<vmem>>
          %dma_start3A_65 = arith.constant 0 : i32
          %dma_start3A_66 = arith.constant 0 : i32
          %dma_start3A_67 = tpu.memref_slice %arg2[%dma_start3A_65, %dma_start3A_66] : memref<10240x16xf32, #tpu.memory_space<hbm>> -> memref<10240x16xf32, #tpu.memory_space<hbm>>
          tpu.enqueue_indirect_dma source(%dma_start3A_67 : memref<10240x16xf32, #tpu.memory_space<hbm>>) target(%arg7 : memref<128x16xf32, #tpu.memory_space<vmem>>) offsets(%dma_start3A_64 : memref<128xi32, #tpu.memory_space<vmem>>) semaphore(%arg11 : memref<!tpu.dma_semaphore, #tpu.memory_space<semaphore_mem>>)
        } else {
        }
      } else {
      }
      %eq3A_36 = arith.constant 2 : i32
      %eq3A_37 = arith.cmpi eq, %rem3A_28, %eq3A_36 : i32
      %convert_element_type3A_38 = arith.extui %eq3A_37 : i1 to i32
      %cond3A_39 = arith.constant 0 : i32
      %cond3A_40 = arith.cmpi ne, %convert_element_type3A_38, %cond3A_39 : i32
      scf.if %cond3A_40 {
        %mul3A_46 = arith.constant 128 : i32
        %mul3A_47 = arith.muli %scan3A_27, %mul3A_46 : i32
        %dma_wait3A = tpu.memref_slice %arg5[%mul3A_47] : memref<5120xi32, #tpu.memory_space<vmem>> -> memref<128xi32, #tpu.memory_space<vmem>>
        %dma_wait3A_48 = arith.constant 0 : i32
        %dma_wait3A_49 = arith.constant 0 : i32
        %dma_wait3A_50 = tpu.memref_slice %arg2[%dma_wait3A_48, %dma_wait3A_49] : memref<10240x16xf32, #tpu.memory_space<hbm>> -> memref<10240x16xf32, #tpu.memory_space<hbm>>
        tpu.wait_indirect_dma semaphore(%arg12 : memref<!tpu.dma_semaphore, #tpu.memory_space<semaphore_mem>>) src(%dma_wait3A_50 : memref<10240x16xf32, #tpu.memory_space<hbm>>) dst(%arg8 : memref<128x16xf32, #tpu.memory_space<vmem>>)
        %mul3A_51 = arith.constant 128 : i32
        %mul3A_52 = arith.muli %scan3A_27, %mul3A_51 : i32
        %add3A_53 = arith.addi %mul3A_2, %mul3A_52 : i32
        "tpu.region"() ({
          %run_scoped3A = tpu.sem_alloc : memref<!tpu.dma_semaphore, #tpu.memory_space<semaphore_mem>>
          %dma_start3A_60 = arith.constant 0 : i32
          %dma_start3A_61 = tpu.memref_slice %arg4[%add3A_53, %dma_start3A_60] : memref<163840x16xf32, #tpu.memory_space<hbm>> -> memref<128x16xf32, #tpu.memory_space<hbm>>
          %dma_start3A_62 = arith.constant 0 : i32
          %dma_start3A_63 = tpu.memref_slice %arg4[%add3A_53, %dma_start3A_62] : memref<163840x16xf32, #tpu.memory_space<hbm>> -> memref<128x16xf32, #tpu.memory_space<hbm>>
          tpu.enqueue_dma source(%arg8 : memref<128x16xf32, #tpu.memory_space<vmem>>) target(%dma_start3A_63 : memref<128x16xf32, #tpu.memory_space<hbm>>) target_semaphore(%run_scoped3A : memref<!tpu.dma_semaphore, #tpu.memory_space<semaphore_mem>>)
          %dma_wait3A_64 = arith.constant 0 : i32
          %dma_wait3A_65 = tpu.memref_slice %arg4[%add3A_53, %dma_wait3A_64] : memref<163840x16xf32, #tpu.memory_space<hbm>> -> memref<128x16xf32, #tpu.memory_space<hbm>>
          %dma_wait3A_66 = arith.constant 0 : i32
          %dma_wait3A_67 = tpu.memref_slice %arg4[%add3A_53, %dma_wait3A_66] : memref<163840x16xf32, #tpu.memory_space<hbm>> -> memref<128x16xf32, #tpu.memory_space<hbm>>
          tpu.wait_dma2 semaphore(%run_scoped3A : memref<!tpu.dma_semaphore, #tpu.memory_space<semaphore_mem>>) src(%arg8 : memref<128x16xf32, #tpu.memory_space<vmem>>) dst(%dma_wait3A_67 : memref<128x16xf32, #tpu.memory_space<hbm>>)
          tpu.yield
        }) : () -> ()
        %add3A_54 = arith.constant 4 : i32
        %add3A_55 = arith.addi %scan3A_27, %add3A_54 : i32
        %lt3A = arith.constant 40 : i32
        %lt3A_56 = arith.cmpi slt, %add3A_55, %lt3A : i32
        %convert_element_type3A_57 = arith.extui %lt3A_56 : i1 to i32
        %cond3A_58 = arith.constant 0 : i32
        %cond3A_59 = arith.cmpi ne, %convert_element_type3A_57, %cond3A_58 : i32
        scf.if %cond3A_59 {
          %add3A_60 = arith.constant 4 : i32
          %add3A_61 = arith.addi %scan3A_27, %add3A_60 : i32
          %mul3A_62 = arith.constant 128 : i32
          %mul3A_63 = arith.muli %add3A_61, %mul3A_62 : i32
          %dma_start3A_64 = tpu.memref_slice %arg5[%mul3A_63] : memref<5120xi32, #tpu.memory_space<vmem>> -> memref<128xi32, #tpu.memory_space<vmem>>
          %dma_start3A_65 = arith.constant 0 : i32
          %dma_start3A_66 = arith.constant 0 : i32
          %dma_start3A_67 = tpu.memref_slice %arg2[%dma_start3A_65, %dma_start3A_66] : memref<10240x16xf32, #tpu.memory_space<hbm>> -> memref<10240x16xf32, #tpu.memory_space<hbm>>
          tpu.enqueue_indirect_dma source(%dma_start3A_67 : memref<10240x16xf32, #tpu.memory_space<hbm>>) target(%arg8 : memref<128x16xf32, #tpu.memory_space<vmem>>) offsets(%dma_start3A_64 : memref<128xi32, #tpu.memory_space<vmem>>) semaphore(%arg12 : memref<!tpu.dma_semaphore, #tpu.memory_space<semaphore_mem>>)
        } else {
        }
      } else {
      }
      %eq3A_41 = arith.constant 3 : i32
      %eq3A_42 = arith.cmpi eq, %rem3A_28, %eq3A_41 : i32
      %convert_element_type3A_43 = arith.extui %eq3A_42 : i1 to i32
      %cond3A_44 = arith.constant 0 : i32
      %cond3A_45 = arith.cmpi ne, %convert_element_type3A_43, %cond3A_44 : i32
      scf.if %cond3A_45 {
        %mul3A_46 = arith.constant 128 : i32
        %mul3A_47 = arith.muli %scan3A_27, %mul3A_46 : i32
        %dma_wait3A = tpu.memref_slice %arg5[%mul3A_47] : memref<5120xi32, #tpu.memory_space<vmem>> -> memref<128xi32, #tpu.memory_space<vmem>>
        %dma_wait3A_48 = arith.constant 0 : i32
        %dma_wait3A_49 = arith.constant 0 : i32
        %dma_wait3A_50 = tpu.memref_slice %arg2[%dma_wait3A_48, %dma_wait3A_49] : memref<10240x16xf32, #tpu.memory_space<hbm>> -> memref<10240x16xf32, #tpu.memory_space<hbm>>
        tpu.wait_indirect_dma semaphore(%arg13 : memref<!tpu.dma_semaphore, #tpu.memory_space<semaphore_mem>>) src(%dma_wait3A_50 : memref<10240x16xf32, #tpu.memory_space<hbm>>) dst(%arg9 : memref<128x16xf32, #tpu.memory_space<vmem>>)
        %mul3A_51 = arith.constant 128 : i32
        %mul3A_52 = arith.muli %scan3A_27, %mul3A_51 : i32
        %add3A_53 = arith.addi %mul3A_2, %mul3A_52 : i32
        "tpu.region"() ({
          %run_scoped3A = tpu.sem_alloc : memref<!tpu.dma_semaphore, #tpu.memory_space<semaphore_mem>>
          %dma_start3A_60 = arith.constant 0 : i32
          %dma_start3A_61 = tpu.memref_slice %arg4[%add3A_53, %dma_start3A_60] : memref<163840x16xf32, #tpu.memory_space<hbm>> -> memref<128x16xf32, #tpu.memory_space<hbm>>
          %dma_start3A_62 = arith.constant 0 : i32
          %dma_start3A_63 = tpu.memref_slice %arg4[%add3A_53, %dma_start3A_62] : memref<163840x16xf32, #tpu.memory_space<hbm>> -> memref<128x16xf32, #tpu.memory_space<hbm>>
          tpu.enqueue_dma source(%arg9 : memref<128x16xf32, #tpu.memory_space<vmem>>) target(%dma_start3A_63 : memref<128x16xf32, #tpu.memory_space<hbm>>) target_semaphore(%run_scoped3A : memref<!tpu.dma_semaphore, #tpu.memory_space<semaphore_mem>>)
          %dma_wait3A_64 = arith.constant 0 : i32
          %dma_wait3A_65 = tpu.memref_slice %arg4[%add3A_53, %dma_wait3A_64] : memref<163840x16xf32, #tpu.memory_space<hbm>> -> memref<128x16xf32, #tpu.memory_space<hbm>>
          %dma_wait3A_66 = arith.constant 0 : i32
          %dma_wait3A_67 = tpu.memref_slice %arg4[%add3A_53, %dma_wait3A_66] : memref<163840x16xf32, #tpu.memory_space<hbm>> -> memref<128x16xf32, #tpu.memory_space<hbm>>
          tpu.wait_dma2 semaphore(%run_scoped3A : memref<!tpu.dma_semaphore, #tpu.memory_space<semaphore_mem>>) src(%arg9 : memref<128x16xf32, #tpu.memory_space<vmem>>) dst(%dma_wait3A_67 : memref<128x16xf32, #tpu.memory_space<hbm>>)
          tpu.yield
        }) : () -> ()
        %add3A_54 = arith.constant 4 : i32
        %add3A_55 = arith.addi %scan3A_27, %add3A_54 : i32
        %lt3A = arith.constant 40 : i32
        %lt3A_56 = arith.cmpi slt, %add3A_55, %lt3A : i32
        %convert_element_type3A_57 = arith.extui %lt3A_56 : i1 to i32
        %cond3A_58 = arith.constant 0 : i32
        %cond3A_59 = arith.cmpi ne, %convert_element_type3A_57, %cond3A_58 : i32
        scf.if %cond3A_59 {
          %add3A_60 = arith.constant 4 : i32
          %add3A_61 = arith.addi %scan3A_27, %add3A_60 : i32
          %mul3A_62 = arith.constant 128 : i32
          %mul3A_63 = arith.muli %add3A_61, %mul3A_62 : i32
          %dma_start3A_64 = tpu.memref_slice %arg5[%mul3A_63] : memref<5120xi32, #tpu.memory_space<vmem>> -> memref<128xi32, #tpu.memory_space<vmem>>
          %dma_start3A_65 = arith.constant 0 : i32
          %dma_start3A_66 = arith.constant 0 : i32
          %dma_start3A_67 = tpu.memref_slice %arg2[%dma_start3A_65, %dma_start3A_66] : memref<10240x16xf32, #tpu.memory_space<hbm>> -> memref<10240x16xf32, #tpu.memory_space<hbm>>
          tpu.enqueue_indirect_dma source(%dma_start3A_67 : memref<10240x16xf32, #tpu.memory_space<hbm>>) target(%arg9 : memref<128x16xf32, #tpu.memory_space<vmem>>) offsets(%dma_start3A_64 : memref<128xi32, #tpu.memory_space<vmem>>) semaphore(%arg13 : memref<!tpu.dma_semaphore, #tpu.memory_space<semaphore_mem>>)
        } else {
        }
      } else {
      }
    }
    %scan3A_26 = arith.constant 40 : i32
    return
  }
}

#map = affine_map<(d0, d1) -> (0, 0)>
#map1 = affine_map<(d0, d1) -> (0)>
module attributes {stable_mosaic.version = 14 : i64} {
  func.func @k(%arg0: i32, %arg1: i32, %arg2: memref<10240x16xf32, #tpu.memory_space<hbm>>, %arg3: memref<163840xi32, #tpu.memory_space<hbm>>, %arg4: memref<163840x16xf32, #tpu.memory_space<hbm>>, %arg5: memref<5120xi32, #tpu.memory_space<vmem>>, %arg6: memref<128x16xf32, #tpu.memory_space<vmem>>, %arg7: memref<128x16xf32, #tpu.memory_space<vmem>>, %arg8: memref<128x16xf32, #tpu.memory_space<vmem>>, %arg9: memref<128x16xf32, #tpu.memory_space<vmem>>, %arg10: memref<!tpu.dma_semaphore, #tpu.memory_space<semaphore_mem>>, %arg11: memref<!tpu.dma_semaphore, #tpu.memory_space<semaphore_mem>>, %arg12: memref<!tpu.dma_semaphore, #tpu.memory_space<semaphore_mem>>, %arg13: memref<!tpu.dma_semaphore, #tpu.memory_space<semaphore_mem>>) attributes {dimension_semantics = [#tpu.dimension_semantics<core_parallel>, #tpu.dimension_semantics<subcore_parallel>], iteration_bounds = array<i64: 2, 16>, scalar_prefetch = 0 : i64, scratch_operands = 9 : i64, tpu.core_type = #tpu.core_type<sc_vector_subcore>, window_params = [{transform_indices = #map}, {transform_indices = #map1}, {transform_indices = #map}]} {
    %mul3A = arith.constant 2 : i32
    %mul3A_0 = arith.muli %arg1, %mul3A : i32
    %add3A = arith.addi %mul3A_0, %arg0 : i32
    %mul3A_1 = arith.constant 5120 : i32
    %mul3A_2 = arith.muli %add3A, %mul3A_1 : i32
    "tpu.region"() ({
      %run_scoped3A = tpu.sem_alloc : memref<!tpu.dma_semaphore, #tpu.memory_space<semaphore_mem>>
      %dma_start3A_27 = tpu.memref_slice %arg3[%mul3A_2] : memref<163840xi32, #tpu.memory_space<hbm>> -> memref<5120xi32, #tpu.memory_space<hbm>>
      %dma_start3A_28 = tpu.memref_slice %arg3[%mul3A_2] : memref<163840xi32, #tpu.memory_space<hbm>> -> memref<5120xi32, #tpu.memory_space<hbm>>
      tpu.enqueue_dma source(%dma_start3A_28 : memref<5120xi32, #tpu.memory_space<hbm>>) target(%arg5 : memref<5120xi32, #tpu.memory_space<vmem>>) target_semaphore(%run_scoped3A : memref<!tpu.dma_semaphore, #tpu.memory_space<semaphore_mem>>)
      %dma_wait3A = tpu.memref_slice %arg3[%mul3A_2] : memref<163840xi32, #tpu.memory_space<hbm>> -> memref<5120xi32, #tpu.memory_space<hbm>>
      %dma_wait3A_29 = tpu.memref_slice %arg3[%mul3A_2] : memref<163840xi32, #tpu.memory_space<hbm>> -> memref<5120xi32, #tpu.memory_space<hbm>>
      tpu.wait_dma2 semaphore(%run_scoped3A : memref<!tpu.dma_semaphore, #tpu.memory_space<semaphore_mem>>) src(%dma_wait3A_29 : memref<5120xi32, #tpu.memory_space<hbm>>) dst(%arg5 : memref<5120xi32, #tpu.memory_space<vmem>>)
      tpu.yield
    }) : () -> ()
    %dma_start3A = arith.constant 0 : i32
    %dma_start3A_3 = tpu.memref_slice %arg5[%dma_start3A] : memref<5120xi32, #tpu.memory_space<vmem>> -> memref<128xi32, #tpu.memory_space<vmem>>
    %dma_start3A_4 = arith.constant 0 : i32
    %dma_start3A_5 = arith.constant 0 : i32
    %dma_start3A_6 = tpu.memref_slice %arg2[%dma_start3A_4, %dma_start3A_5] : memref<10240x16xf32, #tpu.memory_space<hbm>> -> memref<10240x16xf32, #tpu.memory_space<hbm>>
    tpu.enqueue_indirect_dma source(%dma_start3A_6 : memref<10240x16xf32, #tpu.memory_space<hbm>>) target(%arg6 : memref<128x16xf32, #tpu.memory_space<vmem>>) offsets(%dma_start3A_3 : memref<128xi32, #tpu.memory_space<vmem>>) semaphore(%arg10 : memref<!tpu.dma_semaphore, #tpu.memory_space<semaphore_mem>>)
    %dma_start3A_7 = arith.constant 128 : i32
    %dma_start3A_8 = tpu.memref_slice %arg5[%dma_start3A_7] : memref<5120xi32, #tpu.memory_space<vmem>> -> memref<128xi32, #tpu.memory_space<vmem>>
    %dma_start3A_9 = arith.constant 0 : i32
    %dma_start3A_10 = arith.constant 0 : i32
    %dma_start3A_11 = tpu.memref_slice %arg2[%dma_start3A_9, %dma_start3A_10] : memref<10240x16xf32, #tpu.memory_space<hbm>> -> memref<10240x16xf32, #tpu.memory_space<hbm>>
    tpu.enqueue_indirect_dma source(%dma_start3A_11 : memref<10240x16xf32, #tpu.memory_space<hbm>>) target(%arg7 : memref<128x16xf32, #tpu.memory_space<vmem>>) offsets(%dma_start3A_8 : memref<128xi32, #tpu.memory_space<vmem>>) semaphore(%arg11 : memref<!tpu.dma_semaphore, #tpu.memory_space<semaphore_mem>>)
    %dma_start3A_12 = arith.constant 256 : i32
    %dma_start3A_13 = tpu.memref_slice %arg5[%dma_start3A_12] : memref<5120xi32, #tpu.memory_space<vmem>> -> memref<128xi32, #tpu.memory_space<vmem>>
    %dma_start3A_14 = arith.constant 0 : i32
    %dma_start3A_15 = arith.constant 0 : i32
    %dma_start3A_16 = tpu.memref_slice %arg2[%dma_start3A_14, %dma_start3A_15] : memref<10240x16xf32, #tpu.memory_space<hbm>> -> memref<10240x16xf32, #tpu.memory_space<hbm>>
    tpu.enqueue_indirect_dma source(%dma_start3A_16 : memref<10240x16xf32, #tpu.memory_space<hbm>>) target(%arg8 : memref<128x16xf32, #tpu.memory_space<vmem>>) offsets(%dma_start3A_13 : memref<128xi32, #tpu.memory_space<vmem>>) semaphore(%arg12 : memref<!tpu.dma_semaphore, #tpu.memory_space<semaphore_mem>>)
    %dma_start3A_17 = arith.constant 384 : i32
    %dma_start3A_18 = tpu.memref_slice %arg5[%dma_start3A_17] : memref<5120xi32, #tpu.memory_space<vmem>> -> memref<128xi32, #tpu.memory_space<vmem>>
    %dma_start3A_19 = arith.constant 0 : i32
    %dma_start3A_20 = arith.constant 0 : i32
    %dma_start3A_21 = tpu.memref_slice %arg2[%dma_start3A_19, %dma_start3A_20] : memref<10240x16xf32, #tpu.memory_space<hbm>> -> memref<10240x16xf32, #tpu.memory_space<hbm>>
    tpu.enqueue_indirect_dma source(%dma_start3A_21 : memref<10240x16xf32, #tpu.memory_space<hbm>>) target(%arg9 : memref<128x16xf32, #tpu.memory_space<vmem>>) offsets(%dma_start3A_18 : memref<128xi32, #tpu.memory_space<vmem>>) semaphore(%arg13 : memref<!tpu.dma_semaphore, #tpu.memory_space<semaphore_mem>>)
    %scan3A = arith.constant 0 : i32
    %scan3A_22 = arith.constant 0 : i32
    %scan3A_23 = arith.constant 40 : i32
    %scan3A_24 = arith.addi %scan3A_22, %scan3A_23 : i32
    %scan3A_25 = arith.constant 1 : i32
    scf.for %scan3A_27 = %scan3A_22 to %scan3A_24 step %scan3A_25  : i32 {
      %rem3A = arith.constant 4 : i32
      %rem3A_28 = arith.remsi %scan3A_27, %rem3A : i32
      %eq3A = arith.constant 0 : i32
      %eq3A_29 = arith.cmpi eq, %rem3A_28, %eq3A : i32
      %convert_element_type3A = arith.extui %eq3A_29 : i1 to i32
      %cond3A = arith.constant 0 : i32
      %cond3A_30 = arith.cmpi ne, %convert_element_type3A, %cond3A : i32
      scf.if %cond3A_30 {
        %mul3A_46 = arith.constant 128 : i32
        %mul3A_47 = arith.muli %scan3A_27, %mul3A_46 : i32
        %dma_wait3A = tpu.memref_slice %arg5[%mul3A_47] : memref<5120xi32, #tpu.memory_space<vmem>> -> memref<128xi32, #tpu.memory_space<vmem>>
        %dma_wait3A_48 = arith.constant 0 : i32
        %dma_wait3A_49 = arith.constant 0 : i32
        %dma_wait3A_50 = tpu.memref_slice %arg2[%dma_wait3A_48, %dma_wait3A_49] : memref<10240x16xf32, #tpu.memory_space<hbm>> -> memref<10240x16xf32, #tpu.memory_space<hbm>>
        tpu.wait_indirect_dma semaphore(%arg10 : memref<!tpu.dma_semaphore, #tpu.memory_space<semaphore_mem>>) src(%dma_wait3A_50 : memref<10240x16xf32, #tpu.memory_space<hbm>>) dst(%arg6 : memref<128x16xf32, #tpu.memory_space<vmem>>)
        %mul3A_51 = arith.constant 128 : i32
        %mul3A_52 = arith.muli %scan3A_27, %mul3A_51 : i32
        %add3A_53 = arith.addi %mul3A_2, %mul3A_52 : i32
        "tpu.region"() ({
          %run_scoped3A = tpu.sem_alloc : memref<!tpu.dma_semaphore, #tpu.memory_space<semaphore_mem>>
          %dma_start3A_60 = arith.constant 0 : i32
          %dma_start3A_61 = tpu.memref_slice %arg4[%add3A_53, %dma_start3A_60] : memref<163840x16xf32, #tpu.memory_space<hbm>> -> memref<128x16xf32, #tpu.memory_space<hbm>>
          %dma_start3A_62 = arith.constant 0 : i32
          %dma_start3A_63 = tpu.memref_slice %arg4[%add3A_53, %dma_start3A_62] : memref<163840x16xf32, #tpu.memory_space<hbm>> -> memref<128x16xf32, #tpu.memory_space<hbm>>
          tpu.enqueue_dma source(%arg6 : memref<128x16xf32, #tpu.memory_space<vmem>>) target(%dma_start3A_63 : memref<128x16xf32, #tpu.memory_space<hbm>>) target_semaphore(%run_scoped3A : memref<!tpu.dma_semaphore, #tpu.memory_space<semaphore_mem>>)
          %dma_wait3A_64 = arith.constant 0 : i32
          %dma_wait3A_65 = tpu.memref_slice %arg4[%add3A_53, %dma_wait3A_64] : memref<163840x16xf32, #tpu.memory_space<hbm>> -> memref<128x16xf32, #tpu.memory_space<hbm>>
          %dma_wait3A_66 = arith.constant 0 : i32
          %dma_wait3A_67 = tpu.memref_slice %arg4[%add3A_53, %dma_wait3A_66] : memref<163840x16xf32, #tpu.memory_space<hbm>> -> memref<128x16xf32, #tpu.memory_space<hbm>>
          tpu.wait_dma2 semaphore(%run_scoped3A : memref<!tpu.dma_semaphore, #tpu.memory_space<semaphore_mem>>) src(%arg6 : memref<128x16xf32, #tpu.memory_space<vmem>>) dst(%dma_wait3A_67 : memref<128x16xf32, #tpu.memory_space<hbm>>)
          tpu.yield
        }) : () -> ()
        %add3A_54 = arith.constant 4 : i32
        %add3A_55 = arith.addi %scan3A_27, %add3A_54 : i32
        %lt3A = arith.constant 40 : i32
        %lt3A_56 = arith.cmpi slt, %add3A_55, %lt3A : i32
        %convert_element_type3A_57 = arith.extui %lt3A_56 : i1 to i32
        %cond3A_58 = arith.constant 0 : i32
        %cond3A_59 = arith.cmpi ne, %convert_element_type3A_57, %cond3A_58 : i32
        scf.if %cond3A_59 {
          %add3A_60 = arith.constant 4 : i32
          %add3A_61 = arith.addi %scan3A_27, %add3A_60 : i32
          %mul3A_62 = arith.constant 128 : i32
          %mul3A_63 = arith.muli %add3A_61, %mul3A_62 : i32
          %dma_start3A_64 = tpu.memref_slice %arg5[%mul3A_63] : memref<5120xi32, #tpu.memory_space<vmem>> -> memref<128xi32, #tpu.memory_space<vmem>>
          %dma_start3A_65 = arith.constant 0 : i32
          %dma_start3A_66 = arith.constant 0 : i32
          %dma_start3A_67 = tpu.memref_slice %arg2[%dma_start3A_65, %dma_start3A_66] : memref<10240x16xf32, #tpu.memory_space<hbm>> -> memref<10240x16xf32, #tpu.memory_space<hbm>>
          tpu.enqueue_indirect_dma source(%dma_start3A_67 : memref<10240x16xf32, #tpu.memory_space<hbm>>) target(%arg6 : memref<128x16xf32, #tpu.memory_space<vmem>>) offsets(%dma_start3A_64 : memref<128xi32, #tpu.memory_space<vmem>>) semaphore(%arg10 : memref<!tpu.dma_semaphore, #tpu.memory_space<semaphore_mem>>)
        } else {
        }
      } else {
      }
      %eq3A_31 = arith.constant 1 : i32
      %eq3A_32 = arith.cmpi eq, %rem3A_28, %eq3A_31 : i32
      %convert_element_type3A_33 = arith.extui %eq3A_32 : i1 to i32
      %cond3A_34 = arith.constant 0 : i32
      %cond3A_35 = arith.cmpi ne, %convert_element_type3A_33, %cond3A_34 : i32
      scf.if %cond3A_35 {
        %mul3A_46 = arith.constant 128 : i32
        %mul3A_47 = arith.muli %scan3A_27, %mul3A_46 : i32
        %dma_wait3A = tpu.memref_slice %arg5[%mul3A_47] : memref<5120xi32, #tpu.memory_space<vmem>> -> memref<128xi32, #tpu.memory_space<vmem>>
        %dma_wait3A_48 = arith.constant 0 : i32
        %dma_wait3A_49 = arith.constant 0 : i32
        %dma_wait3A_50 = tpu.memref_slice %arg2[%dma_wait3A_48, %dma_wait3A_49] : memref<10240x16xf32, #tpu.memory_space<hbm>> -> memref<10240x16xf32, #tpu.memory_space<hbm>>
        tpu.wait_indirect_dma semaphore(%arg11 : memref<!tpu.dma_semaphore, #tpu.memory_space<semaphore_mem>>) src(%dma_wait3A_50 : memref<10240x16xf32, #tpu.memory_space<hbm>>) dst(%arg7 : memref<128x16xf32, #tpu.memory_space<vmem>>)
        %mul3A_51 = arith.constant 128 : i32
        %mul3A_52 = arith.muli %scan3A_27, %mul3A_51 : i32
        %add3A_53 = arith.addi %mul3A_2, %mul3A_52 : i32
        "tpu.region"() ({
          %run_scoped3A = tpu.sem_alloc : memref<!tpu.dma_semaphore, #tpu.memory_space<semaphore_mem>>
          %dma_start3A_60 = arith.constant 0 : i32
          %dma_start3A_61 = tpu.memref_slice %arg4[%add3A_53, %dma_start3A_60] : memref<163840x16xf32, #tpu.memory_space<hbm>> -> memref<128x16xf32, #tpu.memory_space<hbm>>
          %dma_start3A_62 = arith.constant 0 : i32
          %dma_start3A_63 = tpu.memref_slice %arg4[%add3A_53, %dma_start3A_62] : memref<163840x16xf32, #tpu.memory_space<hbm>> -> memref<128x16xf32, #tpu.memory_space<hbm>>
          tpu.enqueue_dma source(%arg7 : memref<128x16xf32, #tpu.memory_space<vmem>>) target(%dma_start3A_63 : memref<128x16xf32, #tpu.memory_space<hbm>>) target_semaphore(%run_scoped3A : memref<!tpu.dma_semaphore, #tpu.memory_space<semaphore_mem>>)
          %dma_wait3A_64 = arith.constant 0 : i32
          %dma_wait3A_65 = tpu.memref_slice %arg4[%add3A_53, %dma_wait3A_64] : memref<163840x16xf32, #tpu.memory_space<hbm>> -> memref<128x16xf32, #tpu.memory_space<hbm>>
          %dma_wait3A_66 = arith.constant 0 : i32
          %dma_wait3A_67 = tpu.memref_slice %arg4[%add3A_53, %dma_wait3A_66] : memref<163840x16xf32, #tpu.memory_space<hbm>> -> memref<128x16xf32, #tpu.memory_space<hbm>>
          tpu.wait_dma2 semaphore(%run_scoped3A : memref<!tpu.dma_semaphore, #tpu.memory_space<semaphore_mem>>) src(%arg7 : memref<128x16xf32, #tpu.memory_space<vmem>>) dst(%dma_wait3A_67 : memref<128x16xf32, #tpu.memory_space<hbm>>)
          tpu.yield
        }) : () -> ()
        %add3A_54 = arith.constant 4 : i32
        %add3A_55 = arith.addi %scan3A_27, %add3A_54 : i32
        %lt3A = arith.constant 40 : i32
        %lt3A_56 = arith.cmpi slt, %add3A_55, %lt3A : i32
        %convert_element_type3A_57 = arith.extui %lt3A_56 : i1 to i32
        %cond3A_58 = arith.constant 0 : i32
        %cond3A_59 = arith.cmpi ne, %convert_element_type3A_57, %cond3A_58 : i32
        scf.if %cond3A_59 {
          %add3A_60 = arith.constant 4 : i32
          %add3A_61 = arith.addi %scan3A_27, %add3A_60 : i32
          %mul3A_62 = arith.constant 128 : i32
          %mul3A_63 = arith.muli %add3A_61, %mul3A_62 : i32
          %dma_start3A_64 = tpu.memref_slice %arg5[%mul3A_63] : memref<5120xi32, #tpu.memory_space<vmem>> -> memref<128xi32, #tpu.memory_space<vmem>>
          %dma_start3A_65 = arith.constant 0 : i32
          %dma_start3A_66 = arith.constant 0 : i32
          %dma_start3A_67 = tpu.memref_slice %arg2[%dma_start3A_65, %dma_start3A_66] : memref<10240x16xf32, #tpu.memory_space<hbm>> -> memref<10240x16xf32, #tpu.memory_space<hbm>>
          tpu.enqueue_indirect_dma source(%dma_start3A_67 : memref<10240x16xf32, #tpu.memory_space<hbm>>) target(%arg7 : memref<128x16xf32, #tpu.memory_space<vmem>>) offsets(%dma_start3A_64 : memref<128xi32, #tpu.memory_space<vmem>>) semaphore(%arg11 : memref<!tpu.dma_semaphore, #tpu.memory_space<semaphore_mem>>)
        } else {
        }
      } else {
      }
      %eq3A_36 = arith.constant 2 : i32
      %eq3A_37 = arith.cmpi eq, %rem3A_28, %eq3A_36 : i32
      %convert_element_type3A_38 = arith.extui %eq3A_37 : i1 to i32
      %cond3A_39 = arith.constant 0 : i32
      %cond3A_40 = arith.cmpi ne, %convert_element_type3A_38, %cond3A_39 : i32
      scf.if %cond3A_40 {
        %mul3A_46 = arith.constant 128 : i32
        %mul3A_47 = arith.muli %scan3A_27, %mul3A_46 : i32
        %dma_wait3A = tpu.memref_slice %arg5[%mul3A_47] : memref<5120xi32, #tpu.memory_space<vmem>> -> memref<128xi32, #tpu.memory_space<vmem>>
        %dma_wait3A_48 = arith.constant 0 : i32
        %dma_wait3A_49 = arith.constant 0 : i32
        %dma_wait3A_50 = tpu.memref_slice %arg2[%dma_wait3A_48, %dma_wait3A_49] : memref<10240x16xf32, #tpu.memory_space<hbm>> -> memref<10240x16xf32, #tpu.memory_space<hbm>>
        tpu.wait_indirect_dma semaphore(%arg12 : memref<!tpu.dma_semaphore, #tpu.memory_space<semaphore_mem>>) src(%dma_wait3A_50 : memref<10240x16xf32, #tpu.memory_space<hbm>>) dst(%arg8 : memref<128x16xf32, #tpu.memory_space<vmem>>)
        %mul3A_51 = arith.constant 128 : i32
        %mul3A_52 = arith.muli %scan3A_27, %mul3A_51 : i32
        %add3A_53 = arith.addi %mul3A_2, %mul3A_52 : i32
        "tpu.region"() ({
          %run_scoped3A = tpu.sem_alloc : memref<!tpu.dma_semaphore, #tpu.memory_space<semaphore_mem>>
          %dma_start3A_60 = arith.constant 0 : i32
          %dma_start3A_61 = tpu.memref_slice %arg4[%add3A_53, %dma_start3A_60] : memref<163840x16xf32, #tpu.memory_space<hbm>> -> memref<128x16xf32, #tpu.memory_space<hbm>>
          %dma_start3A_62 = arith.constant 0 : i32
          %dma_start3A_63 = tpu.memref_slice %arg4[%add3A_53, %dma_start3A_62] : memref<163840x16xf32, #tpu.memory_space<hbm>> -> memref<128x16xf32, #tpu.memory_space<hbm>>
          tpu.enqueue_dma source(%arg8 : memref<128x16xf32, #tpu.memory_space<vmem>>) target(%dma_start3A_63 : memref<128x16xf32, #tpu.memory_space<hbm>>) target_semaphore(%run_scoped3A : memref<!tpu.dma_semaphore, #tpu.memory_space<semaphore_mem>>)
          %dma_wait3A_64 = arith.constant 0 : i32
          %dma_wait3A_65 = tpu.memref_slice %arg4[%add3A_53, %dma_wait3A_64] : memref<163840x16xf32, #tpu.memory_space<hbm>> -> memref<128x16xf32, #tpu.memory_space<hbm>>
          %dma_wait3A_66 = arith.constant 0 : i32
          %dma_wait3A_67 = tpu.memref_slice %arg4[%add3A_53, %dma_wait3A_66] : memref<163840x16xf32, #tpu.memory_space<hbm>> -> memref<128x16xf32, #tpu.memory_space<hbm>>
          tpu.wait_dma2 semaphore(%run_scoped3A : memref<!tpu.dma_semaphore, #tpu.memory_space<semaphore_mem>>) src(%arg8 : memref<128x16xf32, #tpu.memory_space<vmem>>) dst(%dma_wait3A_67 : memref<128x16xf32, #tpu.memory_space<hbm>>)
          tpu.yield
        }) : () -> ()
        %add3A_54 = arith.constant 4 : i32
        %add3A_55 = arith.addi %scan3A_27, %add3A_54 : i32
        %lt3A = arith.constant 40 : i32
        %lt3A_56 = arith.cmpi slt, %add3A_55, %lt3A : i32
        %convert_element_type3A_57 = arith.extui %lt3A_56 : i1 to i32
        %cond3A_58 = arith.constant 0 : i32
        %cond3A_59 = arith.cmpi ne, %convert_element_type3A_57, %cond3A_58 : i32
        scf.if %cond3A_59 {
          %add3A_60 = arith.constant 4 : i32
          %add3A_61 = arith.addi %scan3A_27, %add3A_60 : i32
          %mul3A_62 = arith.constant 128 : i32
          %mul3A_63 = arith.muli %add3A_61, %mul3A_62 : i32
          %dma_start3A_64 = tpu.memref_slice %arg5[%mul3A_63] : memref<5120xi32, #tpu.memory_space<vmem>> -> memref<128xi32, #tpu.memory_space<vmem>>
          %dma_start3A_65 = arith.constant 0 : i32
          %dma_start3A_66 = arith.constant 0 : i32
          %dma_start3A_67 = tpu.memref_slice %arg2[%dma_start3A_65, %dma_start3A_66] : memref<10240x16xf32, #tpu.memory_space<hbm>> -> memref<10240x16xf32, #tpu.memory_space<hbm>>
          tpu.enqueue_indirect_dma source(%dma_start3A_67 : memref<10240x16xf32, #tpu.memory_space<hbm>>) target(%arg8 : memref<128x16xf32, #tpu.memory_space<vmem>>) offsets(%dma_start3A_64 : memref<128xi32, #tpu.memory_space<vmem>>) semaphore(%arg12 : memref<!tpu.dma_semaphore, #tpu.memory_space<semaphore_mem>>)
        } else {
        }
      } else {
      }
      %eq3A_41 = arith.constant 3 : i32
      %eq3A_42 = arith.cmpi eq, %rem3A_28, %eq3A_41 : i32
      %convert_element_type3A_43 = arith.extui %eq3A_42 : i1 to i32
      %cond3A_44 = arith.constant 0 : i32
      %cond3A_45 = arith.cmpi ne, %convert_element_type3A_43, %cond3A_44 : i32
      scf.if %cond3A_45 {
        %mul3A_46 = arith.constant 128 : i32
        %mul3A_47 = arith.muli %scan3A_27, %mul3A_46 : i32
        %dma_wait3A = tpu.memref_slice %arg5[%mul3A_47] : memref<5120xi32, #tpu.memory_space<vmem>> -> memref<128xi32, #tpu.memory_space<vmem>>
        %dma_wait3A_48 = arith.constant 0 : i32
        %dma_wait3A_49 = arith.constant 0 : i32
        %dma_wait3A_50 = tpu.memref_slice %arg2[%dma_wait3A_48, %dma_wait3A_49] : memref<10240x16xf32, #tpu.memory_space<hbm>> -> memref<10240x16xf32, #tpu.memory_space<hbm>>
        tpu.wait_indirect_dma semaphore(%arg13 : memref<!tpu.dma_semaphore, #tpu.memory_space<semaphore_mem>>) src(%dma_wait3A_50 : memref<10240x16xf32, #tpu.memory_space<hbm>>) dst(%arg9 : memref<128x16xf32, #tpu.memory_space<vmem>>)
        %mul3A_51 = arith.constant 128 : i32
        %mul3A_52 = arith.muli %scan3A_27, %mul3A_51 : i32
        %add3A_53 = arith.addi %mul3A_2, %mul3A_52 : i32
        "tpu.region"() ({
          %run_scoped3A = tpu.sem_alloc : memref<!tpu.dma_semaphore, #tpu.memory_space<semaphore_mem>>
          %dma_start3A_60 = arith.constant 0 : i32
          %dma_start3A_61 = tpu.memref_slice %arg4[%add3A_53, %dma_start3A_60] : memref<163840x16xf32, #tpu.memory_space<hbm>> -> memref<128x16xf32, #tpu.memory_space<hbm>>
          %dma_start3A_62 = arith.constant 0 : i32
          %dma_start3A_63 = tpu.memref_slice %arg4[%add3A_53, %dma_start3A_62] : memref<163840x16xf32, #tpu.memory_space<hbm>> -> memref<128x16xf32, #tpu.memory_space<hbm>>
          tpu.enqueue_dma source(%arg9 : memref<128x16xf32, #tpu.memory_space<vmem>>) target(%dma_start3A_63 : memref<128x16xf32, #tpu.memory_space<hbm>>) target_semaphore(%run_scoped3A : memref<!tpu.dma_semaphore, #tpu.memory_space<semaphore_mem>>)
          %dma_wait3A_64 = arith.constant 0 : i32
          %dma_wait3A_65 = tpu.memref_slice %arg4[%add3A_53, %dma_wait3A_64] : memref<163840x16xf32, #tpu.memory_space<hbm>> -> memref<128x16xf32, #tpu.memory_space<hbm>>
          %dma_wait3A_66 = arith.constant 0 : i32
          %dma_wait3A_67 = tpu.memref_slice %arg4[%add3A_53, %dma_wait3A_66] : memref<163840x16xf32, #tpu.memory_space<hbm>> -> memref<128x16xf32, #tpu.memory_space<hbm>>
          tpu.wait_dma2 semaphore(%run_scoped3A : memref<!tpu.dma_semaphore, #tpu.memory_space<semaphore_mem>>) src(%arg9 : memref<128x16xf32, #tpu.memory_space<vmem>>) dst(%dma_wait3A_67 : memref<128x16xf32, #tpu.memory_space<hbm>>)
          tpu.yield
        }) : () -> ()
        %add3A_54 = arith.constant 4 : i32
        %add3A_55 = arith.addi %scan3A_27, %add3A_54 : i32
        %lt3A = arith.constant 40 : i32
        %lt3A_56 = arith.cmpi slt, %add3A_55, %lt3A : i32
        %convert_element_type3A_57 = arith.extui %lt3A_56 : i1 to i32
        %cond3A_58 = arith.constant 0 : i32
        %cond3A_59 = arith.cmpi ne, %convert_element_type3A_57, %cond3A_58 : i32
        scf.if %cond3A_59 {
          %add3A_60 = arith.constant 4 : i32
          %add3A_61 = arith.addi %scan3A_27, %add3A_60 : i32
          %mul3A_62 = arith.constant 128 : i32
          %mul3A_63 = arith.muli %add3A_61, %mul3A_62 : i32
          %dma_start3A_64 = tpu.memref_slice %arg5[%mul3A_63] : memref<5120xi32, #tpu.memory_space<vmem>> -> memref<128xi32, #tpu.memory_space<vmem>>
          %dma_start3A_65 = arith.constant 0 : i32
          %dma_start3A_66 = arith.constant 0 : i32
          %dma_start3A_67 = tpu.memref_slice %arg2[%dma_start3A_65, %dma_start3A_66] : memref<10240x16xf32, #tpu.memory_space<hbm>> -> memref<10240x16xf32, #tpu.memory_space<hbm>>
          tpu.enqueue_indirect_dma source(%dma_start3A_67 : memref<10240x16xf32, #tpu.memory_space<hbm>>) target(%arg9 : memref<128x16xf32, #tpu.memory_space<vmem>>) offsets(%dma_start3A_64 : memref<128xi32, #tpu.memory_space<vmem>>) semaphore(%arg13 : memref<!tpu.dma_semaphore, #tpu.memory_space<semaphore_mem>>)
        } else {
        }
      } else {
      }
    }
    %scan3A_26 = arith.constant 40 : i32
    return
  }
}

#map = affine_map<(d0, d1) -> (0, 0)>
#map1 = affine_map<(d0, d1) -> (0, 0, 0)>
module attributes {stable_mosaic.version = 14 : i64} {
  func.func @k(%arg0: i32, %arg1: i32, %arg2: memref<163840x32xf32, #tpu.memory_space<hbm>>, %arg3: memref<32x40x128xi32, #tpu.memory_space<hbm>>, %arg4: memref<10240x32xf32, #tpu.memory_space<hbm>>, %arg5: memref<2x10240x32xf32, #tpu.memory_space<hbm>>, %arg6: memref<40x128xi32, #tpu.memory_space<vmem>>, %arg7: memref<128x32xf32, #tpu.memory_space<vmem>>, %arg8: memref<128x32xf32, #tpu.memory_space<vmem>>, %arg9: memref<128x32xf32, #tpu.memory_space<vmem>>, %arg10: memref<128x32xf32, #tpu.memory_space<vmem>>, %arg11: memref<10240x32xf32, #tpu.memory_space<vmem_shared>>, %arg12: memref<!tpu.dma_semaphore, #tpu.memory_space<semaphore_mem>>, %arg13: memref<!tpu.dma_semaphore, #tpu.memory_space<semaphore_mem>>, %arg14: memref<!tpu.dma_semaphore, #tpu.memory_space<semaphore_mem>>, %arg15: memref<!tpu.dma_semaphore, #tpu.memory_space<semaphore_mem>>) attributes {dimension_semantics = [#tpu.dimension_semantics<core_parallel>, #tpu.dimension_semantics<subcore_parallel>], iteration_bounds = array<i64: 2, 16>, scalar_prefetch = 0 : i64, scratch_operands = 10 : i64, tpu.core_type = #tpu.core_type<sc_vector_subcore>, window_params = [{transform_indices = #map}, {transform_indices = #map1}, {transform_indices = #map}, {transform_indices = #map1}]} {
    %mul3A = arith.constant 2 : i32
    %mul3A_0 = arith.muli %arg1, %mul3A : i32
    %add3A = arith.addi %mul3A_0, %arg0 : i32
    %mul3A_1 = arith.constant 5120 : i32
    %mul3A_2 = arith.muli %add3A, %mul3A_1 : i32
    %mul3A_3 = arith.constant 640 : i32
    %mul3A_4 = arith.muli %arg1, %mul3A_3 : i32
    "tpu.region"() ({
      %run_scoped3A = tpu.sem_alloc : memref<!tpu.dma_semaphore, #tpu.memory_space<semaphore_mem>>
      %dma_start3A_34 = arith.constant 0 : i32
      %dma_start3A_35 = tpu.memref_slice %arg11[%mul3A_4, %dma_start3A_34] : memref<10240x32xf32, #tpu.memory_space<vmem_shared>> -> memref<640x32xf32, #tpu.memory_space<vmem_shared>>
      %dma_start3A_36 = arith.constant 0 : i32
      %dma_start3A_37 = tpu.memref_slice %arg4[%mul3A_4, %dma_start3A_36] : memref<10240x32xf32, #tpu.memory_space<hbm>> -> memref<640x32xf32, #tpu.memory_space<hbm>>
      tpu.enqueue_dma source(%dma_start3A_37 : memref<640x32xf32, #tpu.memory_space<hbm>>) target(%dma_start3A_35 : memref<640x32xf32, #tpu.memory_space<vmem_shared>>) target_semaphore(%run_scoped3A : memref<!tpu.dma_semaphore, #tpu.memory_space<semaphore_mem>>)
      %dma_wait3A = arith.constant 0 : i32
      %dma_wait3A_38 = tpu.memref_slice %arg11[%mul3A_4, %dma_wait3A] : memref<10240x32xf32, #tpu.memory_space<vmem_shared>> -> memref<640x32xf32, #tpu.memory_space<vmem_shared>>
      %dma_wait3A_39 = arith.constant 0 : i32
      %dma_wait3A_40 = tpu.memref_slice %arg4[%mul3A_4, %dma_wait3A_39] : memref<10240x32xf32, #tpu.memory_space<hbm>> -> memref<640x32xf32, #tpu.memory_space<hbm>>
      tpu.wait_dma2 semaphore(%run_scoped3A : memref<!tpu.dma_semaphore, #tpu.memory_space<semaphore_mem>>) src(%dma_wait3A_40 : memref<640x32xf32, #tpu.memory_space<hbm>>) dst(%dma_wait3A_38 : memref<640x32xf32, #tpu.memory_space<vmem_shared>>)
      tpu.yield
    }) : () -> ()
    "tpu.region"() ({
      %run_scoped3A = tpu.sem_alloc : memref<!tpu.dma_semaphore, #tpu.memory_space<semaphore_mem>>
      %dma_start3A_34 = arith.constant 0 : i32
      %dma_start3A_35 = arith.constant 0 : i32
      %dma_start3A_36 = tpu.memref_slice %arg3[%add3A, %dma_start3A_34, %dma_start3A_35] : memref<32x40x128xi32, #tpu.memory_space<hbm>> -> memref<1x40x128xi32, #tpu.memory_space<hbm>>
      %dma_start3A_37 = tpu.memref_squeeze %dma_start3A_36 : memref<1x40x128xi32, #tpu.memory_space<hbm>> -> memref<40x128xi32, #tpu.memory_space<hbm>>
      %dma_start3A_38 = arith.constant 0 : i32
      %dma_start3A_39 = arith.constant 0 : i32
      %dma_start3A_40 = tpu.memref_slice %arg3[%add3A, %dma_start3A_38, %dma_start3A_39] : memref<32x40x128xi32, #tpu.memory_space<hbm>> -> memref<1x40x128xi32, #tpu.memory_space<hbm>>
      %dma_start3A_41 = tpu.memref_squeeze %dma_start3A_40 : memref<1x40x128xi32, #tpu.memory_space<hbm>> -> memref<40x128xi32, #tpu.memory_space<hbm>>
      tpu.enqueue_dma source(%dma_start3A_41 : memref<40x128xi32, #tpu.memory_space<hbm>>) target(%arg6 : memref<40x128xi32, #tpu.memory_space<vmem>>) target_semaphore(%run_scoped3A : memref<!tpu.dma_semaphore, #tpu.memory_space<semaphore_mem>>)
      %dma_wait3A = arith.constant 0 : i32
      %dma_wait3A_42 = arith.constant 0 : i32
      %dma_wait3A_43 = tpu.memref_slice %arg3[%add3A, %dma_wait3A, %dma_wait3A_42] : memref<32x40x128xi32, #tpu.memory_space<hbm>> -> memref<1x40x128xi32, #tpu.memory_space<hbm>>
      %dma_wait3A_44 = tpu.memref_squeeze %dma_wait3A_43 : memref<1x40x128xi32, #tpu.memory_space<hbm>> -> memref<40x128xi32, #tpu.memory_space<hbm>>
      %dma_wait3A_45 = arith.constant 0 : i32
      %dma_wait3A_46 = arith.constant 0 : i32
      %dma_wait3A_47 = tpu.memref_slice %arg3[%add3A, %dma_wait3A_45, %dma_wait3A_46] : memref<32x40x128xi32, #tpu.memory_space<hbm>> -> memref<1x40x128xi32, #tpu.memory_space<hbm>>
      %dma_wait3A_48 = tpu.memref_squeeze %dma_wait3A_47 : memref<1x40x128xi32, #tpu.memory_space<hbm>> -> memref<40x128xi32, #tpu.memory_space<hbm>>
      tpu.wait_dma2 semaphore(%run_scoped3A : memref<!tpu.dma_semaphore, #tpu.memory_space<semaphore_mem>>) src(%dma_wait3A_48 : memref<40x128xi32, #tpu.memory_space<hbm>>) dst(%arg6 : memref<40x128xi32, #tpu.memory_space<vmem>>)
      tpu.yield
    }) : () -> ()
    %barrier3A = arith.constant 0 : index
    tpu.barrier barrier_id(%barrier3A)
    %add3A_5 = arith.constant 0 : i32
    %add3A_6 = arith.addi %mul3A_2, %add3A_5 : i32
    %dma_start3A = arith.constant 0 : i32
    %dma_start3A_7 = tpu.memref_slice %arg2[%add3A_6, %dma_start3A] : memref<163840x32xf32, #tpu.memory_space<hbm>> -> memref<128x32xf32, #tpu.memory_space<hbm>>
    %dma_start3A_8 = arith.constant 0 : i32
    %dma_start3A_9 = tpu.memref_slice %arg2[%add3A_6, %dma_start3A_8] : memref<163840x32xf32, #tpu.memory_space<hbm>> -> memref<128x32xf32, #tpu.memory_space<hbm>>
    tpu.enqueue_dma source(%dma_start3A_9 : memref<128x32xf32, #tpu.memory_space<hbm>>) target(%arg7 : memref<128x32xf32, #tpu.memory_space<vmem>>) target_semaphore(%arg12 : memref<!tpu.dma_semaphore, #tpu.memory_space<semaphore_mem>>)
    %add3A_10 = arith.constant 128 : i32
    %add3A_11 = arith.addi %mul3A_2, %add3A_10 : i32
    %dma_start3A_12 = arith.constant 0 : i32
    %dma_start3A_13 = tpu.memref_slice %arg2[%add3A_11, %dma_start3A_12] : memref<163840x32xf32, #tpu.memory_space<hbm>> -> memref<128x32xf32, #tpu.memory_space<hbm>>
    %dma_start3A_14 = arith.constant 0 : i32
    %dma_start3A_15 = tpu.memref_slice %arg2[%add3A_11, %dma_start3A_14] : memref<163840x32xf32, #tpu.memory_space<hbm>> -> memref<128x32xf32, #tpu.memory_space<hbm>>
    tpu.enqueue_dma source(%dma_start3A_15 : memref<128x32xf32, #tpu.memory_space<hbm>>) target(%arg8 : memref<128x32xf32, #tpu.memory_space<vmem>>) target_semaphore(%arg13 : memref<!tpu.dma_semaphore, #tpu.memory_space<semaphore_mem>>)
    %add3A_16 = arith.constant 256 : i32
    %add3A_17 = arith.addi %mul3A_2, %add3A_16 : i32
    %dma_start3A_18 = arith.constant 0 : i32
    %dma_start3A_19 = tpu.memref_slice %arg2[%add3A_17, %dma_start3A_18] : memref<163840x32xf32, #tpu.memory_space<hbm>> -> memref<128x32xf32, #tpu.memory_space<hbm>>
    %dma_start3A_20 = arith.constant 0 : i32
    %dma_start3A_21 = tpu.memref_slice %arg2[%add3A_17, %dma_start3A_20] : memref<163840x32xf32, #tpu.memory_space<hbm>> -> memref<128x32xf32, #tpu.memory_space<hbm>>
    tpu.enqueue_dma source(%dma_start3A_21 : memref<128x32xf32, #tpu.memory_space<hbm>>) target(%arg9 : memref<128x32xf32, #tpu.memory_space<vmem>>) target_semaphore(%arg14 : memref<!tpu.dma_semaphore, #tpu.memory_space<semaphore_mem>>)
    %add3A_22 = arith.constant 384 : i32
    %add3A_23 = arith.addi %mul3A_2, %add3A_22 : i32
    %dma_start3A_24 = arith.constant 0 : i32
    %dma_start3A_25 = tpu.memref_slice %arg2[%add3A_23, %dma_start3A_24] : memref<163840x32xf32, #tpu.memory_space<hbm>> -> memref<128x32xf32, #tpu.memory_space<hbm>>
    %dma_start3A_26 = arith.constant 0 : i32
    %dma_start3A_27 = tpu.memref_slice %arg2[%add3A_23, %dma_start3A_26] : memref<163840x32xf32, #tpu.memory_space<hbm>> -> memref<128x32xf32, #tpu.memory_space<hbm>>
    tpu.enqueue_dma source(%dma_start3A_27 : memref<128x32xf32, #tpu.memory_space<hbm>>) target(%arg10 : memref<128x32xf32, #tpu.memory_space<vmem>>) target_semaphore(%arg15 : memref<!tpu.dma_semaphore, #tpu.memory_space<semaphore_mem>>)
    %scan3A = arith.constant 0 : i32
    %scan3A_28 = arith.constant 0 : i32
    %scan3A_29 = arith.constant 40 : i32
    %scan3A_30 = arith.addi %scan3A_28, %scan3A_29 : i32
    %scan3A_31 = arith.constant 1 : i32
    scf.for %scan3A_34 = %scan3A_28 to %scan3A_30 step %scan3A_31  : i32 {
      %rem3A = arith.constant 4 : i32
      %rem3A_35 = arith.remsi %scan3A_34, %rem3A : i32
      %eq3A = arith.constant 0 : i32
      %eq3A_36 = arith.cmpi eq, %rem3A_35, %eq3A : i32
      %convert_element_type3A = arith.extui %eq3A_36 : i1 to i32
      %cond3A = arith.constant 0 : i32
      %cond3A_37 = arith.cmpi ne, %convert_element_type3A, %cond3A : i32
      scf.if %cond3A_37 {
        %mul3A_53 = arith.constant 128 : i32
        %mul3A_54 = arith.muli %scan3A_34, %mul3A_53 : i32
        %add3A_55 = arith.addi %mul3A_2, %mul3A_54 : i32
        %dma_wait3A = arith.constant 0 : i32
        %dma_wait3A_56 = tpu.memref_slice %arg2[%add3A_55, %dma_wait3A] : memref<163840x32xf32, #tpu.memory_space<hbm>> -> memref<128x32xf32, #tpu.memory_space<hbm>>
        %dma_wait3A_57 = arith.constant 0 : i32
        %dma_wait3A_58 = tpu.memref_slice %arg2[%add3A_55, %dma_wait3A_57] : memref<163840x32xf32, #tpu.memory_space<hbm>> -> memref<128x32xf32, #tpu.memory_space<hbm>>
        tpu.wait_dma2 semaphore(%arg12 : memref<!tpu.dma_semaphore, #tpu.memory_space<semaphore_mem>>) src(%dma_wait3A_58 : memref<128x32xf32, #tpu.memory_space<hbm>>) dst(%arg7 : memref<128x32xf32, #tpu.memory_space<vmem>>)
        "tpu.region"() ({
          %run_scoped3A = tpu.sem_alloc : memref<!tpu.dma_semaphore, #tpu.memory_space<semaphore_mem>>
          %dma_start3A_65 = arith.constant 0 : i32
          %dma_start3A_66 = tpu.memref_slice %arg6[%scan3A_34, %dma_start3A_65] : memref<40x128xi32, #tpu.memory_space<vmem>> -> memref<1x128xi32, #tpu.memory_space<vmem>>
          %dma_start3A_67 = tpu.memref_squeeze %dma_start3A_66 : memref<1x128xi32, #tpu.memory_space<vmem>> -> memref<128xi32, #tpu.memory_space<vmem>>
          %dma_start3A_68 = arith.constant 0 : i32
          %dma_start3A_69 = arith.constant 0 : i32
          %dma_start3A_70 = tpu.memref_slice %arg11[%dma_start3A_68, %dma_start3A_69] : memref<10240x32xf32, #tpu.memory_space<vmem_shared>> -> memref<10240x32xf32, #tpu.memory_space<vmem_shared>>
          tpu.enqueue_indirect_dma source(%arg7 : memref<128x32xf32, #tpu.memory_space<vmem>>) target(%dma_start3A_70 : memref<10240x32xf32, #tpu.memory_space<vmem_shared>>) offsets(%dma_start3A_67 : memref<128xi32, #tpu.memory_space<vmem>>) semaphore(%run_scoped3A : memref<!tpu.dma_semaphore, #tpu.memory_space<semaphore_mem>>) {add = true}
          %dma_wait3A_71 = arith.constant 0 : i32
          %dma_wait3A_72 = tpu.memref_slice %arg6[%scan3A_34, %dma_wait3A_71] : memref<40x128xi32, #tpu.memory_space<vmem>> -> memref<1x128xi32, #tpu.memory_space<vmem>>
          %dma_wait3A_73 = tpu.memref_squeeze %dma_wait3A_72 : memref<1x128xi32, #tpu.memory_space<vmem>> -> memref<128xi32, #tpu.memory_space<vmem>>
          %dma_wait3A_74 = arith.constant 0 : i32
          %dma_wait3A_75 = arith.constant 0 : i32
          %dma_wait3A_76 = tpu.memref_slice %arg11[%dma_wait3A_74, %dma_wait3A_75] : memref<10240x32xf32, #tpu.memory_space<vmem_shared>> -> memref<10240x32xf32, #tpu.memory_space<vmem_shared>>
          tpu.wait_indirect_dma semaphore(%run_scoped3A : memref<!tpu.dma_semaphore, #tpu.memory_space<semaphore_mem>>) src(%arg7 : memref<128x32xf32, #tpu.memory_space<vmem>>) dst(%dma_wait3A_76 : memref<10240x32xf32, #tpu.memory_space<vmem_shared>>)
          tpu.yield
        }) : () -> ()
        %add3A_59 = arith.constant 4 : i32
        %add3A_60 = arith.addi %scan3A_34, %add3A_59 : i32
        %lt3A = arith.constant 40 : i32
        %lt3A_61 = arith.cmpi slt, %add3A_60, %lt3A : i32
        %convert_element_type3A_62 = arith.extui %lt3A_61 : i1 to i32
        %cond3A_63 = arith.constant 0 : i32
        %cond3A_64 = arith.cmpi ne, %convert_element_type3A_62, %cond3A_63 : i32
        scf.if %cond3A_64 {
          %add3A_65 = arith.constant 4 : i32
          %add3A_66 = arith.addi %scan3A_34, %add3A_65 : i32
          %mul3A_67 = arith.constant 128 : i32
          %mul3A_68 = arith.muli %add3A_66, %mul3A_67 : i32
          %add3A_69 = arith.addi %mul3A_2, %mul3A_68 : i32
          %dma_start3A_70 = arith.constant 0 : i32
          %dma_start3A_71 = tpu.memref_slice %arg2[%add3A_69, %dma_start3A_70] : memref<163840x32xf32, #tpu.memory_space<hbm>> -> memref<128x32xf32, #tpu.memory_space<hbm>>
          %dma_start3A_72 = arith.constant 0 : i32
          %dma_start3A_73 = tpu.memref_slice %arg2[%add3A_69, %dma_start3A_72] : memref<163840x32xf32, #tpu.memory_space<hbm>> -> memref<128x32xf32, #tpu.memory_space<hbm>>
          tpu.enqueue_dma source(%dma_start3A_73 : memref<128x32xf32, #tpu.memory_space<hbm>>) target(%arg7 : memref<128x32xf32, #tpu.memory_space<vmem>>) target_semaphore(%arg12 : memref<!tpu.dma_semaphore, #tpu.memory_space<semaphore_mem>>)
        } else {
        }
      } else {
      }
      %eq3A_38 = arith.constant 1 : i32
      %eq3A_39 = arith.cmpi eq, %rem3A_35, %eq3A_38 : i32
      %convert_element_type3A_40 = arith.extui %eq3A_39 : i1 to i32
      %cond3A_41 = arith.constant 0 : i32
      %cond3A_42 = arith.cmpi ne, %convert_element_type3A_40, %cond3A_41 : i32
      scf.if %cond3A_42 {
        %mul3A_53 = arith.constant 128 : i32
        %mul3A_54 = arith.muli %scan3A_34, %mul3A_53 : i32
        %add3A_55 = arith.addi %mul3A_2, %mul3A_54 : i32
        %dma_wait3A = arith.constant 0 : i32
        %dma_wait3A_56 = tpu.memref_slice %arg2[%add3A_55, %dma_wait3A] : memref<163840x32xf32, #tpu.memory_space<hbm>> -> memref<128x32xf32, #tpu.memory_space<hbm>>
        %dma_wait3A_57 = arith.constant 0 : i32
        %dma_wait3A_58 = tpu.memref_slice %arg2[%add3A_55, %dma_wait3A_57] : memref<163840x32xf32, #tpu.memory_space<hbm>> -> memref<128x32xf32, #tpu.memory_space<hbm>>
        tpu.wait_dma2 semaphore(%arg13 : memref<!tpu.dma_semaphore, #tpu.memory_space<semaphore_mem>>) src(%dma_wait3A_58 : memref<128x32xf32, #tpu.memory_space<hbm>>) dst(%arg8 : memref<128x32xf32, #tpu.memory_space<vmem>>)
        "tpu.region"() ({
          %run_scoped3A = tpu.sem_alloc : memref<!tpu.dma_semaphore, #tpu.memory_space<semaphore_mem>>
          %dma_start3A_65 = arith.constant 0 : i32
          %dma_start3A_66 = tpu.memref_slice %arg6[%scan3A_34, %dma_start3A_65] : memref<40x128xi32, #tpu.memory_space<vmem>> -> memref<1x128xi32, #tpu.memory_space<vmem>>
          %dma_start3A_67 = tpu.memref_squeeze %dma_start3A_66 : memref<1x128xi32, #tpu.memory_space<vmem>> -> memref<128xi32, #tpu.memory_space<vmem>>
          %dma_start3A_68 = arith.constant 0 : i32
          %dma_start3A_69 = arith.constant 0 : i32
          %dma_start3A_70 = tpu.memref_slice %arg11[%dma_start3A_68, %dma_start3A_69] : memref<10240x32xf32, #tpu.memory_space<vmem_shared>> -> memref<10240x32xf32, #tpu.memory_space<vmem_shared>>
          tpu.enqueue_indirect_dma source(%arg8 : memref<128x32xf32, #tpu.memory_space<vmem>>) target(%dma_start3A_70 : memref<10240x32xf32, #tpu.memory_space<vmem_shared>>) offsets(%dma_start3A_67 : memref<128xi32, #tpu.memory_space<vmem>>) semaphore(%run_scoped3A : memref<!tpu.dma_semaphore, #tpu.memory_space<semaphore_mem>>) {add = true}
          %dma_wait3A_71 = arith.constant 0 : i32
          %dma_wait3A_72 = tpu.memref_slice %arg6[%scan3A_34, %dma_wait3A_71] : memref<40x128xi32, #tpu.memory_space<vmem>> -> memref<1x128xi32, #tpu.memory_space<vmem>>
          %dma_wait3A_73 = tpu.memref_squeeze %dma_wait3A_72 : memref<1x128xi32, #tpu.memory_space<vmem>> -> memref<128xi32, #tpu.memory_space<vmem>>
          %dma_wait3A_74 = arith.constant 0 : i32
          %dma_wait3A_75 = arith.constant 0 : i32
          %dma_wait3A_76 = tpu.memref_slice %arg11[%dma_wait3A_74, %dma_wait3A_75] : memref<10240x32xf32, #tpu.memory_space<vmem_shared>> -> memref<10240x32xf32, #tpu.memory_space<vmem_shared>>
          tpu.wait_indirect_dma semaphore(%run_scoped3A : memref<!tpu.dma_semaphore, #tpu.memory_space<semaphore_mem>>) src(%arg8 : memref<128x32xf32, #tpu.memory_space<vmem>>) dst(%dma_wait3A_76 : memref<10240x32xf32, #tpu.memory_space<vmem_shared>>)
          tpu.yield
        }) : () -> ()
        %add3A_59 = arith.constant 4 : i32
        %add3A_60 = arith.addi %scan3A_34, %add3A_59 : i32
        %lt3A = arith.constant 40 : i32
        %lt3A_61 = arith.cmpi slt, %add3A_60, %lt3A : i32
        %convert_element_type3A_62 = arith.extui %lt3A_61 : i1 to i32
        %cond3A_63 = arith.constant 0 : i32
        %cond3A_64 = arith.cmpi ne, %convert_element_type3A_62, %cond3A_63 : i32
        scf.if %cond3A_64 {
          %add3A_65 = arith.constant 4 : i32
          %add3A_66 = arith.addi %scan3A_34, %add3A_65 : i32
          %mul3A_67 = arith.constant 128 : i32
          %mul3A_68 = arith.muli %add3A_66, %mul3A_67 : i32
          %add3A_69 = arith.addi %mul3A_2, %mul3A_68 : i32
          %dma_start3A_70 = arith.constant 0 : i32
          %dma_start3A_71 = tpu.memref_slice %arg2[%add3A_69, %dma_start3A_70] : memref<163840x32xf32, #tpu.memory_space<hbm>> -> memref<128x32xf32, #tpu.memory_space<hbm>>
          %dma_start3A_72 = arith.constant 0 : i32
          %dma_start3A_73 = tpu.memref_slice %arg2[%add3A_69, %dma_start3A_72] : memref<163840x32xf32, #tpu.memory_space<hbm>> -> memref<128x32xf32, #tpu.memory_space<hbm>>
          tpu.enqueue_dma source(%dma_start3A_73 : memref<128x32xf32, #tpu.memory_space<hbm>>) target(%arg8 : memref<128x32xf32, #tpu.memory_space<vmem>>) target_semaphore(%arg13 : memref<!tpu.dma_semaphore, #tpu.memory_space<semaphore_mem>>)
        } else {
        }
      } else {
      }
      %eq3A_43 = arith.constant 2 : i32
      %eq3A_44 = arith.cmpi eq, %rem3A_35, %eq3A_43 : i32
      %convert_element_type3A_45 = arith.extui %eq3A_44 : i1 to i32
      %cond3A_46 = arith.constant 0 : i32
      %cond3A_47 = arith.cmpi ne, %convert_element_type3A_45, %cond3A_46 : i32
      scf.if %cond3A_47 {
        %mul3A_53 = arith.constant 128 : i32
        %mul3A_54 = arith.muli %scan3A_34, %mul3A_53 : i32
        %add3A_55 = arith.addi %mul3A_2, %mul3A_54 : i32
        %dma_wait3A = arith.constant 0 : i32
        %dma_wait3A_56 = tpu.memref_slice %arg2[%add3A_55, %dma_wait3A] : memref<163840x32xf32, #tpu.memory_space<hbm>> -> memref<128x32xf32, #tpu.memory_space<hbm>>
        %dma_wait3A_57 = arith.constant 0 : i32
        %dma_wait3A_58 = tpu.memref_slice %arg2[%add3A_55, %dma_wait3A_57] : memref<163840x32xf32, #tpu.memory_space<hbm>> -> memref<128x32xf32, #tpu.memory_space<hbm>>
        tpu.wait_dma2 semaphore(%arg14 : memref<!tpu.dma_semaphore, #tpu.memory_space<semaphore_mem>>) src(%dma_wait3A_58 : memref<128x32xf32, #tpu.memory_space<hbm>>) dst(%arg9 : memref<128x32xf32, #tpu.memory_space<vmem>>)
        "tpu.region"() ({
          %run_scoped3A = tpu.sem_alloc : memref<!tpu.dma_semaphore, #tpu.memory_space<semaphore_mem>>
          %dma_start3A_65 = arith.constant 0 : i32
          %dma_start3A_66 = tpu.memref_slice %arg6[%scan3A_34, %dma_start3A_65] : memref<40x128xi32, #tpu.memory_space<vmem>> -> memref<1x128xi32, #tpu.memory_space<vmem>>
          %dma_start3A_67 = tpu.memref_squeeze %dma_start3A_66 : memref<1x128xi32, #tpu.memory_space<vmem>> -> memref<128xi32, #tpu.memory_space<vmem>>
          %dma_start3A_68 = arith.constant 0 : i32
          %dma_start3A_69 = arith.constant 0 : i32
          %dma_start3A_70 = tpu.memref_slice %arg11[%dma_start3A_68, %dma_start3A_69] : memref<10240x32xf32, #tpu.memory_space<vmem_shared>> -> memref<10240x32xf32, #tpu.memory_space<vmem_shared>>
          tpu.enqueue_indirect_dma source(%arg9 : memref<128x32xf32, #tpu.memory_space<vmem>>) target(%dma_start3A_70 : memref<10240x32xf32, #tpu.memory_space<vmem_shared>>) offsets(%dma_start3A_67 : memref<128xi32, #tpu.memory_space<vmem>>) semaphore(%run_scoped3A : memref<!tpu.dma_semaphore, #tpu.memory_space<semaphore_mem>>) {add = true}
          %dma_wait3A_71 = arith.constant 0 : i32
          %dma_wait3A_72 = tpu.memref_slice %arg6[%scan3A_34, %dma_wait3A_71] : memref<40x128xi32, #tpu.memory_space<vmem>> -> memref<1x128xi32, #tpu.memory_space<vmem>>
          %dma_wait3A_73 = tpu.memref_squeeze %dma_wait3A_72 : memref<1x128xi32, #tpu.memory_space<vmem>> -> memref<128xi32, #tpu.memory_space<vmem>>
          %dma_wait3A_74 = arith.constant 0 : i32
          %dma_wait3A_75 = arith.constant 0 : i32
          %dma_wait3A_76 = tpu.memref_slice %arg11[%dma_wait3A_74, %dma_wait3A_75] : memref<10240x32xf32, #tpu.memory_space<vmem_shared>> -> memref<10240x32xf32, #tpu.memory_space<vmem_shared>>
          tpu.wait_indirect_dma semaphore(%run_scoped3A : memref<!tpu.dma_semaphore, #tpu.memory_space<semaphore_mem>>) src(%arg9 : memref<128x32xf32, #tpu.memory_space<vmem>>) dst(%dma_wait3A_76 : memref<10240x32xf32, #tpu.memory_space<vmem_shared>>)
          tpu.yield
        }) : () -> ()
        %add3A_59 = arith.constant 4 : i32
        %add3A_60 = arith.addi %scan3A_34, %add3A_59 : i32
        %lt3A = arith.constant 40 : i32
        %lt3A_61 = arith.cmpi slt, %add3A_60, %lt3A : i32
        %convert_element_type3A_62 = arith.extui %lt3A_61 : i1 to i32
        %cond3A_63 = arith.constant 0 : i32
        %cond3A_64 = arith.cmpi ne, %convert_element_type3A_62, %cond3A_63 : i32
        scf.if %cond3A_64 {
          %add3A_65 = arith.constant 4 : i32
          %add3A_66 = arith.addi %scan3A_34, %add3A_65 : i32
          %mul3A_67 = arith.constant 128 : i32
          %mul3A_68 = arith.muli %add3A_66, %mul3A_67 : i32
          %add3A_69 = arith.addi %mul3A_2, %mul3A_68 : i32
          %dma_start3A_70 = arith.constant 0 : i32
          %dma_start3A_71 = tpu.memref_slice %arg2[%add3A_69, %dma_start3A_70] : memref<163840x32xf32, #tpu.memory_space<hbm>> -> memref<128x32xf32, #tpu.memory_space<hbm>>
          %dma_start3A_72 = arith.constant 0 : i32
          %dma_start3A_73 = tpu.memref_slice %arg2[%add3A_69, %dma_start3A_72] : memref<163840x32xf32, #tpu.memory_space<hbm>> -> memref<128x32xf32, #tpu.memory_space<hbm>>
          tpu.enqueue_dma source(%dma_start3A_73 : memref<128x32xf32, #tpu.memory_space<hbm>>) target(%arg9 : memref<128x32xf32, #tpu.memory_space<vmem>>) target_semaphore(%arg14 : memref<!tpu.dma_semaphore, #tpu.memory_space<semaphore_mem>>)
        } else {
        }
      } else {
      }
      %eq3A_48 = arith.constant 3 : i32
      %eq3A_49 = arith.cmpi eq, %rem3A_35, %eq3A_48 : i32
      %convert_element_type3A_50 = arith.extui %eq3A_49 : i1 to i32
      %cond3A_51 = arith.constant 0 : i32
      %cond3A_52 = arith.cmpi ne, %convert_element_type3A_50, %cond3A_51 : i32
      scf.if %cond3A_52 {
        %mul3A_53 = arith.constant 128 : i32
        %mul3A_54 = arith.muli %scan3A_34, %mul3A_53 : i32
        %add3A_55 = arith.addi %mul3A_2, %mul3A_54 : i32
        %dma_wait3A = arith.constant 0 : i32
        %dma_wait3A_56 = tpu.memref_slice %arg2[%add3A_55, %dma_wait3A] : memref<163840x32xf32, #tpu.memory_space<hbm>> -> memref<128x32xf32, #tpu.memory_space<hbm>>
        %dma_wait3A_57 = arith.constant 0 : i32
        %dma_wait3A_58 = tpu.memref_slice %arg2[%add3A_55, %dma_wait3A_57] : memref<163840x32xf32, #tpu.memory_space<hbm>> -> memref<128x32xf32, #tpu.memory_space<hbm>>
        tpu.wait_dma2 semaphore(%arg15 : memref<!tpu.dma_semaphore, #tpu.memory_space<semaphore_mem>>) src(%dma_wait3A_58 : memref<128x32xf32, #tpu.memory_space<hbm>>) dst(%arg10 : memref<128x32xf32, #tpu.memory_space<vmem>>)
        "tpu.region"() ({
          %run_scoped3A = tpu.sem_alloc : memref<!tpu.dma_semaphore, #tpu.memory_space<semaphore_mem>>
          %dma_start3A_65 = arith.constant 0 : i32
          %dma_start3A_66 = tpu.memref_slice %arg6[%scan3A_34, %dma_start3A_65] : memref<40x128xi32, #tpu.memory_space<vmem>> -> memref<1x128xi32, #tpu.memory_space<vmem>>
          %dma_start3A_67 = tpu.memref_squeeze %dma_start3A_66 : memref<1x128xi32, #tpu.memory_space<vmem>> -> memref<128xi32, #tpu.memory_space<vmem>>
          %dma_start3A_68 = arith.constant 0 : i32
          %dma_start3A_69 = arith.constant 0 : i32
          %dma_start3A_70 = tpu.memref_slice %arg11[%dma_start3A_68, %dma_start3A_69] : memref<10240x32xf32, #tpu.memory_space<vmem_shared>> -> memref<10240x32xf32, #tpu.memory_space<vmem_shared>>
          tpu.enqueue_indirect_dma source(%arg10 : memref<128x32xf32, #tpu.memory_space<vmem>>) target(%dma_start3A_70 : memref<10240x32xf32, #tpu.memory_space<vmem_shared>>) offsets(%dma_start3A_67 : memref<128xi32, #tpu.memory_space<vmem>>) semaphore(%run_scoped3A : memref<!tpu.dma_semaphore, #tpu.memory_space<semaphore_mem>>) {add = true}
          %dma_wait3A_71 = arith.constant 0 : i32
          %dma_wait3A_72 = tpu.memref_slice %arg6[%scan3A_34, %dma_wait3A_71] : memref<40x128xi32, #tpu.memory_space<vmem>> -> memref<1x128xi32, #tpu.memory_space<vmem>>
          %dma_wait3A_73 = tpu.memref_squeeze %dma_wait3A_72 : memref<1x128xi32, #tpu.memory_space<vmem>> -> memref<128xi32, #tpu.memory_space<vmem>>
          %dma_wait3A_74 = arith.constant 0 : i32
          %dma_wait3A_75 = arith.constant 0 : i32
          %dma_wait3A_76 = tpu.memref_slice %arg11[%dma_wait3A_74, %dma_wait3A_75] : memref<10240x32xf32, #tpu.memory_space<vmem_shared>> -> memref<10240x32xf32, #tpu.memory_space<vmem_shared>>
          tpu.wait_indirect_dma semaphore(%run_scoped3A : memref<!tpu.dma_semaphore, #tpu.memory_space<semaphore_mem>>) src(%arg10 : memref<128x32xf32, #tpu.memory_space<vmem>>) dst(%dma_wait3A_76 : memref<10240x32xf32, #tpu.memory_space<vmem_shared>>)
          tpu.yield
        }) : () -> ()
        %add3A_59 = arith.constant 4 : i32
        %add3A_60 = arith.addi %scan3A_34, %add3A_59 : i32
        %lt3A = arith.constant 40 : i32
        %lt3A_61 = arith.cmpi slt, %add3A_60, %lt3A : i32
        %convert_element_type3A_62 = arith.extui %lt3A_61 : i1 to i32
        %cond3A_63 = arith.constant 0 : i32
        %cond3A_64 = arith.cmpi ne, %convert_element_type3A_62, %cond3A_63 : i32
        scf.if %cond3A_64 {
          %add3A_65 = arith.constant 4 : i32
          %add3A_66 = arith.addi %scan3A_34, %add3A_65 : i32
          %mul3A_67 = arith.constant 128 : i32
          %mul3A_68 = arith.muli %add3A_66, %mul3A_67 : i32
          %add3A_69 = arith.addi %mul3A_2, %mul3A_68 : i32
          %dma_start3A_70 = arith.constant 0 : i32
          %dma_start3A_71 = tpu.memref_slice %arg2[%add3A_69, %dma_start3A_70] : memref<163840x32xf32, #tpu.memory_space<hbm>> -> memref<128x32xf32, #tpu.memory_space<hbm>>
          %dma_start3A_72 = arith.constant 0 : i32
          %dma_start3A_73 = tpu.memref_slice %arg2[%add3A_69, %dma_start3A_72] : memref<163840x32xf32, #tpu.memory_space<hbm>> -> memref<128x32xf32, #tpu.memory_space<hbm>>
          tpu.enqueue_dma source(%dma_start3A_73 : memref<128x32xf32, #tpu.memory_space<hbm>>) target(%arg10 : memref<128x32xf32, #tpu.memory_space<vmem>>) target_semaphore(%arg15 : memref<!tpu.dma_semaphore, #tpu.memory_space<semaphore_mem>>)
        } else {
        }
      } else {
      }
    }
    %scan3A_32 = arith.constant 40 : i32
    %barrier3A_33 = arith.constant 0 : index
    tpu.barrier barrier_id(%barrier3A_33)
    "tpu.region"() ({
      %run_scoped3A = tpu.sem_alloc : memref<!tpu.dma_semaphore, #tpu.memory_space<semaphore_mem>>
      %dma_start3A_34 = arith.constant 0 : i32
      %dma_start3A_35 = tpu.memref_slice %arg5[%arg0, %mul3A_4, %dma_start3A_34] : memref<2x10240x32xf32, #tpu.memory_space<hbm>> -> memref<1x640x32xf32, #tpu.memory_space<hbm>>
      %dma_start3A_36 = tpu.memref_squeeze %dma_start3A_35 : memref<1x640x32xf32, #tpu.memory_space<hbm>> -> memref<640x32xf32, #tpu.memory_space<hbm>>
      %dma_start3A_37 = arith.constant 0 : i32
      %dma_start3A_38 = tpu.memref_slice %arg11[%mul3A_4, %dma_start3A_37] : memref<10240x32xf32, #tpu.memory_space<vmem_shared>> -> memref<640x32xf32, #tpu.memory_space<vmem_shared>>
      tpu.enqueue_dma source(%dma_start3A_38 : memref<640x32xf32, #tpu.memory_space<vmem_shared>>) target(%dma_start3A_36 : memref<640x32xf32, #tpu.memory_space<hbm>>) target_semaphore(%run_scoped3A : memref<!tpu.dma_semaphore, #tpu.memory_space<semaphore_mem>>)
      %dma_wait3A = arith.constant 0 : i32
      %dma_wait3A_39 = tpu.memref_slice %arg5[%arg0, %mul3A_4, %dma_wait3A] : memref<2x10240x32xf32, #tpu.memory_space<hbm>> -> memref<1x640x32xf32, #tpu.memory_space<hbm>>
      %dma_wait3A_40 = tpu.memref_squeeze %dma_wait3A_39 : memref<1x640x32xf32, #tpu.memory_space<hbm>> -> memref<640x32xf32, #tpu.memory_space<hbm>>
      %dma_wait3A_41 = arith.constant 0 : i32
      %dma_wait3A_42 = tpu.memref_slice %arg11[%mul3A_4, %dma_wait3A_41] : memref<10240x32xf32, #tpu.memory_space<vmem_shared>> -> memref<640x32xf32, #tpu.memory_space<vmem_shared>>
      tpu.wait_dma2 semaphore(%run_scoped3A : memref<!tpu.dma_semaphore, #tpu.memory_space<semaphore_mem>>) src(%dma_wait3A_42 : memref<640x32xf32, #tpu.memory_space<vmem_shared>>) dst(%dma_wait3A_40 : memref<640x32xf32, #tpu.memory_space<hbm>>)
      tpu.yield
    }) : () -> ()
    return
  }
}

#map = affine_map<(d0, d1) -> (0, 0)>
#map1 = affine_map<(d0, d1) -> (0, 0, 0)>
module attributes {stable_mosaic.version = 14 : i64} {
  func.func @k(%arg0: i32, %arg1: i32, %arg2: memref<163840x32xf32, #tpu.memory_space<hbm>>, %arg3: memref<32x40x128xi32, #tpu.memory_space<hbm>>, %arg4: memref<10240x32xf32, #tpu.memory_space<hbm>>, %arg5: memref<2x10240x32xf32, #tpu.memory_space<hbm>>, %arg6: memref<40x128xi32, #tpu.memory_space<vmem>>, %arg7: memref<128x32xf32, #tpu.memory_space<vmem>>, %arg8: memref<128x32xf32, #tpu.memory_space<vmem>>, %arg9: memref<128x32xf32, #tpu.memory_space<vmem>>, %arg10: memref<128x32xf32, #tpu.memory_space<vmem>>, %arg11: memref<10240x32xf32, #tpu.memory_space<vmem_shared>>, %arg12: memref<!tpu.dma_semaphore, #tpu.memory_space<semaphore_mem>>, %arg13: memref<!tpu.dma_semaphore, #tpu.memory_space<semaphore_mem>>, %arg14: memref<!tpu.dma_semaphore, #tpu.memory_space<semaphore_mem>>, %arg15: memref<!tpu.dma_semaphore, #tpu.memory_space<semaphore_mem>>) attributes {dimension_semantics = [#tpu.dimension_semantics<core_parallel>, #tpu.dimension_semantics<subcore_parallel>], iteration_bounds = array<i64: 2, 16>, scalar_prefetch = 0 : i64, scratch_operands = 10 : i64, tpu.core_type = #tpu.core_type<sc_vector_subcore>, window_params = [{transform_indices = #map}, {transform_indices = #map1}, {transform_indices = #map}, {transform_indices = #map1}]} {
    %mul3A = arith.constant 2 : i32
    %mul3A_0 = arith.muli %arg1, %mul3A : i32
    %add3A = arith.addi %mul3A_0, %arg0 : i32
    %mul3A_1 = arith.constant 5120 : i32
    %mul3A_2 = arith.muli %add3A, %mul3A_1 : i32
    %mul3A_3 = arith.constant 640 : i32
    %mul3A_4 = arith.muli %arg1, %mul3A_3 : i32
    "tpu.region"() ({
      %run_scoped3A = tpu.sem_alloc : memref<!tpu.dma_semaphore, #tpu.memory_space<semaphore_mem>>
      %dma_start3A_34 = arith.constant 0 : i32
      %dma_start3A_35 = tpu.memref_slice %arg11[%mul3A_4, %dma_start3A_34] : memref<10240x32xf32, #tpu.memory_space<vmem_shared>> -> memref<640x32xf32, #tpu.memory_space<vmem_shared>>
      %dma_start3A_36 = arith.constant 0 : i32
      %dma_start3A_37 = tpu.memref_slice %arg4[%mul3A_4, %dma_start3A_36] : memref<10240x32xf32, #tpu.memory_space<hbm>> -> memref<640x32xf32, #tpu.memory_space<hbm>>
      tpu.enqueue_dma source(%dma_start3A_37 : memref<640x32xf32, #tpu.memory_space<hbm>>) target(%dma_start3A_35 : memref<640x32xf32, #tpu.memory_space<vmem_shared>>) target_semaphore(%run_scoped3A : memref<!tpu.dma_semaphore, #tpu.memory_space<semaphore_mem>>)
      %dma_wait3A = arith.constant 0 : i32
      %dma_wait3A_38 = tpu.memref_slice %arg11[%mul3A_4, %dma_wait3A] : memref<10240x32xf32, #tpu.memory_space<vmem_shared>> -> memref<640x32xf32, #tpu.memory_space<vmem_shared>>
      %dma_wait3A_39 = arith.constant 0 : i32
      %dma_wait3A_40 = tpu.memref_slice %arg4[%mul3A_4, %dma_wait3A_39] : memref<10240x32xf32, #tpu.memory_space<hbm>> -> memref<640x32xf32, #tpu.memory_space<hbm>>
      tpu.wait_dma2 semaphore(%run_scoped3A : memref<!tpu.dma_semaphore, #tpu.memory_space<semaphore_mem>>) src(%dma_wait3A_40 : memref<640x32xf32, #tpu.memory_space<hbm>>) dst(%dma_wait3A_38 : memref<640x32xf32, #tpu.memory_space<vmem_shared>>)
      tpu.yield
    }) : () -> ()
    "tpu.region"() ({
      %run_scoped3A = tpu.sem_alloc : memref<!tpu.dma_semaphore, #tpu.memory_space<semaphore_mem>>
      %dma_start3A_34 = arith.constant 0 : i32
      %dma_start3A_35 = arith.constant 0 : i32
      %dma_start3A_36 = tpu.memref_slice %arg3[%add3A, %dma_start3A_34, %dma_start3A_35] : memref<32x40x128xi32, #tpu.memory_space<hbm>> -> memref<1x40x128xi32, #tpu.memory_space<hbm>>
      %dma_start3A_37 = tpu.memref_squeeze %dma_start3A_36 : memref<1x40x128xi32, #tpu.memory_space<hbm>> -> memref<40x128xi32, #tpu.memory_space<hbm>>
      %dma_start3A_38 = arith.constant 0 : i32
      %dma_start3A_39 = arith.constant 0 : i32
      %dma_start3A_40 = tpu.memref_slice %arg3[%add3A, %dma_start3A_38, %dma_start3A_39] : memref<32x40x128xi32, #tpu.memory_space<hbm>> -> memref<1x40x128xi32, #tpu.memory_space<hbm>>
      %dma_start3A_41 = tpu.memref_squeeze %dma_start3A_40 : memref<1x40x128xi32, #tpu.memory_space<hbm>> -> memref<40x128xi32, #tpu.memory_space<hbm>>
      tpu.enqueue_dma source(%dma_start3A_41 : memref<40x128xi32, #tpu.memory_space<hbm>>) target(%arg6 : memref<40x128xi32, #tpu.memory_space<vmem>>) target_semaphore(%run_scoped3A : memref<!tpu.dma_semaphore, #tpu.memory_space<semaphore_mem>>)
      %dma_wait3A = arith.constant 0 : i32
      %dma_wait3A_42 = arith.constant 0 : i32
      %dma_wait3A_43 = tpu.memref_slice %arg3[%add3A, %dma_wait3A, %dma_wait3A_42] : memref<32x40x128xi32, #tpu.memory_space<hbm>> -> memref<1x40x128xi32, #tpu.memory_space<hbm>>
      %dma_wait3A_44 = tpu.memref_squeeze %dma_wait3A_43 : memref<1x40x128xi32, #tpu.memory_space<hbm>> -> memref<40x128xi32, #tpu.memory_space<hbm>>
      %dma_wait3A_45 = arith.constant 0 : i32
      %dma_wait3A_46 = arith.constant 0 : i32
      %dma_wait3A_47 = tpu.memref_slice %arg3[%add3A, %dma_wait3A_45, %dma_wait3A_46] : memref<32x40x128xi32, #tpu.memory_space<hbm>> -> memref<1x40x128xi32, #tpu.memory_space<hbm>>
      %dma_wait3A_48 = tpu.memref_squeeze %dma_wait3A_47 : memref<1x40x128xi32, #tpu.memory_space<hbm>> -> memref<40x128xi32, #tpu.memory_space<hbm>>
      tpu.wait_dma2 semaphore(%run_scoped3A : memref<!tpu.dma_semaphore, #tpu.memory_space<semaphore_mem>>) src(%dma_wait3A_48 : memref<40x128xi32, #tpu.memory_space<hbm>>) dst(%arg6 : memref<40x128xi32, #tpu.memory_space<vmem>>)
      tpu.yield
    }) : () -> ()
    %barrier3A = arith.constant 0 : index
    tpu.barrier barrier_id(%barrier3A)
    %add3A_5 = arith.constant 0 : i32
    %add3A_6 = arith.addi %mul3A_2, %add3A_5 : i32
    %dma_start3A = arith.constant 0 : i32
    %dma_start3A_7 = tpu.memref_slice %arg2[%add3A_6, %dma_start3A] : memref<163840x32xf32, #tpu.memory_space<hbm>> -> memref<128x32xf32, #tpu.memory_space<hbm>>
    %dma_start3A_8 = arith.constant 0 : i32
    %dma_start3A_9 = tpu.memref_slice %arg2[%add3A_6, %dma_start3A_8] : memref<163840x32xf32, #tpu.memory_space<hbm>> -> memref<128x32xf32, #tpu.memory_space<hbm>>
    tpu.enqueue_dma source(%dma_start3A_9 : memref<128x32xf32, #tpu.memory_space<hbm>>) target(%arg7 : memref<128x32xf32, #tpu.memory_space<vmem>>) target_semaphore(%arg12 : memref<!tpu.dma_semaphore, #tpu.memory_space<semaphore_mem>>)
    %add3A_10 = arith.constant 128 : i32
    %add3A_11 = arith.addi %mul3A_2, %add3A_10 : i32
    %dma_start3A_12 = arith.constant 0 : i32
    %dma_start3A_13 = tpu.memref_slice %arg2[%add3A_11, %dma_start3A_12] : memref<163840x32xf32, #tpu.memory_space<hbm>> -> memref<128x32xf32, #tpu.memory_space<hbm>>
    %dma_start3A_14 = arith.constant 0 : i32
    %dma_start3A_15 = tpu.memref_slice %arg2[%add3A_11, %dma_start3A_14] : memref<163840x32xf32, #tpu.memory_space<hbm>> -> memref<128x32xf32, #tpu.memory_space<hbm>>
    tpu.enqueue_dma source(%dma_start3A_15 : memref<128x32xf32, #tpu.memory_space<hbm>>) target(%arg8 : memref<128x32xf32, #tpu.memory_space<vmem>>) target_semaphore(%arg13 : memref<!tpu.dma_semaphore, #tpu.memory_space<semaphore_mem>>)
    %add3A_16 = arith.constant 256 : i32
    %add3A_17 = arith.addi %mul3A_2, %add3A_16 : i32
    %dma_start3A_18 = arith.constant 0 : i32
    %dma_start3A_19 = tpu.memref_slice %arg2[%add3A_17, %dma_start3A_18] : memref<163840x32xf32, #tpu.memory_space<hbm>> -> memref<128x32xf32, #tpu.memory_space<hbm>>
    %dma_start3A_20 = arith.constant 0 : i32
    %dma_start3A_21 = tpu.memref_slice %arg2[%add3A_17, %dma_start3A_20] : memref<163840x32xf32, #tpu.memory_space<hbm>> -> memref<128x32xf32, #tpu.memory_space<hbm>>
    tpu.enqueue_dma source(%dma_start3A_21 : memref<128x32xf32, #tpu.memory_space<hbm>>) target(%arg9 : memref<128x32xf32, #tpu.memory_space<vmem>>) target_semaphore(%arg14 : memref<!tpu.dma_semaphore, #tpu.memory_space<semaphore_mem>>)
    %add3A_22 = arith.constant 384 : i32
    %add3A_23 = arith.addi %mul3A_2, %add3A_22 : i32
    %dma_start3A_24 = arith.constant 0 : i32
    %dma_start3A_25 = tpu.memref_slice %arg2[%add3A_23, %dma_start3A_24] : memref<163840x32xf32, #tpu.memory_space<hbm>> -> memref<128x32xf32, #tpu.memory_space<hbm>>
    %dma_start3A_26 = arith.constant 0 : i32
    %dma_start3A_27 = tpu.memref_slice %arg2[%add3A_23, %dma_start3A_26] : memref<163840x32xf32, #tpu.memory_space<hbm>> -> memref<128x32xf32, #tpu.memory_space<hbm>>
    tpu.enqueue_dma source(%dma_start3A_27 : memref<128x32xf32, #tpu.memory_space<hbm>>) target(%arg10 : memref<128x32xf32, #tpu.memory_space<vmem>>) target_semaphore(%arg15 : memref<!tpu.dma_semaphore, #tpu.memory_space<semaphore_mem>>)
    %scan3A = arith.constant 0 : i32
    %scan3A_28 = arith.constant 0 : i32
    %scan3A_29 = arith.constant 40 : i32
    %scan3A_30 = arith.addi %scan3A_28, %scan3A_29 : i32
    %scan3A_31 = arith.constant 1 : i32
    scf.for %scan3A_34 = %scan3A_28 to %scan3A_30 step %scan3A_31  : i32 {
      %rem3A = arith.constant 4 : i32
      %rem3A_35 = arith.remsi %scan3A_34, %rem3A : i32
      %eq3A = arith.constant 0 : i32
      %eq3A_36 = arith.cmpi eq, %rem3A_35, %eq3A : i32
      %convert_element_type3A = arith.extui %eq3A_36 : i1 to i32
      %cond3A = arith.constant 0 : i32
      %cond3A_37 = arith.cmpi ne, %convert_element_type3A, %cond3A : i32
      scf.if %cond3A_37 {
        %mul3A_53 = arith.constant 128 : i32
        %mul3A_54 = arith.muli %scan3A_34, %mul3A_53 : i32
        %add3A_55 = arith.addi %mul3A_2, %mul3A_54 : i32
        %dma_wait3A = arith.constant 0 : i32
        %dma_wait3A_56 = tpu.memref_slice %arg2[%add3A_55, %dma_wait3A] : memref<163840x32xf32, #tpu.memory_space<hbm>> -> memref<128x32xf32, #tpu.memory_space<hbm>>
        %dma_wait3A_57 = arith.constant 0 : i32
        %dma_wait3A_58 = tpu.memref_slice %arg2[%add3A_55, %dma_wait3A_57] : memref<163840x32xf32, #tpu.memory_space<hbm>> -> memref<128x32xf32, #tpu.memory_space<hbm>>
        tpu.wait_dma2 semaphore(%arg12 : memref<!tpu.dma_semaphore, #tpu.memory_space<semaphore_mem>>) src(%dma_wait3A_58 : memref<128x32xf32, #tpu.memory_space<hbm>>) dst(%arg7 : memref<128x32xf32, #tpu.memory_space<vmem>>)
        "tpu.region"() ({
          %run_scoped3A = tpu.sem_alloc : memref<!tpu.dma_semaphore, #tpu.memory_space<semaphore_mem>>
          %dma_start3A_65 = arith.constant 0 : i32
          %dma_start3A_66 = tpu.memref_slice %arg6[%scan3A_34, %dma_start3A_65] : memref<40x128xi32, #tpu.memory_space<vmem>> -> memref<1x128xi32, #tpu.memory_space<vmem>>
          %dma_start3A_67 = tpu.memref_squeeze %dma_start3A_66 : memref<1x128xi32, #tpu.memory_space<vmem>> -> memref<128xi32, #tpu.memory_space<vmem>>
          %dma_start3A_68 = arith.constant 0 : i32
          %dma_start3A_69 = arith.constant 0 : i32
          %dma_start3A_70 = tpu.memref_slice %arg11[%dma_start3A_68, %dma_start3A_69] : memref<10240x32xf32, #tpu.memory_space<vmem_shared>> -> memref<10240x32xf32, #tpu.memory_space<vmem_shared>>
          tpu.enqueue_indirect_dma source(%arg7 : memref<128x32xf32, #tpu.memory_space<vmem>>) target(%dma_start3A_70 : memref<10240x32xf32, #tpu.memory_space<vmem_shared>>) offsets(%dma_start3A_67 : memref<128xi32, #tpu.memory_space<vmem>>) semaphore(%run_scoped3A : memref<!tpu.dma_semaphore, #tpu.memory_space<semaphore_mem>>) {add = true}
          %dma_wait3A_71 = arith.constant 0 : i32
          %dma_wait3A_72 = tpu.memref_slice %arg6[%scan3A_34, %dma_wait3A_71] : memref<40x128xi32, #tpu.memory_space<vmem>> -> memref<1x128xi32, #tpu.memory_space<vmem>>
          %dma_wait3A_73 = tpu.memref_squeeze %dma_wait3A_72 : memref<1x128xi32, #tpu.memory_space<vmem>> -> memref<128xi32, #tpu.memory_space<vmem>>
          %dma_wait3A_74 = arith.constant 0 : i32
          %dma_wait3A_75 = arith.constant 0 : i32
          %dma_wait3A_76 = tpu.memref_slice %arg11[%dma_wait3A_74, %dma_wait3A_75] : memref<10240x32xf32, #tpu.memory_space<vmem_shared>> -> memref<10240x32xf32, #tpu.memory_space<vmem_shared>>
          tpu.wait_indirect_dma semaphore(%run_scoped3A : memref<!tpu.dma_semaphore, #tpu.memory_space<semaphore_mem>>) src(%arg7 : memref<128x32xf32, #tpu.memory_space<vmem>>) dst(%dma_wait3A_76 : memref<10240x32xf32, #tpu.memory_space<vmem_shared>>)
          tpu.yield
        }) : () -> ()
        %add3A_59 = arith.constant 4 : i32
        %add3A_60 = arith.addi %scan3A_34, %add3A_59 : i32
        %lt3A = arith.constant 40 : i32
        %lt3A_61 = arith.cmpi slt, %add3A_60, %lt3A : i32
        %convert_element_type3A_62 = arith.extui %lt3A_61 : i1 to i32
        %cond3A_63 = arith.constant 0 : i32
        %cond3A_64 = arith.cmpi ne, %convert_element_type3A_62, %cond3A_63 : i32
        scf.if %cond3A_64 {
          %add3A_65 = arith.constant 4 : i32
          %add3A_66 = arith.addi %scan3A_34, %add3A_65 : i32
          %mul3A_67 = arith.constant 128 : i32
          %mul3A_68 = arith.muli %add3A_66, %mul3A_67 : i32
          %add3A_69 = arith.addi %mul3A_2, %mul3A_68 : i32
          %dma_start3A_70 = arith.constant 0 : i32
          %dma_start3A_71 = tpu.memref_slice %arg2[%add3A_69, %dma_start3A_70] : memref<163840x32xf32, #tpu.memory_space<hbm>> -> memref<128x32xf32, #tpu.memory_space<hbm>>
          %dma_start3A_72 = arith.constant 0 : i32
          %dma_start3A_73 = tpu.memref_slice %arg2[%add3A_69, %dma_start3A_72] : memref<163840x32xf32, #tpu.memory_space<hbm>> -> memref<128x32xf32, #tpu.memory_space<hbm>>
          tpu.enqueue_dma source(%dma_start3A_73 : memref<128x32xf32, #tpu.memory_space<hbm>>) target(%arg7 : memref<128x32xf32, #tpu.memory_space<vmem>>) target_semaphore(%arg12 : memref<!tpu.dma_semaphore, #tpu.memory_space<semaphore_mem>>)
        } else {
        }
      } else {
      }
      %eq3A_38 = arith.constant 1 : i32
      %eq3A_39 = arith.cmpi eq, %rem3A_35, %eq3A_38 : i32
      %convert_element_type3A_40 = arith.extui %eq3A_39 : i1 to i32
      %cond3A_41 = arith.constant 0 : i32
      %cond3A_42 = arith.cmpi ne, %convert_element_type3A_40, %cond3A_41 : i32
      scf.if %cond3A_42 {
        %mul3A_53 = arith.constant 128 : i32
        %mul3A_54 = arith.muli %scan3A_34, %mul3A_53 : i32
        %add3A_55 = arith.addi %mul3A_2, %mul3A_54 : i32
        %dma_wait3A = arith.constant 0 : i32
        %dma_wait3A_56 = tpu.memref_slice %arg2[%add3A_55, %dma_wait3A] : memref<163840x32xf32, #tpu.memory_space<hbm>> -> memref<128x32xf32, #tpu.memory_space<hbm>>
        %dma_wait3A_57 = arith.constant 0 : i32
        %dma_wait3A_58 = tpu.memref_slice %arg2[%add3A_55, %dma_wait3A_57] : memref<163840x32xf32, #tpu.memory_space<hbm>> -> memref<128x32xf32, #tpu.memory_space<hbm>>
        tpu.wait_dma2 semaphore(%arg13 : memref<!tpu.dma_semaphore, #tpu.memory_space<semaphore_mem>>) src(%dma_wait3A_58 : memref<128x32xf32, #tpu.memory_space<hbm>>) dst(%arg8 : memref<128x32xf32, #tpu.memory_space<vmem>>)
        "tpu.region"() ({
          %run_scoped3A = tpu.sem_alloc : memref<!tpu.dma_semaphore, #tpu.memory_space<semaphore_mem>>
          %dma_start3A_65 = arith.constant 0 : i32
          %dma_start3A_66 = tpu.memref_slice %arg6[%scan3A_34, %dma_start3A_65] : memref<40x128xi32, #tpu.memory_space<vmem>> -> memref<1x128xi32, #tpu.memory_space<vmem>>
          %dma_start3A_67 = tpu.memref_squeeze %dma_start3A_66 : memref<1x128xi32, #tpu.memory_space<vmem>> -> memref<128xi32, #tpu.memory_space<vmem>>
          %dma_start3A_68 = arith.constant 0 : i32
          %dma_start3A_69 = arith.constant 0 : i32
          %dma_start3A_70 = tpu.memref_slice %arg11[%dma_start3A_68, %dma_start3A_69] : memref<10240x32xf32, #tpu.memory_space<vmem_shared>> -> memref<10240x32xf32, #tpu.memory_space<vmem_shared>>
          tpu.enqueue_indirect_dma source(%arg8 : memref<128x32xf32, #tpu.memory_space<vmem>>) target(%dma_start3A_70 : memref<10240x32xf32, #tpu.memory_space<vmem_shared>>) offsets(%dma_start3A_67 : memref<128xi32, #tpu.memory_space<vmem>>) semaphore(%run_scoped3A : memref<!tpu.dma_semaphore, #tpu.memory_space<semaphore_mem>>) {add = true}
          %dma_wait3A_71 = arith.constant 0 : i32
          %dma_wait3A_72 = tpu.memref_slice %arg6[%scan3A_34, %dma_wait3A_71] : memref<40x128xi32, #tpu.memory_space<vmem>> -> memref<1x128xi32, #tpu.memory_space<vmem>>
          %dma_wait3A_73 = tpu.memref_squeeze %dma_wait3A_72 : memref<1x128xi32, #tpu.memory_space<vmem>> -> memref<128xi32, #tpu.memory_space<vmem>>
          %dma_wait3A_74 = arith.constant 0 : i32
          %dma_wait3A_75 = arith.constant 0 : i32
          %dma_wait3A_76 = tpu.memref_slice %arg11[%dma_wait3A_74, %dma_wait3A_75] : memref<10240x32xf32, #tpu.memory_space<vmem_shared>> -> memref<10240x32xf32, #tpu.memory_space<vmem_shared>>
          tpu.wait_indirect_dma semaphore(%run_scoped3A : memref<!tpu.dma_semaphore, #tpu.memory_space<semaphore_mem>>) src(%arg8 : memref<128x32xf32, #tpu.memory_space<vmem>>) dst(%dma_wait3A_76 : memref<10240x32xf32, #tpu.memory_space<vmem_shared>>)
          tpu.yield
        }) : () -> ()
        %add3A_59 = arith.constant 4 : i32
        %add3A_60 = arith.addi %scan3A_34, %add3A_59 : i32
        %lt3A = arith.constant 40 : i32
        %lt3A_61 = arith.cmpi slt, %add3A_60, %lt3A : i32
        %convert_element_type3A_62 = arith.extui %lt3A_61 : i1 to i32
        %cond3A_63 = arith.constant 0 : i32
        %cond3A_64 = arith.cmpi ne, %convert_element_type3A_62, %cond3A_63 : i32
        scf.if %cond3A_64 {
          %add3A_65 = arith.constant 4 : i32
          %add3A_66 = arith.addi %scan3A_34, %add3A_65 : i32
          %mul3A_67 = arith.constant 128 : i32
          %mul3A_68 = arith.muli %add3A_66, %mul3A_67 : i32
          %add3A_69 = arith.addi %mul3A_2, %mul3A_68 : i32
          %dma_start3A_70 = arith.constant 0 : i32
          %dma_start3A_71 = tpu.memref_slice %arg2[%add3A_69, %dma_start3A_70] : memref<163840x32xf32, #tpu.memory_space<hbm>> -> memref<128x32xf32, #tpu.memory_space<hbm>>
          %dma_start3A_72 = arith.constant 0 : i32
          %dma_start3A_73 = tpu.memref_slice %arg2[%add3A_69, %dma_start3A_72] : memref<163840x32xf32, #tpu.memory_space<hbm>> -> memref<128x32xf32, #tpu.memory_space<hbm>>
          tpu.enqueue_dma source(%dma_start3A_73 : memref<128x32xf32, #tpu.memory_space<hbm>>) target(%arg8 : memref<128x32xf32, #tpu.memory_space<vmem>>) target_semaphore(%arg13 : memref<!tpu.dma_semaphore, #tpu.memory_space<semaphore_mem>>)
        } else {
        }
      } else {
      }
      %eq3A_43 = arith.constant 2 : i32
      %eq3A_44 = arith.cmpi eq, %rem3A_35, %eq3A_43 : i32
      %convert_element_type3A_45 = arith.extui %eq3A_44 : i1 to i32
      %cond3A_46 = arith.constant 0 : i32
      %cond3A_47 = arith.cmpi ne, %convert_element_type3A_45, %cond3A_46 : i32
      scf.if %cond3A_47 {
        %mul3A_53 = arith.constant 128 : i32
        %mul3A_54 = arith.muli %scan3A_34, %mul3A_53 : i32
        %add3A_55 = arith.addi %mul3A_2, %mul3A_54 : i32
        %dma_wait3A = arith.constant 0 : i32
        %dma_wait3A_56 = tpu.memref_slice %arg2[%add3A_55, %dma_wait3A] : memref<163840x32xf32, #tpu.memory_space<hbm>> -> memref<128x32xf32, #tpu.memory_space<hbm>>
        %dma_wait3A_57 = arith.constant 0 : i32
        %dma_wait3A_58 = tpu.memref_slice %arg2[%add3A_55, %dma_wait3A_57] : memref<163840x32xf32, #tpu.memory_space<hbm>> -> memref<128x32xf32, #tpu.memory_space<hbm>>
        tpu.wait_dma2 semaphore(%arg14 : memref<!tpu.dma_semaphore, #tpu.memory_space<semaphore_mem>>) src(%dma_wait3A_58 : memref<128x32xf32, #tpu.memory_space<hbm>>) dst(%arg9 : memref<128x32xf32, #tpu.memory_space<vmem>>)
        "tpu.region"() ({
          %run_scoped3A = tpu.sem_alloc : memref<!tpu.dma_semaphore, #tpu.memory_space<semaphore_mem>>
          %dma_start3A_65 = arith.constant 0 : i32
          %dma_start3A_66 = tpu.memref_slice %arg6[%scan3A_34, %dma_start3A_65] : memref<40x128xi32, #tpu.memory_space<vmem>> -> memref<1x128xi32, #tpu.memory_space<vmem>>
          %dma_start3A_67 = tpu.memref_squeeze %dma_start3A_66 : memref<1x128xi32, #tpu.memory_space<vmem>> -> memref<128xi32, #tpu.memory_space<vmem>>
          %dma_start3A_68 = arith.constant 0 : i32
          %dma_start3A_69 = arith.constant 0 : i32
          %dma_start3A_70 = tpu.memref_slice %arg11[%dma_start3A_68, %dma_start3A_69] : memref<10240x32xf32, #tpu.memory_space<vmem_shared>> -> memref<10240x32xf32, #tpu.memory_space<vmem_shared>>
          tpu.enqueue_indirect_dma source(%arg9 : memref<128x32xf32, #tpu.memory_space<vmem>>) target(%dma_start3A_70 : memref<10240x32xf32, #tpu.memory_space<vmem_shared>>) offsets(%dma_start3A_67 : memref<128xi32, #tpu.memory_space<vmem>>) semaphore(%run_scoped3A : memref<!tpu.dma_semaphore, #tpu.memory_space<semaphore_mem>>) {add = true}
          %dma_wait3A_71 = arith.constant 0 : i32
          %dma_wait3A_72 = tpu.memref_slice %arg6[%scan3A_34, %dma_wait3A_71] : memref<40x128xi32, #tpu.memory_space<vmem>> -> memref<1x128xi32, #tpu.memory_space<vmem>>
          %dma_wait3A_73 = tpu.memref_squeeze %dma_wait3A_72 : memref<1x128xi32, #tpu.memory_space<vmem>> -> memref<128xi32, #tpu.memory_space<vmem>>
          %dma_wait3A_74 = arith.constant 0 : i32
          %dma_wait3A_75 = arith.constant 0 : i32
          %dma_wait3A_76 = tpu.memref_slice %arg11[%dma_wait3A_74, %dma_wait3A_75] : memref<10240x32xf32, #tpu.memory_space<vmem_shared>> -> memref<10240x32xf32, #tpu.memory_space<vmem_shared>>
          tpu.wait_indirect_dma semaphore(%run_scoped3A : memref<!tpu.dma_semaphore, #tpu.memory_space<semaphore_mem>>) src(%arg9 : memref<128x32xf32, #tpu.memory_space<vmem>>) dst(%dma_wait3A_76 : memref<10240x32xf32, #tpu.memory_space<vmem_shared>>)
          tpu.yield
        }) : () -> ()
        %add3A_59 = arith.constant 4 : i32
        %add3A_60 = arith.addi %scan3A_34, %add3A_59 : i32
        %lt3A = arith.constant 40 : i32
        %lt3A_61 = arith.cmpi slt, %add3A_60, %lt3A : i32
        %convert_element_type3A_62 = arith.extui %lt3A_61 : i1 to i32
        %cond3A_63 = arith.constant 0 : i32
        %cond3A_64 = arith.cmpi ne, %convert_element_type3A_62, %cond3A_63 : i32
        scf.if %cond3A_64 {
          %add3A_65 = arith.constant 4 : i32
          %add3A_66 = arith.addi %scan3A_34, %add3A_65 : i32
          %mul3A_67 = arith.constant 128 : i32
          %mul3A_68 = arith.muli %add3A_66, %mul3A_67 : i32
          %add3A_69 = arith.addi %mul3A_2, %mul3A_68 : i32
          %dma_start3A_70 = arith.constant 0 : i32
          %dma_start3A_71 = tpu.memref_slice %arg2[%add3A_69, %dma_start3A_70] : memref<163840x32xf32, #tpu.memory_space<hbm>> -> memref<128x32xf32, #tpu.memory_space<hbm>>
          %dma_start3A_72 = arith.constant 0 : i32
          %dma_start3A_73 = tpu.memref_slice %arg2[%add3A_69, %dma_start3A_72] : memref<163840x32xf32, #tpu.memory_space<hbm>> -> memref<128x32xf32, #tpu.memory_space<hbm>>
          tpu.enqueue_dma source(%dma_start3A_73 : memref<128x32xf32, #tpu.memory_space<hbm>>) target(%arg9 : memref<128x32xf32, #tpu.memory_space<vmem>>) target_semaphore(%arg14 : memref<!tpu.dma_semaphore, #tpu.memory_space<semaphore_mem>>)
        } else {
        }
      } else {
      }
      %eq3A_48 = arith.constant 3 : i32
      %eq3A_49 = arith.cmpi eq, %rem3A_35, %eq3A_48 : i32
      %convert_element_type3A_50 = arith.extui %eq3A_49 : i1 to i32
      %cond3A_51 = arith.constant 0 : i32
      %cond3A_52 = arith.cmpi ne, %convert_element_type3A_50, %cond3A_51 : i32
      scf.if %cond3A_52 {
        %mul3A_53 = arith.constant 128 : i32
        %mul3A_54 = arith.muli %scan3A_34, %mul3A_53 : i32
        %add3A_55 = arith.addi %mul3A_2, %mul3A_54 : i32
        %dma_wait3A = arith.constant 0 : i32
        %dma_wait3A_56 = tpu.memref_slice %arg2[%add3A_55, %dma_wait3A] : memref<163840x32xf32, #tpu.memory_space<hbm>> -> memref<128x32xf32, #tpu.memory_space<hbm>>
        %dma_wait3A_57 = arith.constant 0 : i32
        %dma_wait3A_58 = tpu.memref_slice %arg2[%add3A_55, %dma_wait3A_57] : memref<163840x32xf32, #tpu.memory_space<hbm>> -> memref<128x32xf32, #tpu.memory_space<hbm>>
        tpu.wait_dma2 semaphore(%arg15 : memref<!tpu.dma_semaphore, #tpu.memory_space<semaphore_mem>>) src(%dma_wait3A_58 : memref<128x32xf32, #tpu.memory_space<hbm>>) dst(%arg10 : memref<128x32xf32, #tpu.memory_space<vmem>>)
        "tpu.region"() ({
          %run_scoped3A = tpu.sem_alloc : memref<!tpu.dma_semaphore, #tpu.memory_space<semaphore_mem>>
          %dma_start3A_65 = arith.constant 0 : i32
          %dma_start3A_66 = tpu.memref_slice %arg6[%scan3A_34, %dma_start3A_65] : memref<40x128xi32, #tpu.memory_space<vmem>> -> memref<1x128xi32, #tpu.memory_space<vmem>>
          %dma_start3A_67 = tpu.memref_squeeze %dma_start3A_66 : memref<1x128xi32, #tpu.memory_space<vmem>> -> memref<128xi32, #tpu.memory_space<vmem>>
          %dma_start3A_68 = arith.constant 0 : i32
          %dma_start3A_69 = arith.constant 0 : i32
          %dma_start3A_70 = tpu.memref_slice %arg11[%dma_start3A_68, %dma_start3A_69] : memref<10240x32xf32, #tpu.memory_space<vmem_shared>> -> memref<10240x32xf32, #tpu.memory_space<vmem_shared>>
          tpu.enqueue_indirect_dma source(%arg10 : memref<128x32xf32, #tpu.memory_space<vmem>>) target(%dma_start3A_70 : memref<10240x32xf32, #tpu.memory_space<vmem_shared>>) offsets(%dma_start3A_67 : memref<128xi32, #tpu.memory_space<vmem>>) semaphore(%run_scoped3A : memref<!tpu.dma_semaphore, #tpu.memory_space<semaphore_mem>>) {add = true}
          %dma_wait3A_71 = arith.constant 0 : i32
          %dma_wait3A_72 = tpu.memref_slice %arg6[%scan3A_34, %dma_wait3A_71] : memref<40x128xi32, #tpu.memory_space<vmem>> -> memref<1x128xi32, #tpu.memory_space<vmem>>
          %dma_wait3A_73 = tpu.memref_squeeze %dma_wait3A_72 : memref<1x128xi32, #tpu.memory_space<vmem>> -> memref<128xi32, #tpu.memory_space<vmem>>
          %dma_wait3A_74 = arith.constant 0 : i32
          %dma_wait3A_75 = arith.constant 0 : i32
          %dma_wait3A_76 = tpu.memref_slice %arg11[%dma_wait3A_74, %dma_wait3A_75] : memref<10240x32xf32, #tpu.memory_space<vmem_shared>> -> memref<10240x32xf32, #tpu.memory_space<vmem_shared>>
          tpu.wait_indirect_dma semaphore(%run_scoped3A : memref<!tpu.dma_semaphore, #tpu.memory_space<semaphore_mem>>) src(%arg10 : memref<128x32xf32, #tpu.memory_space<vmem>>) dst(%dma_wait3A_76 : memref<10240x32xf32, #tpu.memory_space<vmem_shared>>)
          tpu.yield
        }) : () -> ()
        %add3A_59 = arith.constant 4 : i32
        %add3A_60 = arith.addi %scan3A_34, %add3A_59 : i32
        %lt3A = arith.constant 40 : i32
        %lt3A_61 = arith.cmpi slt, %add3A_60, %lt3A : i32
        %convert_element_type3A_62 = arith.extui %lt3A_61 : i1 to i32
        %cond3A_63 = arith.constant 0 : i32
        %cond3A_64 = arith.cmpi ne, %convert_element_type3A_62, %cond3A_63 : i32
        scf.if %cond3A_64 {
          %add3A_65 = arith.constant 4 : i32
          %add3A_66 = arith.addi %scan3A_34, %add3A_65 : i32
          %mul3A_67 = arith.constant 128 : i32
          %mul3A_68 = arith.muli %add3A_66, %mul3A_67 : i32
          %add3A_69 = arith.addi %mul3A_2, %mul3A_68 : i32
          %dma_start3A_70 = arith.constant 0 : i32
          %dma_start3A_71 = tpu.memref_slice %arg2[%add3A_69, %dma_start3A_70] : memref<163840x32xf32, #tpu.memory_space<hbm>> -> memref<128x32xf32, #tpu.memory_space<hbm>>
          %dma_start3A_72 = arith.constant 0 : i32
          %dma_start3A_73 = tpu.memref_slice %arg2[%add3A_69, %dma_start3A_72] : memref<163840x32xf32, #tpu.memory_space<hbm>> -> memref<128x32xf32, #tpu.memory_space<hbm>>
          tpu.enqueue_dma source(%dma_start3A_73 : memref<128x32xf32, #tpu.memory_space<hbm>>) target(%arg10 : memref<128x32xf32, #tpu.memory_space<vmem>>) target_semaphore(%arg15 : memref<!tpu.dma_semaphore, #tpu.memory_space<semaphore_mem>>)
        } else {
        }
      } else {
      }
    }
    %scan3A_32 = arith.constant 40 : i32
    %barrier3A_33 = arith.constant 0 : index
    tpu.barrier barrier_id(%barrier3A_33)
    "tpu.region"() ({
      %run_scoped3A = tpu.sem_alloc : memref<!tpu.dma_semaphore, #tpu.memory_space<semaphore_mem>>
      %dma_start3A_34 = arith.constant 0 : i32
      %dma_start3A_35 = tpu.memref_slice %arg5[%arg0, %mul3A_4, %dma_start3A_34] : memref<2x10240x32xf32, #tpu.memory_space<hbm>> -> memref<1x640x32xf32, #tpu.memory_space<hbm>>
      %dma_start3A_36 = tpu.memref_squeeze %dma_start3A_35 : memref<1x640x32xf32, #tpu.memory_space<hbm>> -> memref<640x32xf32, #tpu.memory_space<hbm>>
      %dma_start3A_37 = arith.constant 0 : i32
      %dma_start3A_38 = tpu.memref_slice %arg11[%mul3A_4, %dma_start3A_37] : memref<10240x32xf32, #tpu.memory_space<vmem_shared>> -> memref<640x32xf32, #tpu.memory_space<vmem_shared>>
      tpu.enqueue_dma source(%dma_start3A_38 : memref<640x32xf32, #tpu.memory_space<vmem_shared>>) target(%dma_start3A_36 : memref<640x32xf32, #tpu.memory_space<hbm>>) target_semaphore(%run_scoped3A : memref<!tpu.dma_semaphore, #tpu.memory_space<semaphore_mem>>)
      %dma_wait3A = arith.constant 0 : i32
      %dma_wait3A_39 = tpu.memref_slice %arg5[%arg0, %mul3A_4, %dma_wait3A] : memref<2x10240x32xf32, #tpu.memory_space<hbm>> -> memref<1x640x32xf32, #tpu.memory_space<hbm>>
      %dma_wait3A_40 = tpu.memref_squeeze %dma_wait3A_39 : memref<1x640x32xf32, #tpu.memory_space<hbm>> -> memref<640x32xf32, #tpu.memory_space<hbm>>
      %dma_wait3A_41 = arith.constant 0 : i32
      %dma_wait3A_42 = tpu.memref_slice %arg11[%mul3A_4, %dma_wait3A_41] : memref<10240x32xf32, #tpu.memory_space<vmem_shared>> -> memref<640x32xf32, #tpu.memory_space<vmem_shared>>
      tpu.wait_dma2 semaphore(%run_scoped3A : memref<!tpu.dma_semaphore, #tpu.memory_space<semaphore_mem>>) src(%dma_wait3A_42 : memref<640x32xf32, #tpu.memory_space<vmem_shared>>) dst(%dma_wait3A_40 : memref<640x32xf32, #tpu.memory_space<hbm>>)
      tpu.yield
    }) : () -> ()
    return
  }
}

module attributes {stable_mosaic.version = 14 : i64} {
  func.func @body(%arg0: i32, %arg1: memref<4x8192xf32, #tpu.memory_space<vmem>>, %arg2: memref<1024x128xf32, #tpu.memory_space<vmem>>, %arg3: memref<4x8xf32, #tpu.memory_space<vmem>>, %arg4: memref<1x8xf32, #tpu.memory_space<vmem>>, %arg5: memref<8x16xf32, #tpu.memory_space<vmem>>, %arg6: memref<1x16xf32, #tpu.memory_space<vmem>>, %arg7: memref<16x8xf32, #tpu.memory_space<vmem>>, %arg8: memref<1x8xf32, #tpu.memory_space<vmem>>, %arg9: memref<16x128xbf16, #tpu.memory_space<vmem>>, %arg10: memref<8x128xbf16, #tpu.memory_space<vmem>>, %arg11: memref<128x16xbf16, #tpu.memory_space<vmem>>, %arg12: memref<2048x128xf32, #tpu.memory_space<vmem>>) attributes {dimension_semantics = [#tpu.dimension_semantics<arbitrary>], iteration_bounds = array<i64: 20>, scalar_prefetch = 0 : i64, scratch_operands = 0 : i64, tpu.core_type = #tpu.core_type<tc>, window_params = [{transform_indices = @transform_0, window_bounds = array<i64: 4, 8192>}, {transform_indices = @transform_1, window_bounds = array<i64: 1024, 128>}, {pipeline_mode = #tpu.pipeline_mode<synchronous>, transform_indices = @transform_2, window_bounds = array<i64: 4, 8>}, {pipeline_mode = #tpu.pipeline_mode<synchronous>, transform_indices = @transform_3, window_bounds = array<i64: 1, 8>}, {pipeline_mode = #tpu.pipeline_mode<synchronous>, transform_indices = @transform_4, window_bounds = array<i64: 8, 16>}, {pipeline_mode = #tpu.pipeline_mode<synchronous>, transform_indices = @transform_5, window_bounds = array<i64: 1, 16>}, {pipeline_mode = #tpu.pipeline_mode<synchronous>, transform_indices = @transform_6, window_bounds = array<i64: 16, 8>}, {pipeline_mode = #tpu.pipeline_mode<synchronous>, transform_indices = @transform_7, window_bounds = array<i64: 1, 8>}, {pipeline_mode = #tpu.pipeline_mode<synchronous>, transform_indices = @transform_8, window_bounds = array<i64: 16, 128>}, {pipeline_mode = #tpu.pipeline_mode<synchronous>, transform_indices = @transform_9, window_bounds = array<i64: 8, 128>}, {pipeline_mode = #tpu.pipeline_mode<synchronous>, transform_indices = @transform_10, window_bounds = array<i64: 128, 16>}, {transform_indices = @transform_11, window_bounds = array<i64: 2048, 128>}]} {
    %get3A = arith.constant 0 : index
    %get3A_0 = arith.constant 0 : index
    %get3A_1 = vector.load %arg1[%get3A, %get3A_0] : memref<4x8192xf32, #tpu.memory_space<vmem>>, vector<4x8192xf32>
    %get3A_2 = arith.constant 0 : index
    %get3A_3 = arith.constant 0 : index
    %get3A_4 = vector.load %arg3[%get3A_2, %get3A_3] : memref<4x8xf32, #tpu.memory_space<vmem>>, vector<4x8xf32>
    %dot_general3A = arith.constant dense<0.000000e+00> : vector<8192x8xf32>
    %dot_general3A_5 = tpu.matmul %get3A_1, %get3A_4, %dot_general3A {dimension_numbers = #tpu.dot_dimension_numbers<[0], [0], [1], [1], [0, 1, 1, 1], [], []>, transpose_lhs_hint = false} : vector<4x8192xf32>, vector<4x8xf32>, vector<8192x8xf32> -> vector<8192x8xf32>
    %get3A_6 = arith.constant 0 : index
    %get3A_7 = arith.constant 0 : index
    %get3A_8 = vector.load %arg4[%get3A_6, %get3A_7] : memref<1x8xf32, #tpu.memory_space<vmem>>, vector<1x8xf32>
    %add3A = vector.broadcast %get3A_8 : vector<1x8xf32> to vector<8192x8xf32>
    %add3A_9 = arith.addf %dot_general3A_5, %add3A : vector<8192x8xf32>
    %max3A = arith.constant 0.000000e+00 : f32
    %max3A_10 = vector.broadcast %max3A : f32 to vector<8192x8xf32>
    %max3A_11 = arith.maximumf %add3A_9, %max3A_10 : vector<8192x8xf32>
    %get3A_12 = arith.constant 0 : index
    %get3A_13 = arith.constant 0 : index
    %get3A_14 = vector.load %arg5[%get3A_12, %get3A_13] : memref<8x16xf32, #tpu.memory_space<vmem>>, vector<8x16xf32>
    %dot_general3A_15 = arith.constant dense<0.000000e+00> : vector<8192x16xf32>
    %dot_general3A_16 = tpu.matmul %max3A_11, %get3A_14, %dot_general3A_15 {dimension_numbers = #tpu.dot_dimension_numbers<[1], [0], [0], [1], [0, 0, 1, 1], [], []>, transpose_lhs_hint = false} : vector<8192x8xf32>, vector<8x16xf32>, vector<8192x16xf32> -> vector<8192x16xf32>
    %get3A_17 = arith.constant 0 : index
    %get3A_18 = arith.constant 0 : index
    %get3A_19 = vector.load %arg6[%get3A_17, %get3A_18] : memref<1x16xf32, #tpu.memory_space<vmem>>, vector<1x16xf32>
    %add3A_20 = vector.broadcast %get3A_19 : vector<1x16xf32> to vector<8192x16xf32>
    %add3A_21 = arith.addf %dot_general3A_16, %add3A_20 : vector<8192x16xf32>
    %max3A_22 = arith.constant 0.000000e+00 : f32
    %max3A_23 = vector.broadcast %max3A_22 : f32 to vector<8192x16xf32>
    %max3A_24 = arith.maximumf %add3A_21, %max3A_23 : vector<8192x16xf32>
    %get3A_25 = arith.constant 0 : index
    %get3A_26 = arith.constant 0 : index
    %get3A_27 = vector.load %arg7[%get3A_25, %get3A_26] : memref<16x8xf32, #tpu.memory_space<vmem>>, vector<16x8xf32>
    %dot_general3A_28 = arith.constant dense<0.000000e+00> : vector<8192x8xf32>
    %dot_general3A_29 = tpu.matmul %max3A_24, %get3A_27, %dot_general3A_28 {dimension_numbers = #tpu.dot_dimension_numbers<[1], [0], [0], [1], [0, 0, 1, 1], [], []>, transpose_lhs_hint = false} : vector<8192x16xf32>, vector<16x8xf32>, vector<8192x8xf32> -> vector<8192x8xf32>
    %get3A_30 = arith.constant 0 : index
    %get3A_31 = arith.constant 0 : index
    %get3A_32 = vector.load %arg8[%get3A_30, %get3A_31] : memref<1x8xf32, #tpu.memory_space<vmem>>, vector<1x8xf32>
    %add3A_33 = vector.broadcast %get3A_32 : vector<1x8xf32> to vector<8192x8xf32>
    %add3A_34 = arith.addf %dot_general3A_29, %add3A_33 : vector<8192x8xf32>
    %max3A_35 = arith.constant 0.000000e+00 : f32
    %max3A_36 = vector.broadcast %max3A_35 : f32 to vector<8192x8xf32>
    %max3A_37 = arith.maximumf %add3A_34, %max3A_36 : vector<8192x8xf32>
    %get3A_38 = arith.constant 0 : index
    %get3A_39 = arith.constant 0 : index
    %get3A_40 = vector.load %arg2[%get3A_38, %get3A_39] : memref<1024x128xf32, #tpu.memory_space<vmem>>, vector<1024x16xf32>
    %convert_element_type3A = arith.truncf %get3A_40 : vector<1024x16xf32> to vector<1024x16xbf16>
    %get3A_41 = arith.constant 0 : index
    %get3A_42 = arith.constant 0 : index
    %get3A_43 = vector.load %arg9[%get3A_41, %get3A_42] : memref<16x128xbf16, #tpu.memory_space<vmem>>, vector<16x128xbf16>
    %dot_general3A_44 = arith.constant dense<0.000000e+00> : vector<1024x128xf32>
    %dot_general3A_45 = tpu.matmul %convert_element_type3A, %get3A_43, %dot_general3A_44 {dimension_numbers = #tpu.dot_dimension_numbers<[1], [0], [0], [1], [0, 0, 1, 1], [], []>, transpose_lhs_hint = false} : vector<1024x16xbf16>, vector<16x128xbf16>, vector<1024x128xf32> -> vector<1024x128xf32>
    %get3A_46 = arith.constant 0 : index
    %get3A_47 = arith.constant 16 : index
    %get3A_48 = vector.load %arg2[%get3A_46, %get3A_47] : memref<1024x128xf32, #tpu.memory_space<vmem>>, vector<1024x16xf32>
    %convert_element_type3A_49 = arith.truncf %get3A_48 : vector<1024x16xf32> to vector<1024x16xbf16>
    %get3A_50 = arith.constant 0 : index
    %get3A_51 = arith.constant 0 : index
    %get3A_52 = vector.load %arg9[%get3A_50, %get3A_51] : memref<16x128xbf16, #tpu.memory_space<vmem>>, vector<16x128xbf16>
    %dot_general3A_53 = arith.constant dense<0.000000e+00> : vector<1024x128xf32>
    %dot_general3A_54 = tpu.matmul %convert_element_type3A_49, %get3A_52, %dot_general3A_53 {dimension_numbers = #tpu.dot_dimension_numbers<[1], [0], [0], [1], [0, 0, 1, 1], [], []>, transpose_lhs_hint = false} : vector<1024x16xbf16>, vector<16x128xbf16>, vector<1024x128xf32> -> vector<1024x128xf32>
    %get3A_55 = arith.constant 0 : index
    %get3A_56 = arith.constant 32 : index
    %get3A_57 = vector.load %arg2[%get3A_55, %get3A_56] : memref<1024x128xf32, #tpu.memory_space<vmem>>, vector<1024x16xf32>
    %convert_element_type3A_58 = arith.truncf %get3A_57 : vector<1024x16xf32> to vector<1024x16xbf16>
    %get3A_59 = arith.constant 0 : index
    %get3A_60 = arith.constant 0 : index
    %get3A_61 = vector.load %arg9[%get3A_59, %get3A_60] : memref<16x128xbf16, #tpu.memory_space<vmem>>, vector<16x128xbf16>
    %dot_general3A_62 = arith.constant dense<0.000000e+00> : vector<1024x128xf32>
    %dot_general3A_63 = tpu.matmul %convert_element_type3A_58, %get3A_61, %dot_general3A_62 {dimension_numbers = #tpu.dot_dimension_numbers<[1], [0], [0], [1], [0, 0, 1, 1], [], []>, transpose_lhs_hint = false} : vector<1024x16xbf16>, vector<16x128xbf16>, vector<1024x128xf32> -> vector<1024x128xf32>
    %get3A_64 = arith.constant 0 : index
    %get3A_65 = arith.constant 48 : index
    %get3A_66 = vector.load %arg2[%get3A_64, %get3A_65] : memref<1024x128xf32, #tpu.memory_space<vmem>>, vector<1024x16xf32>
    %convert_element_type3A_67 = arith.truncf %get3A_66 : vector<1024x16xf32> to vector<1024x16xbf16>
    %get3A_68 = arith.constant 0 : index
    %get3A_69 = arith.constant 0 : index
    %get3A_70 = vector.load %arg9[%get3A_68, %get3A_69] : memref<16x128xbf16, #tpu.memory_space<vmem>>, vector<16x128xbf16>
    %dot_general3A_71 = arith.constant dense<0.000000e+00> : vector<1024x128xf32>
    %dot_general3A_72 = tpu.matmul %convert_element_type3A_67, %get3A_70, %dot_general3A_71 {dimension_numbers = #tpu.dot_dimension_numbers<[1], [0], [0], [1], [0, 0, 1, 1], [], []>, transpose_lhs_hint = false} : vector<1024x16xbf16>, vector<16x128xbf16>, vector<1024x128xf32> -> vector<1024x128xf32>
    %get3A_73 = arith.constant 0 : index
    %get3A_74 = arith.constant 64 : index
    %get3A_75 = vector.load %arg2[%get3A_73, %get3A_74] : memref<1024x128xf32, #tpu.memory_space<vmem>>, vector<1024x16xf32>
    %convert_element_type3A_76 = arith.truncf %get3A_75 : vector<1024x16xf32> to vector<1024x16xbf16>
    %get3A_77 = arith.constant 0 : index
    %get3A_78 = arith.constant 0 : index
    %get3A_79 = vector.load %arg9[%get3A_77, %get3A_78] : memref<16x128xbf16, #tpu.memory_space<vmem>>, vector<16x128xbf16>
    %dot_general3A_80 = arith.constant dense<0.000000e+00> : vector<1024x128xf32>
    %dot_general3A_81 = tpu.matmul %convert_element_type3A_76, %get3A_79, %dot_general3A_80 {dimension_numbers = #tpu.dot_dimension_numbers<[1], [0], [0], [1], [0, 0, 1, 1], [], []>, transpose_lhs_hint = false} : vector<1024x16xbf16>, vector<16x128xbf16>, vector<1024x128xf32> -> vector<1024x128xf32>
    %get3A_82 = arith.constant 0 : index
    %get3A_83 = arith.constant 80 : index
    %get3A_84 = vector.load %arg2[%get3A_82, %get3A_83] : memref<1024x128xf32, #tpu.memory_space<vmem>>, vector<1024x16xf32>
    %convert_element_type3A_85 = arith.truncf %get3A_84 : vector<1024x16xf32> to vector<1024x16xbf16>
    %get3A_86 = arith.constant 0 : index
    %get3A_87 = arith.constant 0 : index
    %get3A_88 = vector.load %arg9[%get3A_86, %get3A_87] : memref<16x128xbf16, #tpu.memory_space<vmem>>, vector<16x128xbf16>
    %dot_general3A_89 = arith.constant dense<0.000000e+00> : vector<1024x128xf32>
    %dot_general3A_90 = tpu.matmul %convert_element_type3A_85, %get3A_88, %dot_general3A_89 {dimension_numbers = #tpu.dot_dimension_numbers<[1], [0], [0], [1], [0, 0, 1, 1], [], []>, transpose_lhs_hint = false} : vector<1024x16xbf16>, vector<16x128xbf16>, vector<1024x128xf32> -> vector<1024x128xf32>
    %get3A_91 = arith.constant 0 : index
    %get3A_92 = arith.constant 96 : index
    %get3A_93 = vector.load %arg2[%get3A_91, %get3A_92] : memref<1024x128xf32, #tpu.memory_space<vmem>>, vector<1024x16xf32>
    %convert_element_type3A_94 = arith.truncf %get3A_93 : vector<1024x16xf32> to vector<1024x16xbf16>
    %get3A_95 = arith.constant 0 : index
    %get3A_96 = arith.constant 0 : index
    %get3A_97 = vector.load %arg9[%get3A_95, %get3A_96] : memref<16x128xbf16, #tpu.memory_space<vmem>>, vector<16x128xbf16>
    %dot_general3A_98 = arith.constant dense<0.000000e+00> : vector<1024x128xf32>
    %dot_general3A_99 = tpu.matmul %convert_element_type3A_94, %get3A_97, %dot_general3A_98 {dimension_numbers = #tpu.dot_dimension_numbers<[1], [0], [0], [1], [0, 0, 1, 1], [], []>, transpose_lhs_hint = false} : vector<1024x16xbf16>, vector<16x128xbf16>, vector<1024x128xf32> -> vector<1024x128xf32>
    %get3A_100 = arith.constant 0 : index
    %get3A_101 = arith.constant 112 : index
    %get3A_102 = vector.load %arg2[%get3A_100, %get3A_101] : memref<1024x128xf32, #tpu.memory_space<vmem>>, vector<1024x16xf32>
    %convert_element_type3A_103 = arith.truncf %get3A_102 : vector<1024x16xf32> to vector<1024x16xbf16>
    %get3A_104 = arith.constant 0 : index
    %get3A_105 = arith.constant 0 : index
    %get3A_106 = vector.load %arg9[%get3A_104, %get3A_105] : memref<16x128xbf16, #tpu.memory_space<vmem>>, vector<16x128xbf16>
    %dot_general3A_107 = arith.constant dense<0.000000e+00> : vector<1024x128xf32>
    %dot_general3A_108 = tpu.matmul %convert_element_type3A_103, %get3A_106, %dot_general3A_107 {dimension_numbers = #tpu.dot_dimension_numbers<[1], [0], [0], [1], [0, 0, 1, 1], [], []>, transpose_lhs_hint = false} : vector<1024x16xbf16>, vector<16x128xbf16>, vector<1024x128xf32> -> vector<1024x128xf32>
    %concatenate3A = tpu.concatenate %dot_general3A_45, %dot_general3A_54, %dot_general3A_63, %dot_general3A_72, %dot_general3A_81, %dot_general3A_90, %dot_general3A_99, %dot_general3A_108 in 0 : vector<1024x128xf32>, vector<1024x128xf32>, vector<1024x128xf32>, vector<1024x128xf32>, vector<1024x128xf32>, vector<1024x128xf32>, vector<1024x128xf32>, vector<1024x128xf32> -> vector<8192x128xf32>
    %convert_element_type3A_109 = arith.truncf %max3A_37 : vector<8192x8xf32> to vector<8192x8xbf16>
    %get3A_110 = arith.constant 0 : index
    %get3A_111 = arith.constant 0 : index
    %get3A_112 = vector.load %arg10[%get3A_110, %get3A_111] : memref<8x128xbf16, #tpu.memory_space<vmem>>, vector<8x128xbf16>
    %dot_general3A_113 = arith.constant dense<0.000000e+00> : vector<8192x128xf32>
    %dot_general3A_114 = tpu.matmul %convert_element_type3A_109, %get3A_112, %dot_general3A_113 {dimension_numbers = #tpu.dot_dimension_numbers<[1], [0], [0], [1], [0, 0, 1, 1], [], []>, transpose_lhs_hint = false} : vector<8192x8xbf16>, vector<8x128xbf16>, vector<8192x128xf32> -> vector<8192x128xf32>
    %mul3A = arith.mulf %dot_general3A_114, %concatenate3A : vector<8192x128xf32>
    %convert_element_type3A_115 = arith.truncf %mul3A : vector<8192x128xf32> to vector<8192x128xbf16>
    %get3A_116 = arith.constant 0 : index
    %get3A_117 = arith.constant 0 : index
    %get3A_118 = vector.load %arg11[%get3A_116, %get3A_117] : memref<128x16xbf16, #tpu.memory_space<vmem>>, vector<128x16xbf16>
    %dot_general3A_119 = arith.constant dense<0.000000e+00> : vector<8192x16xf32>
    %dot_general3A_120 = tpu.matmul %convert_element_type3A_115, %get3A_118, %dot_general3A_119 {dimension_numbers = #tpu.dot_dimension_numbers<[1], [0], [0], [1], [0, 0, 1, 1], [], []>, transpose_lhs_hint = false} : vector<8192x128xbf16>, vector<128x16xbf16>, vector<8192x16xf32> -> vector<8192x16xf32>
    %iota3A = tpu.iota {dimensions = array<i32: 0>} : vector<8192x1xi32>
    %mul3A_121 = arith.constant 8192 : i32
    %mul3A_122 = arith.muli %arg0, %mul3A_121 : i32
    %add3A_123 = vector.broadcast %mul3A_122 : i32 to vector<8192x1xi32>
    %add3A_124 = arith.addi %iota3A, %add3A_123 : vector<8192x1xi32>
    %lt3A = arith.constant 160000 : i32
    %lt3A_125 = vector.broadcast %lt3A : i32 to vector<8192x1xi32>
    %lt3A_126 = arith.cmpi slt, %add3A_124, %lt3A_125 : vector<8192x1xi32>
    %convert_element_type3A_127 = arith.extui %lt3A_126 : vector<8192x1xi1> to vector<8192x1xi32>
    %convert_element_type3A_128 = arith.sitofp %convert_element_type3A_127 : vector<8192x1xi32> to vector<8192x1xf32>
    %mul3A_129 = vector.broadcast %convert_element_type3A_128 : vector<8192x1xf32> to vector<8192x16xf32>
    %mul3A_130 = arith.mulf %dot_general3A_120, %mul3A_129 : vector<8192x16xf32>
    %broadcast_in_dim3A = arith.constant 0.000000e+00 : f32
    %broadcast_in_dim3A_131 = vector.broadcast %broadcast_in_dim3A : f32 to vector<8192x15xf32>
    %concatenate3A_132 = tpu.concatenate %mul3A_130, %convert_element_type3A_128, %broadcast_in_dim3A_131 in 1 : vector<8192x16xf32>, vector<8192x1xf32>, vector<8192x15xf32> -> vector<8192x32xf32>
    %slice3A = vector.extract_strided_slice %concatenate3A_132 {offsets = [0, 0], sizes = [2048, 32], strides = [1, 1]} : vector<8192x32xf32> to vector<2048x32xf32>
    %slice3A_133 = vector.extract_strided_slice %concatenate3A_132 {offsets = [2048, 0], sizes = [2048, 32], strides = [1, 1]} : vector<8192x32xf32> to vector<2048x32xf32>
    %slice3A_134 = vector.extract_strided_slice %concatenate3A_132 {offsets = [4096, 0], sizes = [2048, 32], strides = [1, 1]} : vector<8192x32xf32> to vector<2048x32xf32>
    %slice3A_135 = vector.extract_strided_slice %concatenate3A_132 {offsets = [6144, 0], sizes = [2048, 32], strides = [1, 1]} : vector<8192x32xf32> to vector<2048x32xf32>
    %concatenate3A_136 = tpu.concatenate %slice3A, %slice3A_133, %slice3A_134, %slice3A_135 in 1 : vector<2048x32xf32>, vector<2048x32xf32>, vector<2048x32xf32>, vector<2048x32xf32> -> vector<2048x128xf32>
    %swap3A = arith.constant 0 : index
    %swap3A_137 = arith.constant 0 : index
    %swap3A_138 = vector.load %arg12[%swap3A, %swap3A_137] : memref<2048x128xf32, #tpu.memory_space<vmem>>, vector<2048x128xf32>
    tpu.vector_store %arg12[%swap3A, %swap3A_137], %concatenate3A_136 {strides = array<i32>} : memref<2048x128xf32, #tpu.memory_space<vmem>>, vector<2048x128xf32>,
    return
  }
  func.func @transform_0(%arg0: i32) -> (i32, i32) {
    %c0_i32 = arith.constant 0 : i32
    %c0_i32_0 = arith.constant 0 : i32
    return %c0_i32, %arg0 : i32, i32
  }
  func.func @transform_1(%arg0: i32) -> (i32, i32) {
    %c0_i32 = arith.constant 0 : i32
    %c0_i32_0 = arith.constant 0 : i32
    return %arg0, %c0_i32 : i32, i32
  }
  func.func @transform_2(%arg0: i32) -> (i32, i32) {
    %c0_i32 = arith.constant 0 : i32
    %c0_i32_0 = arith.constant 0 : i32
    %c0_i32_1 = arith.constant 0 : i32
    return %c0_i32, %c0_i32_0 : i32, i32
  }
  func.func @transform_3(%arg0: i32) -> (i32, i32) {
    %c0_i32 = arith.constant 0 : i32
    %c0_i32_0 = arith.constant 0 : i32
    %c0_i32_1 = arith.constant 0 : i32
    return %c0_i32, %c0_i32_0 : i32, i32
  }
  func.func @transform_4(%arg0: i32) -> (i32, i32) {
    %c0_i32 = arith.constant 0 : i32
    %c0_i32_0 = arith.constant 0 : i32
    %c0_i32_1 = arith.constant 0 : i32
    return %c0_i32, %c0_i32_0 : i32, i32
  }
  func.func @transform_5(%arg0: i32) -> (i32, i32) {
    %c0_i32 = arith.constant 0 : i32
    %c0_i32_0 = arith.constant 0 : i32
    %c0_i32_1 = arith.constant 0 : i32
    return %c0_i32, %c0_i32_0 : i32, i32
  }
  func.func @transform_6(%arg0: i32) -> (i32, i32) {
    %c0_i32 = arith.constant 0 : i32
    %c0_i32_0 = arith.constant 0 : i32
    %c0_i32_1 = arith.constant 0 : i32
    return %c0_i32, %c0_i32_0 : i32, i32
  }
  func.func @transform_7(%arg0: i32) -> (i32, i32) {
    %c0_i32 = arith.constant 0 : i32
    %c0_i32_0 = arith.constant 0 : i32
    %c0_i32_1 = arith.constant 0 : i32
    return %c0_i32, %c0_i32_0 : i32, i32
  }
  func.func @transform_8(%arg0: i32) -> (i32, i32) {
    %c0_i32 = arith.constant 0 : i32
    %c0_i32_0 = arith.constant 0 : i32
    %c0_i32_1 = arith.constant 0 : i32
    return %c0_i32, %c0_i32_0 : i32, i32
  }
  func.func @transform_9(%arg0: i32) -> (i32, i32) {
    %c0_i32 = arith.constant 0 : i32
    %c0_i32_0 = arith.constant 0 : i32
    %c0_i32_1 = arith.constant 0 : i32
    return %c0_i32, %c0_i32_0 : i32, i32
  }
  func.func @transform_10(%arg0: i32) -> (i32, i32) {
    %c0_i32 = arith.constant 0 : i32
    %c0_i32_0 = arith.constant 0 : i32
    %c0_i32_1 = arith.constant 0 : i32
    return %c0_i32, %c0_i32_0 : i32, i32
  }
  func.func @transform_11(%arg0: i32) -> (i32, i32) {
    %c0_i32 = arith.constant 0 : i32
    %c0_i32_0 = arith.constant 0 : i32
    return %arg0, %c0_i32 : i32, i32
  }
}

module attributes {stable_mosaic.version = 14 : i64} {
  func.func @body(%arg0: i32, %arg1: memref<1024x32xf32, #tpu.memory_space<vmem>>, %arg2: memref<1024x32xf32, #tpu.memory_space<vmem>>, %arg3: memref<1024x16xf32, #tpu.memory_space<vmem>>, %arg4: memref<16x16xf32, #tpu.memory_space<vmem>>, %arg5: memref<1x16xf32, #tpu.memory_space<vmem>>, %arg6: memref<1024x16xf32, #tpu.memory_space<vmem>>, %arg7: memref<1024x1xf32, #tpu.memory_space<vmem>>) attributes {dimension_semantics = [#tpu.dimension_semantics<arbitrary>], iteration_bounds = array<i64: 10>, scalar_prefetch = 0 : i64, scratch_operands = 0 : i64, tpu.core_type = #tpu.core_type<tc>, window_params = [{transform_indices = @transform_0, window_bounds = array<i64: 1024, 32>}, {transform_indices = @transform_1, window_bounds = array<i64: 1024, 32>}, {transform_indices = @transform_2, window_bounds = array<i64: 1024, 16>}, {pipeline_mode = #tpu.pipeline_mode<synchronous>, transform_indices = @transform_3, window_bounds = array<i64: 16, 16>}, {pipeline_mode = #tpu.pipeline_mode<synchronous>, transform_indices = @transform_4, window_bounds = array<i64: 1, 16>}, {transform_indices = @transform_5, window_bounds = array<i64: 1024, 16>}, {transform_indices = @transform_6, window_bounds = array<i64: 1024, 1>}]} {
    %get3A = arith.constant 0 : index
    %get3A_0 = arith.constant 0 : index
    %get3A_1 = vector.load %arg1[%get3A, %get3A_0] : memref<1024x32xf32, #tpu.memory_space<vmem>>, vector<1024x32xf32>
    %get3A_2 = arith.constant 0 : index
    %get3A_3 = arith.constant 0 : index
    %get3A_4 = vector.load %arg2[%get3A_2, %get3A_3] : memref<1024x32xf32, #tpu.memory_space<vmem>>, vector<1024x32xf32>
    %add3A = arith.addf %get3A_1, %get3A_4 : vector<1024x32xf32>
    %slice3A = vector.extract_strided_slice %add3A {offsets = [0, 16], sizes = [1024, 1], strides = [1, 1]} : vector<1024x32xf32> to vector<1024x1xf32>
    %slice3A_5 = vector.extract_strided_slice %add3A {offsets = [0, 0], sizes = [1024, 16], strides = [1, 1]} : vector<1024x32xf32> to vector<1024x16xf32>
    %max3A = arith.constant 1.000000e+00 : f32
    %max3A_6 = vector.broadcast %max3A : f32 to vector<1024x1xf32>
    %max3A_7 = arith.maximumf %slice3A, %max3A_6 : vector<1024x1xf32>
    %div3A = vector.broadcast %max3A_7 : vector<1024x1xf32> to vector<1024x16xf32>
    %div3A_8 = arith.divf %slice3A_5, %div3A : vector<1024x16xf32>
    %get3A_9 = arith.constant 0 : index
    %get3A_10 = arith.constant 0 : index
    %get3A_11 = vector.load %arg3[%get3A_9, %get3A_10] : memref<1024x16xf32, #tpu.memory_space<vmem>>, vector<1024x16xf32>
    %get3A_12 = arith.constant 0 : index
    %get3A_13 = arith.constant 0 : index
    %get3A_14 = vector.load %arg4[%get3A_12, %get3A_13] : memref<16x16xf32, #tpu.memory_space<vmem>>, vector<16x16xf32>
    %dot_general3A = arith.constant dense<0.000000e+00> : vector<1024x16xf32>
    %dot_general3A_15 = tpu.matmul %get3A_11, %get3A_14, %dot_general3A {dimension_numbers = #tpu.dot_dimension_numbers<[1], [0], [0], [1], [0, 0, 1, 1], [], []>, transpose_lhs_hint = false} : vector<1024x16xf32>, vector<16x16xf32>, vector<1024x16xf32> -> vector<1024x16xf32>
    %add3A_16 = arith.addf %div3A_8, %dot_general3A_15 : vector<1024x16xf32>
    %get3A_17 = arith.constant 0 : index
    %get3A_18 = arith.constant 0 : index
    %get3A_19 = vector.load %arg5[%get3A_17, %get3A_18] : memref<1x16xf32, #tpu.memory_space<vmem>>, vector<1x16xf32>
    %add3A_20 = vector.broadcast %get3A_19 : vector<1x16xf32> to vector<1024x16xf32>
    %add3A_21 = arith.addf %add3A_16, %add3A_20 : vector<1024x16xf32>
    %max3A_22 = arith.constant 0.000000e+00 : f32
    %max3A_23 = vector.broadcast %max3A_22 : f32 to vector<1024x16xf32>
    %max3A_24 = arith.maximumf %add3A_21, %max3A_23 : vector<1024x16xf32>
    %swap3A = arith.constant 0 : index
    %swap3A_25 = arith.constant 0 : index
    %swap3A_26 = vector.load %arg6[%swap3A, %swap3A_25] : memref<1024x16xf32, #tpu.memory_space<vmem>>, vector<1024x16xf32>
    tpu.vector_store %arg6[%swap3A, %swap3A_25], %max3A_24 {strides = array<i32>} : memref<1024x16xf32, #tpu.memory_space<vmem>>, vector<1024x16xf32>,
    %swap3A_27 = arith.constant 0 : index
    %swap3A_28 = arith.constant 0 : index
    %swap3A_29 = vector.load %arg7[%swap3A_27, %swap3A_28] : memref<1024x1xf32, #tpu.memory_space<vmem>>, vector<1024x1xf32>
    tpu.vector_store %arg7[%swap3A_27, %swap3A_28], %slice3A {strides = array<i32>} : memref<1024x1xf32, #tpu.memory_space<vmem>>, vector<1024x1xf32>,
    return
  }
  func.func @transform_0(%arg0: i32) -> (i32, i32) {
    %c0_i32 = arith.constant 0 : i32
    %c0_i32_0 = arith.constant 0 : i32
    return %arg0, %c0_i32 : i32, i32
  }
  func.func @transform_1(%arg0: i32) -> (i32, i32) {
    %c0_i32 = arith.constant 0 : i32
    %c0_i32_0 = arith.constant 0 : i32
    return %arg0, %c0_i32 : i32, i32
  }
  func.func @transform_2(%arg0: i32) -> (i32, i32) {
    %c0_i32 = arith.constant 0 : i32
    %c0_i32_0 = arith.constant 0 : i32
    return %arg0, %c0_i32 : i32, i32
  }
  func.func @transform_3(%arg0: i32) -> (i32, i32) {
    %c0_i32 = arith.constant 0 : i32
    %c0_i32_0 = arith.constant 0 : i32
    %c0_i32_1 = arith.constant 0 : i32
    return %c0_i32, %c0_i32_0 : i32, i32
  }
  func.func @transform_4(%arg0: i32) -> (i32, i32) {
    %c0_i32 = arith.constant 0 : i32
    %c0_i32_0 = arith.constant 0 : i32
    %c0_i32_1 = arith.constant 0 : i32
    return %c0_i32, %c0_i32_0 : i32, i32
  }
  func.func @transform_5(%arg0: i32) -> (i32, i32) {
    %c0_i32 = arith.constant 0 : i32
    %c0_i32_0 = arith.constant 0 : i32
    return %arg0, %c0_i32 : i32, i32
  }
  func.func @transform_6(%arg0: i32) -> (i32, i32) {
    %c0_i32 = arith.constant 0 : i32
    %c0_i32_0 = arith.constant 0 : i32
    return %arg0, %c0_i32 : i32, i32
  }
}

module attributes {stable_mosaic.version = 14 : i64} {
  func.func @body(%arg0: i32, %arg1: memref<4x8192xf32, #tpu.memory_space<vmem>>, %arg2: memref<1024x128xf32, #tpu.memory_space<vmem>>, %arg3: memref<4x8xf32, #tpu.memory_space<vmem>>, %arg4: memref<1x8xf32, #tpu.memory_space<vmem>>, %arg5: memref<8x16xf32, #tpu.memory_space<vmem>>, %arg6: memref<1x16xf32, #tpu.memory_space<vmem>>, %arg7: memref<16x8xf32, #tpu.memory_space<vmem>>, %arg8: memref<1x8xf32, #tpu.memory_space<vmem>>, %arg9: memref<16x256xbf16, #tpu.memory_space<vmem>>, %arg10: memref<8x256xbf16, #tpu.memory_space<vmem>>, %arg11: memref<256x32xbf16, #tpu.memory_space<vmem>>, %arg12: memref<2048x128xf32, #tpu.memory_space<vmem>>) attributes {dimension_semantics = [#tpu.dimension_semantics<arbitrary>], iteration_bounds = array<i64: 20>, scalar_prefetch = 0 : i64, scratch_operands = 0 : i64, tpu.core_type = #tpu.core_type<tc>, window_params = [{transform_indices = @transform_0, window_bounds = array<i64: 4, 8192>}, {transform_indices = @transform_1, window_bounds = array<i64: 1024, 128>}, {pipeline_mode = #tpu.pipeline_mode<synchronous>, transform_indices = @transform_2, window_bounds = array<i64: 4, 8>}, {pipeline_mode = #tpu.pipeline_mode<synchronous>, transform_indices = @transform_3, window_bounds = array<i64: 1, 8>}, {pipeline_mode = #tpu.pipeline_mode<synchronous>, transform_indices = @transform_4, window_bounds = array<i64: 8, 16>}, {pipeline_mode = #tpu.pipeline_mode<synchronous>, transform_indices = @transform_5, window_bounds = array<i64: 1, 16>}, {pipeline_mode = #tpu.pipeline_mode<synchronous>, transform_indices = @transform_6, window_bounds = array<i64: 16, 8>}, {pipeline_mode = #tpu.pipeline_mode<synchronous>, transform_indices = @transform_7, window_bounds = array<i64: 1, 8>}, {pipeline_mode = #tpu.pipeline_mode<synchronous>, transform_indices = @transform_8, window_bounds = array<i64: 16, 256>}, {pipeline_mode = #tpu.pipeline_mode<synchronous>, transform_indices = @transform_9, window_bounds = array<i64: 8, 256>}, {pipeline_mode = #tpu.pipeline_mode<synchronous>, transform_indices = @transform_10, window_bounds = array<i64: 256, 32>}, {transform_indices = @transform_11, window_bounds = array<i64: 2048, 128>}]} {
    %get3A = arith.constant 0 : index
    %get3A_0 = arith.constant 0 : index
    %get3A_1 = vector.load %arg1[%get3A, %get3A_0] : memref<4x8192xf32, #tpu.memory_space<vmem>>, vector<4x8192xf32>
    %get3A_2 = arith.constant 0 : index
    %get3A_3 = arith.constant 0 : index
    %get3A_4 = vector.load %arg3[%get3A_2, %get3A_3] : memref<4x8xf32, #tpu.memory_space<vmem>>, vector<4x8xf32>
    %dot_general3A = arith.constant dense<0.000000e+00> : vector<8192x8xf32>
    %dot_general3A_5 = tpu.matmul %get3A_1, %get3A_4, %dot_general3A {dimension_numbers = #tpu.dot_dimension_numbers<[0], [0], [1], [1], [0, 1, 1, 1], [], []>, transpose_lhs_hint = false} : vector<4x8192xf32>, vector<4x8xf32>, vector<8192x8xf32> -> vector<8192x8xf32>
    %get3A_6 = arith.constant 0 : index
    %get3A_7 = arith.constant 0 : index
    %get3A_8 = vector.load %arg4[%get3A_6, %get3A_7] : memref<1x8xf32, #tpu.memory_space<vmem>>, vector<1x8xf32>
    %add3A = vector.broadcast %get3A_8 : vector<1x8xf32> to vector<8192x8xf32>
    %add3A_9 = arith.addf %dot_general3A_5, %add3A : vector<8192x8xf32>
    %max3A = arith.constant 0.000000e+00 : f32
    %max3A_10 = vector.broadcast %max3A : f32 to vector<8192x8xf32>
    %max3A_11 = arith.maximumf %add3A_9, %max3A_10 : vector<8192x8xf32>
    %get3A_12 = arith.constant 0 : index
    %get3A_13 = arith.constant 0 : index
    %get3A_14 = vector.load %arg5[%get3A_12, %get3A_13] : memref<8x16xf32, #tpu.memory_space<vmem>>, vector<8x16xf32>
    %dot_general3A_15 = arith.constant dense<0.000000e+00> : vector<8192x16xf32>
    %dot_general3A_16 = tpu.matmul %max3A_11, %get3A_14, %dot_general3A_15 {dimension_numbers = #tpu.dot_dimension_numbers<[1], [0], [0], [1], [0, 0, 1, 1], [], []>, transpose_lhs_hint = false} : vector<8192x8xf32>, vector<8x16xf32>, vector<8192x16xf32> -> vector<8192x16xf32>
    %get3A_17 = arith.constant 0 : index
    %get3A_18 = arith.constant 0 : index
    %get3A_19 = vector.load %arg6[%get3A_17, %get3A_18] : memref<1x16xf32, #tpu.memory_space<vmem>>, vector<1x16xf32>
    %add3A_20 = vector.broadcast %get3A_19 : vector<1x16xf32> to vector<8192x16xf32>
    %add3A_21 = arith.addf %dot_general3A_16, %add3A_20 : vector<8192x16xf32>
    %max3A_22 = arith.constant 0.000000e+00 : f32
    %max3A_23 = vector.broadcast %max3A_22 : f32 to vector<8192x16xf32>
    %max3A_24 = arith.maximumf %add3A_21, %max3A_23 : vector<8192x16xf32>
    %get3A_25 = arith.constant 0 : index
    %get3A_26 = arith.constant 0 : index
    %get3A_27 = vector.load %arg7[%get3A_25, %get3A_26] : memref<16x8xf32, #tpu.memory_space<vmem>>, vector<16x8xf32>
    %dot_general3A_28 = arith.constant dense<0.000000e+00> : vector<8192x8xf32>
    %dot_general3A_29 = tpu.matmul %max3A_24, %get3A_27, %dot_general3A_28 {dimension_numbers = #tpu.dot_dimension_numbers<[1], [0], [0], [1], [0, 0, 1, 1], [], []>, transpose_lhs_hint = false} : vector<8192x16xf32>, vector<16x8xf32>, vector<8192x8xf32> -> vector<8192x8xf32>
    %get3A_30 = arith.constant 0 : index
    %get3A_31 = arith.constant 0 : index
    %get3A_32 = vector.load %arg8[%get3A_30, %get3A_31] : memref<1x8xf32, #tpu.memory_space<vmem>>, vector<1x8xf32>
    %add3A_33 = vector.broadcast %get3A_32 : vector<1x8xf32> to vector<8192x8xf32>
    %add3A_34 = arith.addf %dot_general3A_29, %add3A_33 : vector<8192x8xf32>
    %max3A_35 = arith.constant 0.000000e+00 : f32
    %max3A_36 = vector.broadcast %max3A_35 : f32 to vector<8192x8xf32>
    %max3A_37 = arith.maximumf %add3A_34, %max3A_36 : vector<8192x8xf32>
    %get3A_38 = arith.constant 0 : index
    %get3A_39 = arith.constant 0 : index
    %get3A_40 = vector.load %arg2[%get3A_38, %get3A_39] : memref<1024x128xf32, #tpu.memory_space<vmem>>, vector<1024x16xf32>
    %convert_element_type3A = arith.truncf %get3A_40 : vector<1024x16xf32> to vector<1024x16xbf16>
    %get3A_41 = arith.constant 0 : index
    %get3A_42 = arith.constant 0 : index
    %get3A_43 = vector.load %arg9[%get3A_41, %get3A_42] : memref<16x256xbf16, #tpu.memory_space<vmem>>, vector<16x256xbf16>
    %dot_general3A_44 = arith.constant dense<0.000000e+00> : vector<1024x256xf32>
    %dot_general3A_45 = tpu.matmul %convert_element_type3A, %get3A_43, %dot_general3A_44 {dimension_numbers = #tpu.dot_dimension_numbers<[1], [0], [0], [1], [0, 0, 1, 1], [], []>, transpose_lhs_hint = false} : vector<1024x16xbf16>, vector<16x256xbf16>, vector<1024x256xf32> -> vector<1024x256xf32>
    %get3A_46 = arith.constant 0 : index
    %get3A_47 = arith.constant 16 : index
    %get3A_48 = vector.load %arg2[%get3A_46, %get3A_47] : memref<1024x128xf32, #tpu.memory_space<vmem>>, vector<1024x16xf32>
    %convert_element_type3A_49 = arith.truncf %get3A_48 : vector<1024x16xf32> to vector<1024x16xbf16>
    %get3A_50 = arith.constant 0 : index
    %get3A_51 = arith.constant 0 : index
    %get3A_52 = vector.load %arg9[%get3A_50, %get3A_51] : memref<16x256xbf16, #tpu.memory_space<vmem>>, vector<16x256xbf16>
    %dot_general3A_53 = arith.constant dense<0.000000e+00> : vector<1024x256xf32>
    %dot_general3A_54 = tpu.matmul %convert_element_type3A_49, %get3A_52, %dot_general3A_53 {dimension_numbers = #tpu.dot_dimension_numbers<[1], [0], [0], [1], [0, 0, 1, 1], [], []>, transpose_lhs_hint = false} : vector<1024x16xbf16>, vector<16x256xbf16>, vector<1024x256xf32> -> vector<1024x256xf32>
    %get3A_55 = arith.constant 0 : index
    %get3A_56 = arith.constant 32 : index
    %get3A_57 = vector.load %arg2[%get3A_55, %get3A_56] : memref<1024x128xf32, #tpu.memory_space<vmem>>, vector<1024x16xf32>
    %convert_element_type3A_58 = arith.truncf %get3A_57 : vector<1024x16xf32> to vector<1024x16xbf16>
    %get3A_59 = arith.constant 0 : index
    %get3A_60 = arith.constant 0 : index
    %get3A_61 = vector.load %arg9[%get3A_59, %get3A_60] : memref<16x256xbf16, #tpu.memory_space<vmem>>, vector<16x256xbf16>
    %dot_general3A_62 = arith.constant dense<0.000000e+00> : vector<1024x256xf32>
    %dot_general3A_63 = tpu.matmul %convert_element_type3A_58, %get3A_61, %dot_general3A_62 {dimension_numbers = #tpu.dot_dimension_numbers<[1], [0], [0], [1], [0, 0, 1, 1], [], []>, transpose_lhs_hint = false} : vector<1024x16xbf16>, vector<16x256xbf16>, vector<1024x256xf32> -> vector<1024x256xf32>
    %get3A_64 = arith.constant 0 : index
    %get3A_65 = arith.constant 48 : index
    %get3A_66 = vector.load %arg2[%get3A_64, %get3A_65] : memref<1024x128xf32, #tpu.memory_space<vmem>>, vector<1024x16xf32>
    %convert_element_type3A_67 = arith.truncf %get3A_66 : vector<1024x16xf32> to vector<1024x16xbf16>
    %get3A_68 = arith.constant 0 : index
    %get3A_69 = arith.constant 0 : index
    %get3A_70 = vector.load %arg9[%get3A_68, %get3A_69] : memref<16x256xbf16, #tpu.memory_space<vmem>>, vector<16x256xbf16>
    %dot_general3A_71 = arith.constant dense<0.000000e+00> : vector<1024x256xf32>
    %dot_general3A_72 = tpu.matmul %convert_element_type3A_67, %get3A_70, %dot_general3A_71 {dimension_numbers = #tpu.dot_dimension_numbers<[1], [0], [0], [1], [0, 0, 1, 1], [], []>, transpose_lhs_hint = false} : vector<1024x16xbf16>, vector<16x256xbf16>, vector<1024x256xf32> -> vector<1024x256xf32>
    %get3A_73 = arith.constant 0 : index
    %get3A_74 = arith.constant 64 : index
    %get3A_75 = vector.load %arg2[%get3A_73, %get3A_74] : memref<1024x128xf32, #tpu.memory_space<vmem>>, vector<1024x16xf32>
    %convert_element_type3A_76 = arith.truncf %get3A_75 : vector<1024x16xf32> to vector<1024x16xbf16>
    %get3A_77 = arith.constant 0 : index
    %get3A_78 = arith.constant 0 : index
    %get3A_79 = vector.load %arg9[%get3A_77, %get3A_78] : memref<16x256xbf16, #tpu.memory_space<vmem>>, vector<16x256xbf16>
    %dot_general3A_80 = arith.constant dense<0.000000e+00> : vector<1024x256xf32>
    %dot_general3A_81 = tpu.matmul %convert_element_type3A_76, %get3A_79, %dot_general3A_80 {dimension_numbers = #tpu.dot_dimension_numbers<[1], [0], [0], [1], [0, 0, 1, 1], [], []>, transpose_lhs_hint = false} : vector<1024x16xbf16>, vector<16x256xbf16>, vector<1024x256xf32> -> vector<1024x256xf32>
    %get3A_82 = arith.constant 0 : index
    %get3A_83 = arith.constant 80 : index
    %get3A_84 = vector.load %arg2[%get3A_82, %get3A_83] : memref<1024x128xf32, #tpu.memory_space<vmem>>, vector<1024x16xf32>
    %convert_element_type3A_85 = arith.truncf %get3A_84 : vector<1024x16xf32> to vector<1024x16xbf16>
    %get3A_86 = arith.constant 0 : index
    %get3A_87 = arith.constant 0 : index
    %get3A_88 = vector.load %arg9[%get3A_86, %get3A_87] : memref<16x256xbf16, #tpu.memory_space<vmem>>, vector<16x256xbf16>
    %dot_general3A_89 = arith.constant dense<0.000000e+00> : vector<1024x256xf32>
    %dot_general3A_90 = tpu.matmul %convert_element_type3A_85, %get3A_88, %dot_general3A_89 {dimension_numbers = #tpu.dot_dimension_numbers<[1], [0], [0], [1], [0, 0, 1, 1], [], []>, transpose_lhs_hint = false} : vector<1024x16xbf16>, vector<16x256xbf16>, vector<1024x256xf32> -> vector<1024x256xf32>
    %get3A_91 = arith.constant 0 : index
    %get3A_92 = arith.constant 96 : index
    %get3A_93 = vector.load %arg2[%get3A_91, %get3A_92] : memref<1024x128xf32, #tpu.memory_space<vmem>>, vector<1024x16xf32>
    %convert_element_type3A_94 = arith.truncf %get3A_93 : vector<1024x16xf32> to vector<1024x16xbf16>
    %get3A_95 = arith.constant 0 : index
    %get3A_96 = arith.constant 0 : index
    %get3A_97 = vector.load %arg9[%get3A_95, %get3A_96] : memref<16x256xbf16, #tpu.memory_space<vmem>>, vector<16x256xbf16>
    %dot_general3A_98 = arith.constant dense<0.000000e+00> : vector<1024x256xf32>
    %dot_general3A_99 = tpu.matmul %convert_element_type3A_94, %get3A_97, %dot_general3A_98 {dimension_numbers = #tpu.dot_dimension_numbers<[1], [0], [0], [1], [0, 0, 1, 1], [], []>, transpose_lhs_hint = false} : vector<1024x16xbf16>, vector<16x256xbf16>, vector<1024x256xf32> -> vector<1024x256xf32>
    %get3A_100 = arith.constant 0 : index
    %get3A_101 = arith.constant 112 : index
    %get3A_102 = vector.load %arg2[%get3A_100, %get3A_101] : memref<1024x128xf32, #tpu.memory_space<vmem>>, vector<1024x16xf32>
    %convert_element_type3A_103 = arith.truncf %get3A_102 : vector<1024x16xf32> to vector<1024x16xbf16>
    %get3A_104 = arith.constant 0 : index
    %get3A_105 = arith.constant 0 : index
    %get3A_106 = vector.load %arg9[%get3A_104, %get3A_105] : memref<16x256xbf16, #tpu.memory_space<vmem>>, vector<16x256xbf16>
    %dot_general3A_107 = arith.constant dense<0.000000e+00> : vector<1024x256xf32>
    %dot_general3A_108 = tpu.matmul %convert_element_type3A_103, %get3A_106, %dot_general3A_107 {dimension_numbers = #tpu.dot_dimension_numbers<[1], [0], [0], [1], [0, 0, 1, 1], [], []>, transpose_lhs_hint = false} : vector<1024x16xbf16>, vector<16x256xbf16>, vector<1024x256xf32> -> vector<1024x256xf32>
    %concatenate3A = tpu.concatenate %dot_general3A_45, %dot_general3A_54, %dot_general3A_63, %dot_general3A_72, %dot_general3A_81, %dot_general3A_90, %dot_general3A_99, %dot_general3A_108 in 0 : vector<1024x256xf32>, vector<1024x256xf32>, vector<1024x256xf32>, vector<1024x256xf32>, vector<1024x256xf32>, vector<1024x256xf32>, vector<1024x256xf32>, vector<1024x256xf32> -> vector<8192x256xf32>
    %convert_element_type3A_109 = arith.truncf %max3A_37 : vector<8192x8xf32> to vector<8192x8xbf16>
    %get3A_110 = arith.constant 0 : index
    %get3A_111 = arith.constant 0 : index
    %get3A_112 = vector.load %arg10[%get3A_110, %get3A_111] : memref<8x256xbf16, #tpu.memory_space<vmem>>, vector<8x256xbf16>
    %dot_general3A_113 = arith.constant dense<0.000000e+00> : vector<8192x256xf32>
    %dot_general3A_114 = tpu.matmul %convert_element_type3A_109, %get3A_112, %dot_general3A_113 {dimension_numbers = #tpu.dot_dimension_numbers<[1], [0], [0], [1], [0, 0, 1, 1], [], []>, transpose_lhs_hint = false} : vector<8192x8xbf16>, vector<8x256xbf16>, vector<8192x256xf32> -> vector<8192x256xf32>
    %mul3A = arith.mulf %dot_general3A_114, %concatenate3A : vector<8192x256xf32>
    %convert_element_type3A_115 = arith.truncf %mul3A : vector<8192x256xf32> to vector<8192x256xbf16>
    %get3A_116 = arith.constant 0 : index
    %get3A_117 = arith.constant 0 : index
    %get3A_118 = vector.load %arg11[%get3A_116, %get3A_117] : memref<256x32xbf16, #tpu.memory_space<vmem>>, vector<256x32xbf16>
    %dot_general3A_119 = arith.constant dense<0.000000e+00> : vector<8192x32xf32>
    %dot_general3A_120 = tpu.matmul %convert_element_type3A_115, %get3A_118, %dot_general3A_119 {dimension_numbers = #tpu.dot_dimension_numbers<[1], [0], [0], [1], [0, 0, 1, 1], [], []>, transpose_lhs_hint = false} : vector<8192x256xbf16>, vector<256x32xbf16>, vector<8192x32xf32> -> vector<8192x32xf32>
    %iota3A = tpu.iota {dimensions = array<i32: 0>} : vector<8192x1xi32>
    %mul3A_121 = arith.constant 8192 : i32
    %mul3A_122 = arith.muli %arg0, %mul3A_121 : i32
    %add3A_123 = vector.broadcast %mul3A_122 : i32 to vector<8192x1xi32>
    %add3A_124 = arith.addi %iota3A, %add3A_123 : vector<8192x1xi32>
    %lt3A = arith.constant 160000 : i32
    %lt3A_125 = vector.broadcast %lt3A : i32 to vector<8192x1xi32>
    %lt3A_126 = arith.cmpi slt, %add3A_124, %lt3A_125 : vector<8192x1xi32>
    %convert_element_type3A_127 = arith.extui %lt3A_126 : vector<8192x1xi1> to vector<8192x1xi32>
    %convert_element_type3A_128 = arith.sitofp %convert_element_type3A_127 : vector<8192x1xi32> to vector<8192x1xf32>
    %mul3A_129 = vector.broadcast %convert_element_type3A_128 : vector<8192x1xf32> to vector<8192x32xf32>
    %mul3A_130 = arith.mulf %dot_general3A_120, %mul3A_129 : vector<8192x32xf32>
    %slice3A = vector.extract_strided_slice %mul3A_130 {offsets = [0, 0], sizes = [2048, 32], strides = [1, 1]} : vector<8192x32xf32> to vector<2048x32xf32>
    %slice3A_131 = vector.extract_strided_slice %mul3A_130 {offsets = [2048, 0], sizes = [2048, 32], strides = [1, 1]} : vector<8192x32xf32> to vector<2048x32xf32>
    %slice3A_132 = vector.extract_strided_slice %mul3A_130 {offsets = [4096, 0], sizes = [2048, 32], strides = [1, 1]} : vector<8192x32xf32> to vector<2048x32xf32>
    %slice3A_133 = vector.extract_strided_slice %mul3A_130 {offsets = [6144, 0], sizes = [2048, 32], strides = [1, 1]} : vector<8192x32xf32> to vector<2048x32xf32>
    %concatenate3A_134 = tpu.concatenate %slice3A, %slice3A_131, %slice3A_132, %slice3A_133 in 1 : vector<2048x32xf32>, vector<2048x32xf32>, vector<2048x32xf32>, vector<2048x32xf32> -> vector<2048x128xf32>
    %swap3A = arith.constant 0 : index
    %swap3A_135 = arith.constant 0 : index
    %swap3A_136 = vector.load %arg12[%swap3A, %swap3A_135] : memref<2048x128xf32, #tpu.memory_space<vmem>>, vector<2048x128xf32>
    tpu.vector_store %arg12[%swap3A, %swap3A_135], %concatenate3A_134 {strides = array<i32>} : memref<2048x128xf32, #tpu.memory_space<vmem>>, vector<2048x128xf32>,
    return
  }
  func.func @transform_0(%arg0: i32) -> (i32, i32) {
    %c0_i32 = arith.constant 0 : i32
    %c0_i32_0 = arith.constant 0 : i32
    return %c0_i32, %arg0 : i32, i32
  }
  func.func @transform_1(%arg0: i32) -> (i32, i32) {
    %c0_i32 = arith.constant 0 : i32
    %c0_i32_0 = arith.constant 0 : i32
    return %arg0, %c0_i32 : i32, i32
  }
  func.func @transform_2(%arg0: i32) -> (i32, i32) {
    %c0_i32 = arith.constant 0 : i32
    %c0_i32_0 = arith.constant 0 : i32
    %c0_i32_1 = arith.constant 0 : i32
    return %c0_i32, %c0_i32_0 : i32, i32
  }
  func.func @transform_3(%arg0: i32) -> (i32, i32) {
    %c0_i32 = arith.constant 0 : i32
    %c0_i32_0 = arith.constant 0 : i32
    %c0_i32_1 = arith.constant 0 : i32
    return %c0_i32, %c0_i32_0 : i32, i32
  }
  func.func @transform_4(%arg0: i32) -> (i32, i32) {
    %c0_i32 = arith.constant 0 : i32
    %c0_i32_0 = arith.constant 0 : i32
    %c0_i32_1 = arith.constant 0 : i32
    return %c0_i32, %c0_i32_0 : i32, i32
  }
  func.func @transform_5(%arg0: i32) -> (i32, i32) {
    %c0_i32 = arith.constant 0 : i32
    %c0_i32_0 = arith.constant 0 : i32
    %c0_i32_1 = arith.constant 0 : i32
    return %c0_i32, %c0_i32_0 : i32, i32
  }
  func.func @transform_6(%arg0: i32) -> (i32, i32) {
    %c0_i32 = arith.constant 0 : i32
    %c0_i32_0 = arith.constant 0 : i32
    %c0_i32_1 = arith.constant 0 : i32
    return %c0_i32, %c0_i32_0 : i32, i32
  }
  func.func @transform_7(%arg0: i32) -> (i32, i32) {
    %c0_i32 = arith.constant 0 : i32
    %c0_i32_0 = arith.constant 0 : i32
    %c0_i32_1 = arith.constant 0 : i32
    return %c0_i32, %c0_i32_0 : i32, i32
  }
  func.func @transform_8(%arg0: i32) -> (i32, i32) {
    %c0_i32 = arith.constant 0 : i32
    %c0_i32_0 = arith.constant 0 : i32
    %c0_i32_1 = arith.constant 0 : i32
    return %c0_i32, %c0_i32_0 : i32, i32
  }
  func.func @transform_9(%arg0: i32) -> (i32, i32) {
    %c0_i32 = arith.constant 0 : i32
    %c0_i32_0 = arith.constant 0 : i32
    %c0_i32_1 = arith.constant 0 : i32
    return %c0_i32, %c0_i32_0 : i32, i32
  }
  func.func @transform_10(%arg0: i32) -> (i32, i32) {
    %c0_i32 = arith.constant 0 : i32
    %c0_i32_0 = arith.constant 0 : i32
    %c0_i32_1 = arith.constant 0 : i32
    return %c0_i32, %c0_i32_0 : i32, i32
  }
  func.func @transform_11(%arg0: i32) -> (i32, i32) {
    %c0_i32 = arith.constant 0 : i32
    %c0_i32_0 = arith.constant 0 : i32
    return %arg0, %c0_i32 : i32, i32
  }
}

module attributes {stable_mosaic.version = 14 : i64} {
  func.func @body(%arg0: i32, %arg1: memref<10000x32xf32, #tpu.memory_space<vmem>>, %arg2: memref<10000x32xf32, #tpu.memory_space<vmem>>, %arg3: memref<10000x1xf32, #tpu.memory_space<vmem>>, %arg4: memref<10000x16xf32, #tpu.memory_space<vmem>>, %arg5: memref<16x10000xf32, #tpu.memory_space<vmem>>, %arg6: memref<16x32xf32, #tpu.memory_space<vmem>>, %arg7: memref<1x32xf32, #tpu.memory_space<vmem>>, %arg8: memref<32x16xf32, #tpu.memory_space<vmem>>, %arg9: memref<16x1xf32, #tpu.memory_space<vmem>>, %arg10: memref<32x16xf32, #tpu.memory_space<vmem>>, %arg11: memref<16x1xf32, #tpu.memory_space<vmem>>, %arg12: memref<16x64xf32, #tpu.memory_space<vmem>>, %arg13: memref<64x1xf32, #tpu.memory_space<vmem>>, %arg14: memref<64x64xf32, #tpu.memory_space<vmem>>, %arg15: memref<64x1xf32, #tpu.memory_space<vmem>>, %arg16: memref<64x32xf32, #tpu.memory_space<vmem>>, %arg17: memref<32x1xf32, #tpu.memory_space<vmem>>, %arg18: memref<32x140xf32, #tpu.memory_space<vmem>>, %arg19: memref<140x1xf32, #tpu.memory_space<vmem>>, %arg20: memref<16x64xf32, #tpu.memory_space<vmem>>, %arg21: memref<64x1xf32, #tpu.memory_space<vmem>>, %arg22: memref<64x64xf32, #tpu.memory_space<vmem>>, %arg23: memref<64x1xf32, #tpu.memory_space<vmem>>, %arg24: memref<64x32xf32, #tpu.memory_space<vmem>>, %arg25: memref<32x1xf32, #tpu.memory_space<vmem>>, %arg26: memref<32x9xf32, #tpu.memory_space<vmem>>, %arg27: memref<9x1xf32, #tpu.memory_space<vmem>>, %arg28: memref<16x64xf32, #tpu.memory_space<vmem>>, %arg29: memref<64x1xf32, #tpu.memory_space<vmem>>, %arg30: memref<64x64xf32, #tpu.memory_space<vmem>>, %arg31: memref<64x1xf32, #tpu.memory_space<vmem>>, %arg32: memref<64x32xf32, #tpu.memory_space<vmem>>, %arg33: memref<32x1xf32, #tpu.memory_space<vmem>>, %arg34: memref<32x180xf32, #tpu.memory_space<vmem>>, %arg35: memref<180x1xf32, #tpu.memory_space<vmem>>, %arg36: memref<140x10000xf32, #tpu.memory_space<vmem>>, %arg37: memref<9x10000xf32, #tpu.memory_space<vmem>>, %arg38: memref<180x10000xf32, #tpu.memory_space<vmem>>, %arg39: memref<16x10000xf32, #tpu.memory_space<vmem>>, %arg40: memref<16x10000xf32, #tpu.memory_space<vmem>>) attributes {dimension_semantics = [#tpu.dimension_semantics<arbitrary>], iteration_bounds = array<i64: 1>, scalar_prefetch = 0 : i64, scratch_operands = 0 : i64, tpu.core_type = #tpu.core_type<tc>, window_params = [{transform_indices = @transform_0, window_bounds = array<i64: 10000, 32>}, {transform_indices = @transform_1, window_bounds = array<i64: 10000, 32>}, {transform_indices = @transform_2, window_bounds = array<i64: 10000, 1>}, {transform_indices = @transform_3, window_bounds = array<i64: 10000, 16>}, {pipeline_mode = #tpu.pipeline_mode<synchronous>, transform_indices = @transform_4, window_bounds = array<i64: 16, 10000>}, {pipeline_mode = #tpu.pipeline_mode<synchronous>, transform_indices = @transform_5, window_bounds = array<i64: 16, 32>}, {pipeline_mode = #tpu.pipeline_mode<synchronous>, transform_indices = @transform_6, window_bounds = array<i64: 1, 32>}, {pipeline_mode = #tpu.pipeline_mode<synchronous>, transform_indices = @transform_7, window_bounds = array<i64: 32, 16>}, {pipeline_mode = #tpu.pipeline_mode<synchronous>, transform_indices = @transform_8, window_bounds = array<i64: 16, 1>}, {pipeline_mode = #tpu.pipeline_mode<synchronous>, transform_indices = @transform_9, window_bounds = array<i64: 32, 16>}, {pipeline_mode = #tpu.pipeline_mode<synchronous>, transform_indices = @transform_10, window_bounds = array<i64: 16, 1>}, {pipeline_mode = #tpu.pipeline_mode<synchronous>, transform_indices = @transform_11, window_bounds = array<i64: 16, 64>}, {pipeline_mode = #tpu.pipeline_mode<synchronous>, transform_indices = @transform_12, window_bounds = array<i64: 64, 1>}, {pipeline_mode = #tpu.pipeline_mode<synchronous>, transform_indices = @transform_13, window_bounds = array<i64: 64, 64>}, {pipeline_mode = #tpu.pipeline_mode<synchronous>, transform_indices = @transform_14, window_bounds = array<i64: 64, 1>}, {pipeline_mode = #tpu.pipeline_mode<synchronous>, transform_indices = @transform_15, window_bounds = array<i64: 64, 32>}, {pipeline_mode = #tpu.pipeline_mode<synchronous>, transform_indices = @transform_16, window_bounds = array<i64: 32, 1>}, {pipeline_mode = #tpu.pipeline_mode<synchronous>, transform_indices = @transform_17, window_bounds = array<i64: 32, 140>}, {pipeline_mode = #tpu.pipeline_mode<synchronous>, transform_indices = @transform_18, window_bounds = array<i64: 140, 1>}, {pipeline_mode = #tpu.pipeline_mode<synchronous>, transform_indices = @transform_19, window_bounds = array<i64: 16, 64>}, {pipeline_mode = #tpu.pipeline_mode<synchronous>, transform_indices = @transform_20, window_bounds = array<i64: 64, 1>}, {pipeline_mode = #tpu.pipeline_mode<synchronous>, transform_indices = @transform_21, window_bounds = array<i64: 64, 64>}, {pipeline_mode = #tpu.pipeline_mode<synchronous>, transform_indices = @transform_22, window_bounds = array<i64: 64, 1>}, {pipeline_mode = #tpu.pipeline_mode<synchronous>, transform_indices = @transform_23, window_bounds = array<i64: 64, 32>}, {pipeline_mode = #tpu.pipeline_mode<synchronous>, transform_indices = @transform_24, window_bounds = array<i64: 32, 1>}, {pipeline_mode = #tpu.pipeline_mode<synchronous>, transform_indices = @transform_25, window_bounds = array<i64: 32, 9>}, {pipeline_mode = #tpu.pipeline_mode<synchronous>, transform_indices = @transform_26, window_bounds = array<i64: 9, 1>}, {pipeline_mode = #tpu.pipeline_mode<synchronous>, transform_indices = @transform_27, window_bounds = array<i64: 16, 64>}, {pipeline_mode = #tpu.pipeline_mode<synchronous>, transform_indices = @transform_28, window_bounds = array<i64: 64, 1>}, {pipeline_mode = #tpu.pipeline_mode<synchronous>, transform_indices = @transform_29, window_bounds = array<i64: 64, 64>}, {pipeline_mode = #tpu.pipeline_mode<synchronous>, transform_indices = @transform_30, window_bounds = array<i64: 64, 1>}, {pipeline_mode = #tpu.pipeline_mode<synchronous>, transform_indices = @transform_31, window_bounds = array<i64: 64, 32>}, {pipeline_mode = #tpu.pipeline_mode<synchronous>, transform_indices = @transform_32, window_bounds = array<i64: 32, 1>}, {pipeline_mode = #tpu.pipeline_mode<synchronous>, transform_indices = @transform_33, window_bounds = array<i64: 32, 180>}, {pipeline_mode = #tpu.pipeline_mode<synchronous>, transform_indices = @transform_34, window_bounds = array<i64: 180, 1>}, {pipeline_mode = #tpu.pipeline_mode<synchronous>, transform_indices = @transform_35, window_bounds = array<i64: 140, 10000>}, {pipeline_mode = #tpu.pipeline_mode<synchronous>, transform_indices = @transform_36, window_bounds = array<i64: 9, 10000>}, {pipeline_mode = #tpu.pipeline_mode<synchronous>, transform_indices = @transform_37, window_bounds = array<i64: 180, 10000>}, {pipeline_mode = #tpu.pipeline_mode<synchronous>, transform_indices = @transform_38, window_bounds = array<i64: 16, 10000>}, {pipeline_mode = #tpu.pipeline_mode<synchronous>, transform_indices = @transform_39, window_bounds = array<i64: 16, 10000>}]} {
    %get3A = arith.constant 0 : index
    %get3A_0 = arith.constant 0 : index
    %get3A_1 = vector.load %arg1[%get3A, %get3A_0] : memref<10000x32xf32, #tpu.memory_space<vmem>>, vector<10000x32xf32>
    %get3A_2 = arith.constant 0 : index
    %get3A_3 = arith.constant 0 : index
    %get3A_4 = vector.load %arg2[%get3A_2, %get3A_3] : memref<10000x32xf32, #tpu.memory_space<vmem>>, vector<10000x32xf32>
    %add3A = arith.addf %get3A_1, %get3A_4 : vector<10000x32xf32>
    %get3A_5 = arith.constant 0 : index
    %get3A_6 = arith.constant 0 : index
    %get3A_7 = vector.load %arg3[%get3A_5, %get3A_6] : memref<10000x1xf32, #tpu.memory_space<vmem>>, vector<10000x1xf32>
    %max3A = arith.constant 1.000000e+00 : f32
    %max3A_8 = vector.broadcast %max3A : f32 to vector<10000x1xf32>
    %max3A_9 = arith.maximumf %get3A_7, %max3A_8 : vector<10000x1xf32>
    %div3A = vector.broadcast %max3A_9 : vector<10000x1xf32> to vector<10000x32xf32>
    %div3A_10 = arith.divf %add3A, %div3A : vector<10000x32xf32>
    %get3A_11 = arith.constant 0 : index
    %get3A_12 = arith.constant 0 : index
    %get3A_13 = vector.load %arg4[%get3A_11, %get3A_12] : memref<10000x16xf32, #tpu.memory_space<vmem>>, vector<10000x16xf32>
    %get3A_14 = arith.constant 0 : index
    %get3A_15 = arith.constant 0 : index
    %get3A_16 = vector.load %arg6[%get3A_14, %get3A_15] : memref<16x32xf32, #tpu.memory_space<vmem>>, vector<16x32xf32>
    %dot_general3A = arith.constant dense<0.000000e+00> : vector<10000x32xf32>
    %dot_general3A_17 = tpu.matmul %get3A_13, %get3A_16, %dot_general3A {dimension_numbers = #tpu.dot_dimension_numbers<[1], [0], [0], [1], [0, 0, 1, 1], [], []>, transpose_lhs_hint = false} : vector<10000x16xf32>, vector<16x32xf32>, vector<10000x32xf32> -> vector<10000x32xf32>
    %add3A_18 = arith.addf %div3A_10, %dot_general3A_17 : vector<10000x32xf32>
    %get3A_19 = arith.constant 0 : index
    %get3A_20 = arith.constant 0 : index
    %get3A_21 = vector.load %arg7[%get3A_19, %get3A_20] : memref<1x32xf32, #tpu.memory_space<vmem>>, vector<1x32xf32>
    %add3A_22 = vector.broadcast %get3A_21 : vector<1x32xf32> to vector<10000x32xf32>
    %add3A_23 = arith.addf %add3A_18, %add3A_22 : vector<10000x32xf32>
    %max3A_24 = arith.constant 0.000000e+00 : f32
    %max3A_25 = vector.broadcast %max3A_24 : f32 to vector<10000x32xf32>
    %max3A_26 = arith.maximumf %add3A_23, %max3A_25 : vector<10000x32xf32>
    %get3A_27 = arith.constant 0 : index
    %get3A_28 = arith.constant 0 : index
    %get3A_29 = vector.load %arg8[%get3A_27, %get3A_28] : memref<32x16xf32, #tpu.memory_space<vmem>>, vector<32x16xf32>
    %dot_general3A_30 = arith.constant dense<0.000000e+00> : vector<16x10000xf32>
    %dot_general3A_31 = tpu.matmul %get3A_29, %max3A_26, %dot_general3A_30 {dimension_numbers = #tpu.dot_dimension_numbers<[0], [1], [1], [0], [0, 1, 1, 0], [], []>, transpose_lhs_hint = false} : vector<32x16xf32>, vector<10000x32xf32>, vector<16x10000xf32> -> vector<16x10000xf32>
    %get3A_32 = arith.constant 0 : index
    %get3A_33 = arith.constant 0 : index
    %get3A_34 = vector.load %arg9[%get3A_32, %get3A_33] : memref<16x1xf32, #tpu.memory_space<vmem>>, vector<16x1xf32>
    %add3A_35 = vector.broadcast %get3A_34 : vector<16x1xf32> to vector<16x10000xf32>
    %add3A_36 = arith.addf %dot_general3A_31, %add3A_35 : vector<16x10000xf32>
    %get3A_37 = arith.constant 0 : index
    %get3A_38 = arith.constant 0 : index
    %get3A_39 = vector.load %arg10[%get3A_37, %get3A_38] : memref<32x16xf32, #tpu.memory_space<vmem>>, vector<32x16xf32>
    %dot_general3A_40 = arith.constant dense<0.000000e+00> : vector<16x10000xf32>
    %dot_general3A_41 = tpu.matmul %get3A_39, %max3A_26, %dot_general3A_40 {dimension_numbers = #tpu.dot_dimension_numbers<[0], [1], [1], [0], [0, 1, 1, 0], [], []>, transpose_lhs_hint = false} : vector<32x16xf32>, vector<10000x32xf32>, vector<16x10000xf32> -> vector<16x10000xf32>
    %get3A_42 = arith.constant 0 : index
    %get3A_43 = arith.constant 0 : index
    %get3A_44 = vector.load %arg11[%get3A_42, %get3A_43] : memref<16x1xf32, #tpu.memory_space<vmem>>, vector<16x1xf32>
    %add3A_45 = vector.broadcast %get3A_44 : vector<16x1xf32> to vector<16x10000xf32>
    %add3A_46 = arith.addf %dot_general3A_41, %add3A_45 : vector<16x10000xf32>
    %mul3A = arith.constant 5.000000e-01 : f32
    %mul3A_47 = vector.broadcast %mul3A : f32 to vector<16x10000xf32>
    %mul3A_48 = arith.mulf %mul3A_47, %add3A_46 : vector<16x10000xf32>
    %exp3A = math.exp %mul3A_48 : vector<16x10000xf32>
    %get3A_49 = arith.constant 0 : index
    %get3A_50 = arith.constant 0 : index
    %get3A_51 = vector.load %arg5[%get3A_49, %get3A_50] : memref<16x10000xf32, #tpu.memory_space<vmem>>, vector<16x10000xf32>
    %mul3A_52 = arith.mulf %get3A_51, %exp3A : vector<16x10000xf32>
    %add3A_53 = arith.addf %add3A_36, %mul3A_52 : vector<16x10000xf32>
    %get3A_54 = arith.constant 0 : index
    %get3A_55 = arith.constant 0 : index
    %get3A_56 = vector.load %arg12[%get3A_54, %get3A_55] : memref<16x64xf32, #tpu.memory_space<vmem>>, vector<16x64xf32>
    %dot_general3A_57 = arith.constant dense<0.000000e+00> : vector<64x10000xf32>
    %dot_general3A_58 = tpu.matmul %get3A_56, %add3A_53, %dot_general3A_57 {dimension_numbers = #tpu.dot_dimension_numbers<[0], [0], [1], [1], [0, 1, 1, 1], [], []>, transpose_lhs_hint = false} : vector<16x64xf32>, vector<16x10000xf32>, vector<64x10000xf32> -> vector<64x10000xf32>
    %get3A_59 = arith.constant 0 : index
    %get3A_60 = arith.constant 0 : index
    %get3A_61 = vector.load %arg13[%get3A_59, %get3A_60] : memref<64x1xf32, #tpu.memory_space<vmem>>, vector<64x1xf32>
    %add3A_62 = vector.broadcast %get3A_61 : vector<64x1xf32> to vector<64x10000xf32>
    %add3A_63 = arith.addf %dot_general3A_58, %add3A_62 : vector<64x10000xf32>
    %max3A_64 = arith.constant 0.000000e+00 : f32
    %max3A_65 = vector.broadcast %max3A_64 : f32 to vector<64x10000xf32>
    %max3A_66 = arith.maximumf %add3A_63, %max3A_65 : vector<64x10000xf32>
    %get3A_67 = arith.constant 0 : index
    %get3A_68 = arith.constant 0 : index
    %get3A_69 = vector.load %arg14[%get3A_67, %get3A_68] : memref<64x64xf32, #tpu.memory_space<vmem>>, vector<64x64xf32>
    %dot_general3A_70 = arith.constant dense<0.000000e+00> : vector<64x10000xf32>
    %dot_general3A_71 = tpu.matmul %get3A_69, %max3A_66, %dot_general3A_70 {dimension_numbers = #tpu.dot_dimension_numbers<[0], [0], [1], [1], [0, 1, 1, 1], [], []>, transpose_lhs_hint = false} : vector<64x64xf32>, vector<64x10000xf32>, vector<64x10000xf32> -> vector<64x10000xf32>
    %get3A_72 = arith.constant 0 : index
    %get3A_73 = arith.constant 0 : index
    %get3A_74 = vector.load %arg15[%get3A_72, %get3A_73] : memref<64x1xf32, #tpu.memory_space<vmem>>, vector<64x1xf32>
    %add3A_75 = vector.broadcast %get3A_74 : vector<64x1xf32> to vector<64x10000xf32>
    %add3A_76 = arith.addf %dot_general3A_71, %add3A_75 : vector<64x10000xf32>
    %max3A_77 = arith.constant 0.000000e+00 : f32
    %max3A_78 = vector.broadcast %max3A_77 : f32 to vector<64x10000xf32>
    %max3A_79 = arith.maximumf %add3A_76, %max3A_78 : vector<64x10000xf32>
    %get3A_80 = arith.constant 0 : index
    %get3A_81 = arith.constant 0 : index
    %get3A_82 = vector.load %arg16[%get3A_80, %get3A_81] : memref<64x32xf32, #tpu.memory_space<vmem>>, vector<64x32xf32>
    %dot_general3A_83 = arith.constant dense<0.000000e+00> : vector<32x10000xf32>
    %dot_general3A_84 = tpu.matmul %get3A_82, %max3A_79, %dot_general3A_83 {dimension_numbers = #tpu.dot_dimension_numbers<[0], [0], [1], [1], [0, 1, 1, 1], [], []>, transpose_lhs_hint = false} : vector<64x32xf32>, vector<64x10000xf32>, vector<32x10000xf32> -> vector<32x10000xf32>
    %get3A_85 = arith.constant 0 : index
    %get3A_86 = arith.constant 0 : index
    %get3A_87 = vector.load %arg17[%get3A_85, %get3A_86] : memref<32x1xf32, #tpu.memory_space<vmem>>, vector<32x1xf32>
    %add3A_88 = vector.broadcast %get3A_87 : vector<32x1xf32> to vector<32x10000xf32>
    %add3A_89 = arith.addf %dot_general3A_84, %add3A_88 : vector<32x10000xf32>
    %max3A_90 = arith.constant 0.000000e+00 : f32
    %max3A_91 = vector.broadcast %max3A_90 : f32 to vector<32x10000xf32>
    %max3A_92 = arith.maximumf %add3A_89, %max3A_91 : vector<32x10000xf32>
    %get3A_93 = arith.constant 0 : index
    %get3A_94 = arith.constant 0 : index
    %get3A_95 = vector.load %arg18[%get3A_93, %get3A_94] : memref<32x140xf32, #tpu.memory_space<vmem>>, vector<32x140xf32>
    %dot_general3A_96 = arith.constant dense<0.000000e+00> : vector<140x10000xf32>
    %dot_general3A_97 = tpu.matmul %get3A_95, %max3A_92, %dot_general3A_96 {dimension_numbers = #tpu.dot_dimension_numbers<[0], [0], [1], [1], [0, 1, 1, 1], [], []>, transpose_lhs_hint = false} : vector<32x140xf32>, vector<32x10000xf32>, vector<140x10000xf32> -> vector<140x10000xf32>
    %get3A_98 = arith.constant 0 : index
    %get3A_99 = arith.constant 0 : index
    %get3A_100 = vector.load %arg19[%get3A_98, %get3A_99] : memref<140x1xf32, #tpu.memory_space<vmem>>, vector<140x1xf32>
    %add3A_101 = vector.broadcast %get3A_100 : vector<140x1xf32> to vector<140x10000xf32>
    %add3A_102 = arith.addf %dot_general3A_97, %add3A_101 : vector<140x10000xf32>
    %get3A_103 = arith.constant 0 : index
    %get3A_104 = arith.constant 0 : index
    %get3A_105 = vector.load %arg20[%get3A_103, %get3A_104] : memref<16x64xf32, #tpu.memory_space<vmem>>, vector<16x64xf32>
    %dot_general3A_106 = arith.constant dense<0.000000e+00> : vector<64x10000xf32>
    %dot_general3A_107 = tpu.matmul %get3A_105, %add3A_53, %dot_general3A_106 {dimension_numbers = #tpu.dot_dimension_numbers<[0], [0], [1], [1], [0, 1, 1, 1], [], []>, transpose_lhs_hint = false} : vector<16x64xf32>, vector<16x10000xf32>, vector<64x10000xf32> -> vector<64x10000xf32>
    %get3A_108 = arith.constant 0 : index
    %get3A_109 = arith.constant 0 : index
    %get3A_110 = vector.load %arg21[%get3A_108, %get3A_109] : memref<64x1xf32, #tpu.memory_space<vmem>>, vector<64x1xf32>
    %add3A_111 = vector.broadcast %get3A_110 : vector<64x1xf32> to vector<64x10000xf32>
    %add3A_112 = arith.addf %dot_general3A_107, %add3A_111 : vector<64x10000xf32>
    %max3A_113 = arith.constant 0.000000e+00 : f32
    %max3A_114 = vector.broadcast %max3A_113 : f32 to vector<64x10000xf32>
    %max3A_115 = arith.maximumf %add3A_112, %max3A_114 : vector<64x10000xf32>
    %get3A_116 = arith.constant 0 : index
    %get3A_117 = arith.constant 0 : index
    %get3A_118 = vector.load %arg22[%get3A_116, %get3A_117] : memref<64x64xf32, #tpu.memory_space<vmem>>, vector<64x64xf32>
    %dot_general3A_119 = arith.constant dense<0.000000e+00> : vector<64x10000xf32>
    %dot_general3A_120 = tpu.matmul %get3A_118, %max3A_115, %dot_general3A_119 {dimension_numbers = #tpu.dot_dimension_numbers<[0], [0], [1], [1], [0, 1, 1, 1], [], []>, transpose_lhs_hint = false} : vector<64x64xf32>, vector<64x10000xf32>, vector<64x10000xf32> -> vector<64x10000xf32>
    %get3A_121 = arith.constant 0 : index
    %get3A_122 = arith.constant 0 : index
    %get3A_123 = vector.load %arg23[%get3A_121, %get3A_122] : memref<64x1xf32, #tpu.memory_space<vmem>>, vector<64x1xf32>
    %add3A_124 = vector.broadcast %get3A_123 : vector<64x1xf32> to vector<64x10000xf32>
    %add3A_125 = arith.addf %dot_general3A_120, %add3A_124 : vector<64x10000xf32>
    %max3A_126 = arith.constant 0.000000e+00 : f32
    %max3A_127 = vector.broadcast %max3A_126 : f32 to vector<64x10000xf32>
    %max3A_128 = arith.maximumf %add3A_125, %max3A_127 : vector<64x10000xf32>
    %get3A_129 = arith.constant 0 : index
    %get3A_130 = arith.constant 0 : index
    %get3A_131 = vector.load %arg24[%get3A_129, %get3A_130] : memref<64x32xf32, #tpu.memory_space<vmem>>, vector<64x32xf32>
    %dot_general3A_132 = arith.constant dense<0.000000e+00> : vector<32x10000xf32>
    %dot_general3A_133 = tpu.matmul %get3A_131, %max3A_128, %dot_general3A_132 {dimension_numbers = #tpu.dot_dimension_numbers<[0], [0], [1], [1], [0, 1, 1, 1], [], []>, transpose_lhs_hint = false} : vector<64x32xf32>, vector<64x10000xf32>, vector<32x10000xf32> -> vector<32x10000xf32>
    %get3A_134 = arith.constant 0 : index
    %get3A_135 = arith.constant 0 : index
    %get3A_136 = vector.load %arg25[%get3A_134, %get3A_135] : memref<32x1xf32, #tpu.memory_space<vmem>>, vector<32x1xf32>
    %add3A_137 = vector.broadcast %get3A_136 : vector<32x1xf32> to vector<32x10000xf32>
    %add3A_138 = arith.addf %dot_general3A_133, %add3A_137 : vector<32x10000xf32>
    %max3A_139 = arith.constant 0.000000e+00 : f32
    %max3A_140 = vector.broadcast %max3A_139 : f32 to vector<32x10000xf32>
    %max3A_141 = arith.maximumf %add3A_138, %max3A_140 : vector<32x10000xf32>
    %get3A_142 = arith.constant 0 : index
    %get3A_143 = arith.constant 0 : index
    %get3A_144 = vector.load %arg26[%get3A_142, %get3A_143] : memref<32x9xf32, #tpu.memory_space<vmem>>, vector<32x9xf32>
    %dot_general3A_145 = arith.constant dense<0.000000e+00> : vector<9x10000xf32>
    %dot_general3A_146 = tpu.matmul %get3A_144, %max3A_141, %dot_general3A_145 {dimension_numbers = #tpu.dot_dimension_numbers<[0], [0], [1], [1], [0, 1, 1, 1], [], []>, transpose_lhs_hint = false} : vector<32x9xf32>, vector<32x10000xf32>, vector<9x10000xf32> -> vector<9x10000xf32>
    %get3A_147 = arith.constant 0 : index
    %get3A_148 = arith.constant 0 : index
    %get3A_149 = vector.load %arg27[%get3A_147, %get3A_148] : memref<9x1xf32, #tpu.memory_space<vmem>>, vector<9x1xf32>
    %add3A_150 = vector.broadcast %get3A_149 : vector<9x1xf32> to vector<9x10000xf32>
    %add3A_151 = arith.addf %dot_general3A_146, %add3A_150 : vector<9x10000xf32>
    %get3A_152 = arith.constant 0 : index
    %get3A_153 = arith.constant 0 : index
    %get3A_154 = vector.load %arg28[%get3A_152, %get3A_153] : memref<16x64xf32, #tpu.memory_space<vmem>>, vector<16x64xf32>
    %dot_general3A_155 = arith.constant dense<0.000000e+00> : vector<64x10000xf32>
    %dot_general3A_156 = tpu.matmul %get3A_154, %add3A_53, %dot_general3A_155 {dimension_numbers = #tpu.dot_dimension_numbers<[0], [0], [1], [1], [0, 1, 1, 1], [], []>, transpose_lhs_hint = false} : vector<16x64xf32>, vector<16x10000xf32>, vector<64x10000xf32> -> vector<64x10000xf32>
    %get3A_157 = arith.constant 0 : index
    %get3A_158 = arith.constant 0 : index
    %get3A_159 = vector.load %arg29[%get3A_157, %get3A_158] : memref<64x1xf32, #tpu.memory_space<vmem>>, vector<64x1xf32>
    %add3A_160 = vector.broadcast %get3A_159 : vector<64x1xf32> to vector<64x10000xf32>
    %add3A_161 = arith.addf %dot_general3A_156, %add3A_160 : vector<64x10000xf32>
    %max3A_162 = arith.constant 0.000000e+00 : f32
    %max3A_163 = vector.broadcast %max3A_162 : f32 to vector<64x10000xf32>
    %max3A_164 = arith.maximumf %add3A_161, %max3A_163 : vector<64x10000xf32>
    %get3A_165 = arith.constant 0 : index
    %get3A_166 = arith.constant 0 : index
    %get3A_167 = vector.load %arg30[%get3A_165, %get3A_166] : memref<64x64xf32, #tpu.memory_space<vmem>>, vector<64x64xf32>
    %dot_general3A_168 = arith.constant dense<0.000000e+00> : vector<64x10000xf32>
    %dot_general3A_169 = tpu.matmul %get3A_167, %max3A_164, %dot_general3A_168 {dimension_numbers = #tpu.dot_dimension_numbers<[0], [0], [1], [1], [0, 1, 1, 1], [], []>, transpose_lhs_hint = false} : vector<64x64xf32>, vector<64x10000xf32>, vector<64x10000xf32> -> vector<64x10000xf32>
    %get3A_170 = arith.constant 0 : index
    %get3A_171 = arith.constant 0 : index
    %get3A_172 = vector.load %arg31[%get3A_170, %get3A_171] : memref<64x1xf32, #tpu.memory_space<vmem>>, vector<64x1xf32>
    %add3A_173 = vector.broadcast %get3A_172 : vector<64x1xf32> to vector<64x10000xf32>
    %add3A_174 = arith.addf %dot_general3A_169, %add3A_173 : vector<64x10000xf32>
    %max3A_175 = arith.constant 0.000000e+00 : f32
    %max3A_176 = vector.broadcast %max3A_175 : f32 to vector<64x10000xf32>
    %max3A_177 = arith.maximumf %add3A_174, %max3A_176 : vector<64x10000xf32>
    %get3A_178 = arith.constant 0 : index
    %get3A_179 = arith.constant 0 : index
    %get3A_180 = vector.load %arg32[%get3A_178, %get3A_179] : memref<64x32xf32, #tpu.memory_space<vmem>>, vector<64x32xf32>
    %dot_general3A_181 = arith.constant dense<0.000000e+00> : vector<32x10000xf32>
    %dot_general3A_182 = tpu.matmul %get3A_180, %max3A_177, %dot_general3A_181 {dimension_numbers = #tpu.dot_dimension_numbers<[0], [0], [1], [1], [0, 1, 1, 1], [], []>, transpose_lhs_hint = false} : vector<64x32xf32>, vector<64x10000xf32>, vector<32x10000xf32> -> vector<32x10000xf32>
    %get3A_183 = arith.constant 0 : index
    %get3A_184 = arith.constant 0 : index
    %get3A_185 = vector.load %arg33[%get3A_183, %get3A_184] : memref<32x1xf32, #tpu.memory_space<vmem>>, vector<32x1xf32>
    %add3A_186 = vector.broadcast %get3A_185 : vector<32x1xf32> to vector<32x10000xf32>
    %add3A_187 = arith.addf %dot_general3A_182, %add3A_186 : vector<32x10000xf32>
    %max3A_188 = arith.constant 0.000000e+00 : f32
    %max3A_189 = vector.broadcast %max3A_188 : f32 to vector<32x10000xf32>
    %max3A_190 = arith.maximumf %add3A_187, %max3A_189 : vector<32x10000xf32>
    %get3A_191 = arith.constant 0 : index
    %get3A_192 = arith.constant 0 : index
    %get3A_193 = vector.load %arg34[%get3A_191, %get3A_192] : memref<32x180xf32, #tpu.memory_space<vmem>>, vector<32x180xf32>
    %dot_general3A_194 = arith.constant dense<0.000000e+00> : vector<180x10000xf32>
    %dot_general3A_195 = tpu.matmul %get3A_193, %max3A_190, %dot_general3A_194 {dimension_numbers = #tpu.dot_dimension_numbers<[0], [0], [1], [1], [0, 1, 1, 1], [], []>, transpose_lhs_hint = false} : vector<32x180xf32>, vector<32x10000xf32>, vector<180x10000xf32> -> vector<180x10000xf32>
    %get3A_196 = arith.constant 0 : index
    %get3A_197 = arith.constant 0 : index
    %get3A_198 = vector.load %arg35[%get3A_196, %get3A_197] : memref<180x1xf32, #tpu.memory_space<vmem>>, vector<180x1xf32>
    %add3A_199 = vector.broadcast %get3A_198 : vector<180x1xf32> to vector<180x10000xf32>
    %add3A_200 = arith.addf %dot_general3A_195, %add3A_199 : vector<180x10000xf32>
    %swap3A = arith.constant 0 : index
    %swap3A_201 = arith.constant 0 : index
    %swap3A_202 = vector.load %arg36[%swap3A, %swap3A_201] : memref<140x10000xf32, #tpu.memory_space<vmem>>, vector<140x10000xf32>
    tpu.vector_store %arg36[%swap3A, %swap3A_201], %add3A_102 {strides = array<i32>} : memref<140x10000xf32, #tpu.memory_space<vmem>>, vector<140x10000xf32>,
    %swap3A_203 = arith.constant 0 : index
    %swap3A_204 = arith.constant 0 : index
    %swap3A_205 = vector.load %arg37[%swap3A_203, %swap3A_204] : memref<9x10000xf32, #tpu.memory_space<vmem>>, vector<9x10000xf32>
    tpu.vector_store %arg37[%swap3A_203, %swap3A_204], %add3A_151 {strides = array<i32>} : memref<9x10000xf32, #tpu.memory_space<vmem>>, vector<9x10000xf32>,
    %swap3A_206 = arith.constant 0 : index
    %swap3A_207 = arith.constant 0 : index
    %swap3A_208 = vector.load %arg38[%swap3A_206, %swap3A_207] : memref<180x10000xf32, #tpu.memory_space<vmem>>, vector<180x10000xf32>
    tpu.vector_store %arg38[%swap3A_206, %swap3A_207], %add3A_200 {strides = array<i32>} : memref<180x10000xf32, #tpu.memory_space<vmem>>, vector<180x10000xf32>,
    %swap3A_209 = arith.constant 0 : index
    %swap3A_210 = arith.constant 0 : index
    %swap3A_211 = vector.load %arg39[%swap3A_209, %swap3A_210] : memref<16x10000xf32, #tpu.memory_space<vmem>>, vector<16x10000xf32>
    tpu.vector_store %arg39[%swap3A_209, %swap3A_210], %add3A_36 {strides = array<i32>} : memref<16x10000xf32, #tpu.memory_space<vmem>>, vector<16x10000xf32>,
    %swap3A_212 = arith.constant 0 : index
    %swap3A_213 = arith.constant 0 : index
    %swap3A_214 = vector.load %arg40[%swap3A_212, %swap3A_213] : memref<16x10000xf32, #tpu.memory_space<vmem>>, vector<16x10000xf32>
    tpu.vector_store %arg40[%swap3A_212, %swap3A_213], %add3A_46 {strides = array<i32>} : memref<16x10000xf32, #tpu.memory_space<vmem>>, vector<16x10000xf32>,
    return
  }
  func.func @transform_0(%arg0: i32) -> (i32, i32) {
    %c0_i32 = arith.constant 0 : i32
    %c0_i32_0 = arith.constant 0 : i32
    %c0_i32_1 = arith.constant 0 : i32
    return %c0_i32, %c0_i32_0 : i32, i32
  }
  func.func @transform_1(%arg0: i32) -> (i32, i32) {
    %c0_i32 = arith.constant 0 : i32
    %c0_i32_0 = arith.constant 0 : i32
    %c0_i32_1 = arith.constant 0 : i32
    return %c0_i32, %c0_i32_0 : i32, i32
  }
  func.func @transform_2(%arg0: i32) -> (i32, i32) {
    %c0_i32 = arith.constant 0 : i32
    %c0_i32_0 = arith.constant 0 : i32
    %c0_i32_1 = arith.constant 0 : i32
    return %c0_i32, %c0_i32_0 : i32, i32
  }
  func.func @transform_3(%arg0: i32) -> (i32, i32) {
    %c0_i32 = arith.constant 0 : i32
    %c0_i32_0 = arith.constant 0 : i32
    %c0_i32_1 = arith.constant 0 : i32
    return %c0_i32, %c0_i32_0 : i32, i32
  }
  func.func @transform_4(%arg0: i32) -> (i32, i32) {
    %c0_i32 = arith.constant 0 : i32
    %c0_i32_0 = arith.constant 0 : i32
    %c0_i32_1 = arith.constant 0 : i32
    return %c0_i32, %c0_i32_0 : i32, i32
  }
  func.func @transform_5(%arg0: i32) -> (i32, i32) {
    %c0_i32 = arith.constant 0 : i32
    %c0_i32_0 = arith.constant 0 : i32
    %c0_i32_1 = arith.constant 0 : i32
    return %c0_i32, %c0_i32_0 : i32, i32
  }
  func.func @transform_6(%arg0: i32) -> (i32, i32) {
    %c0_i32 = arith.constant 0 : i32
    %c0_i32_0 = arith.constant 0 : i32
    %c0_i32_1 = arith.constant 0 : i32
    return %c0_i32, %c0_i32_0 : i32, i32
  }
  func.func @transform_7(%arg0: i32) -> (i32, i32) {
    %c0_i32 = arith.constant 0 : i32
    %c0_i32_0 = arith.constant 0 : i32
    %c0_i32_1 = arith.constant 0 : i32
    return %c0_i32, %c0_i32_0 : i32, i32
  }
  func.func @transform_8(%arg0: i32) -> (i32, i32) {
    %c0_i32 = arith.constant 0 : i32
    %c0_i32_0 = arith.constant 0 : i32
    %c0_i32_1 = arith.constant 0 : i32
    return %c0_i32, %c0_i32_0 : i32, i32
  }
  func.func @transform_9(%arg0: i32) -> (i32, i32) {
    %c0_i32 = arith.constant 0 : i32
    %c0_i32_0 = arith.constant 0 : i32
    %c0_i32_1 = arith.constant 0 : i32
    return %c0_i32, %c0_i32_0 : i32, i32
  }
  func.func @transform_10(%arg0: i32) -> (i32, i32) {
    %c0_i32 = arith.constant 0 : i32
    %c0_i32_0 = arith.constant 0 : i32
    %c0_i32_1 = arith.constant 0 : i32
    return %c0_i32, %c0_i32_0 : i32, i32
  }
  func.func @transform_11(%arg0: i32) -> (i32, i32) {
    %c0_i32 = arith.constant 0 : i32
    %c0_i32_0 = arith.constant 0 : i32
    %c0_i32_1 = arith.constant 0 : i32
    return %c0_i32, %c0_i32_0 : i32, i32
  }
  func.func @transform_12(%arg0: i32) -> (i32, i32) {
    %c0_i32 = arith.constant 0 : i32
    %c0_i32_0 = arith.constant 0 : i32
    %c0_i32_1 = arith.constant 0 : i32
    return %c0_i32, %c0_i32_0 : i32, i32
  }
  func.func @transform_13(%arg0: i32) -> (i32, i32) {
    %c0_i32 = arith.constant 0 : i32
    %c0_i32_0 = arith.constant 0 : i32
    %c0_i32_1 = arith.constant 0 : i32
    return %c0_i32, %c0_i32_0 : i32, i32
  }
  func.func @transform_14(%arg0: i32) -> (i32, i32) {
    %c0_i32 = arith.constant 0 : i32
    %c0_i32_0 = arith.constant 0 : i32
    %c0_i32_1 = arith.constant 0 : i32
    return %c0_i32, %c0_i32_0 : i32, i32
  }
  func.func @transform_15(%arg0: i32) -> (i32, i32) {
    %c0_i32 = arith.constant 0 : i32
    %c0_i32_0 = arith.constant 0 : i32
    %c0_i32_1 = arith.constant 0 : i32
    return %c0_i32, %c0_i32_0 : i32, i32
  }
  func.func @transform_16(%arg0: i32) -> (i32, i32) {
    %c0_i32 = arith.constant 0 : i32
    %c0_i32_0 = arith.constant 0 : i32
    %c0_i32_1 = arith.constant 0 : i32
    return %c0_i32, %c0_i32_0 : i32, i32
  }
  func.func @transform_17(%arg0: i32) -> (i32, i32) {
    %c0_i32 = arith.constant 0 : i32
    %c0_i32_0 = arith.constant 0 : i32
    %c0_i32_1 = arith.constant 0 : i32
    return %c0_i32, %c0_i32_0 : i32, i32
  }
  func.func @transform_18(%arg0: i32) -> (i32, i32) {
    %c0_i32 = arith.constant 0 : i32
    %c0_i32_0 = arith.constant 0 : i32
    %c0_i32_1 = arith.constant 0 : i32
    return %c0_i32, %c0_i32_0 : i32, i32
  }
  func.func @transform_19(%arg0: i32) -> (i32, i32) {
    %c0_i32 = arith.constant 0 : i32
    %c0_i32_0 = arith.constant 0 : i32
    %c0_i32_1 = arith.constant 0 : i32
    return %c0_i32, %c0_i32_0 : i32, i32
  }
  func.func @transform_20(%arg0: i32) -> (i32, i32) {
    %c0_i32 = arith.constant 0 : i32
    %c0_i32_0 = arith.constant 0 : i32
    %c0_i32_1 = arith.constant 0 : i32
    return %c0_i32, %c0_i32_0 : i32, i32
  }
  func.func @transform_21(%arg0: i32) -> (i32, i32) {
    %c0_i32 = arith.constant 0 : i32
    %c0_i32_0 = arith.constant 0 : i32
    %c0_i32_1 = arith.constant 0 : i32
    return %c0_i32, %c0_i32_0 : i32, i32
  }
  func.func @transform_22(%arg0: i32) -> (i32, i32) {
    %c0_i32 = arith.constant 0 : i32
    %c0_i32_0 = arith.constant 0 : i32
    %c0_i32_1 = arith.constant 0 : i32
    return %c0_i32, %c0_i32_0 : i32, i32
  }
  func.func @transform_23(%arg0: i32) -> (i32, i32) {
    %c0_i32 = arith.constant 0 : i32
    %c0_i32_0 = arith.constant 0 : i32
    %c0_i32_1 = arith.constant 0 : i32
    return %c0_i32, %c0_i32_0 : i32, i32
  }
  func.func @transform_24(%arg0: i32) -> (i32, i32) {
    %c0_i32 = arith.constant 0 : i32
    %c0_i32_0 = arith.constant 0 : i32
    %c0_i32_1 = arith.constant 0 : i32
    return %c0_i32, %c0_i32_0 : i32, i32
  }
  func.func @transform_25(%arg0: i32) -> (i32, i32) {
    %c0_i32 = arith.constant 0 : i32
    %c0_i32_0 = arith.constant 0 : i32
    %c0_i32_1 = arith.constant 0 : i32
    return %c0_i32, %c0_i32_0 : i32, i32
  }
  func.func @transform_26(%arg0: i32) -> (i32, i32) {
    %c0_i32 = arith.constant 0 : i32
    %c0_i32_0 = arith.constant 0 : i32
    %c0_i32_1 = arith.constant 0 : i32
    return %c0_i32, %c0_i32_0 : i32, i32
  }
  func.func @transform_27(%arg0: i32) -> (i32, i32) {
    %c0_i32 = arith.constant 0 : i32
    %c0_i32_0 = arith.constant 0 : i32
    %c0_i32_1 = arith.constant 0 : i32
    return %c0_i32, %c0_i32_0 : i32, i32
  }
  func.func @transform_28(%arg0: i32) -> (i32, i32) {
    %c0_i32 = arith.constant 0 : i32
    %c0_i32_0 = arith.constant 0 : i32
    %c0_i32_1 = arith.constant 0 : i32
    return %c0_i32, %c0_i32_0 : i32, i32
  }
  func.func @transform_29(%arg0: i32) -> (i32, i32) {
    %c0_i32 = arith.constant 0 : i32
    %c0_i32_0 = arith.constant 0 : i32
    %c0_i32_1 = arith.constant 0 : i32
    return %c0_i32, %c0_i32_0 : i32, i32
  }
  func.func @transform_30(%arg0: i32) -> (i32, i32) {
    %c0_i32 = arith.constant 0 : i32
    %c0_i32_0 = arith.constant 0 : i32
    %c0_i32_1 = arith.constant 0 : i32
    return %c0_i32, %c0_i32_0 : i32, i32
  }
  func.func @transform_31(%arg0: i32) -> (i32, i32) {
    %c0_i32 = arith.constant 0 : i32
    %c0_i32_0 = arith.constant 0 : i32
    %c0_i32_1 = arith.constant 0 : i32
    return %c0_i32, %c0_i32_0 : i32, i32
  }
  func.func @transform_32(%arg0: i32) -> (i32, i32) {
    %c0_i32 = arith.constant 0 : i32
    %c0_i32_0 = arith.constant 0 : i32
    %c0_i32_1 = arith.constant 0 : i32
    return %c0_i32, %c0_i32_0 : i32, i32
  }
  func.func @transform_33(%arg0: i32) -> (i32, i32) {
    %c0_i32 = arith.constant 0 : i32
    %c0_i32_0 = arith.constant 0 : i32
    %c0_i32_1 = arith.constant 0 : i32
    return %c0_i32, %c0_i32_0 : i32, i32
  }
  func.func @transform_34(%arg0: i32) -> (i32, i32) {
    %c0_i32 = arith.constant 0 : i32
    %c0_i32_0 = arith.constant 0 : i32
    %c0_i32_1 = arith.constant 0 : i32
    return %c0_i32, %c0_i32_0 : i32, i32
  }
  func.func @transform_35(%arg0: i32) -> (i32, i32) {
    %c0_i32 = arith.constant 0 : i32
    %c0_i32_0 = arith.constant 0 : i32
    %c0_i32_1 = arith.constant 0 : i32
    return %c0_i32, %c0_i32_0 : i32, i32
  }
  func.func @transform_36(%arg0: i32) -> (i32, i32) {
    %c0_i32 = arith.constant 0 : i32
    %c0_i32_0 = arith.constant 0 : i32
    %c0_i32_1 = arith.constant 0 : i32
    return %c0_i32, %c0_i32_0 : i32, i32
  }
  func.func @transform_37(%arg0: i32) -> (i32, i32) {
    %c0_i32 = arith.constant 0 : i32
    %c0_i32_0 = arith.constant 0 : i32
    %c0_i32_1 = arith.constant 0 : i32
    return %c0_i32, %c0_i32_0 : i32, i32
  }
  func.func @transform_38(%arg0: i32) -> (i32, i32) {
    %c0_i32 = arith.constant 0 : i32
    %c0_i32_0 = arith.constant 0 : i32
    %c0_i32_1 = arith.constant 0 : i32
    return %c0_i32, %c0_i32_0 : i32, i32
  }
  func.func @transform_39(%arg0: i32) -> (i32, i32) {
    %c0_i32 = arith.constant 0 : i32
    %c0_i32_0 = arith.constant 0 : i32
    %c0_i32_1 = arith.constant 0 : i32
    return %c0_i32, %c0_i32_0 : i32, i32
  }
}

</mosaic_0001>

<sc_bundles>
// kernel: kernel.10.cloned.1.call-start
scs
__scs_entry_jumppad:
0x0: {  	(pc) =	sbr.rel $0x88, $3  }
0x1: {  	(tag) =	ssettag $0x0;
	lr =	simm.s32 $0x1  }
0x2: {  	[smem:$0x3F70] =	sst lr;
	_ =	strace $0xD0000000  }
0x3: {  	_ = 	snop  }
0x4: {  	_ = 	snop  }
0x5: {  	_ = 	snop  }
0x6: {  	_ = 	snop  }
0x7: {  	_ = 	snop  }
__scs_overlays_trampoline_lowered:
0x8: {  	[smem:$0x3F7F] =	sst s0  }
0x9: {  	[smem:$0x3F80] =	sst s1  }
0xa: {  	[smem:$0x3F81] =	sst s2  }
0xb: {  	[smem:$0x3F82] =	sst s3  }
0xc: {  	[smem:$0x3F83] =	sst s4  }
0xd: {  	[smem:$0x3F84] =	sst s5  }
0xe: {  	[smem:$0x3F85] =	sst s6  }
0xf: {  	[smem:$0x3F86] =	sst s7  }
0x10: {  	[smem:$0x3F87] =	sst s8  }
0x11: {  	[smem:$0x3F88] =	sst s9;
	s0 =	simm.s32 @!p0 $0x0  }
0x12: {  	s1 =	sld [smem:$0x3F6E];
	s0 =	simm.s32 @p0 $0x1  }
0x13: {  	[smem:$0x3F89] =	sst s0;
	s0 =	simm.s32 @!p1 $0x0  }
0x14: {  	s2 =	sld [smem:$0x3F6D];
	s0 =	simm.s32 @p1 $0x1  }
0x15: {  	[smem:$0x3F8A] =	sst s0;
	s0 =	simm.s32 @!p2 $0x0  }
0x16: {  	s3 =	sld [smem:$0x3FDB];
	s0 =	simm.s32 @p2 $0x1  }
0x17: {  	s4 =	simm.s32 $0x1BF5;
	[smem:$0x3F8C] =	sst s0  }
0x18: {  	s0 =	sld [smem:$0x3F6F];
	_ =	swait.ge [sflag:s4], $0x0  }
0x19: {  	s7 =	sld [smem:$0x3F70]  }
0x1a: {  	s8 =	sadd.s32 $0xFFFFE003, lr  }
0x1b: {  	s9 =	sadd.s32 $0xFFFFFEF7, lr;
	s5 =	simm.s32 $0xFFFFFFFF;
	p2 =	slt.u32 s8, $0xFFFFF086  }
0x1c: {  	p1 =	slt.u32 s9, $0xF7A;
	s5 =	simm.s32 @!p2 $0x0  }
0x1d: {  	s5 =	simm.s32 @p1 $0x1;
	p0 =	seq.s32 s7, s2  }
0x1e: {  	s7 =	smul.u32 @!p0 $0xF7A, s2;
	p2 =	seq.s32 @!p0 s5, $0x0  }
0x1f: {  	s9 =	smul.u32 $0xF7A, s1;
	s8 =	simm.s32 @!p0 $0x1BF5;
	p2 =	por !p2, p0  }
0x20: {  	[sflag:s8] =	ssyncset.s32 @!p0 $0xFFFFF086;
	s6 =	sadd.s32 @!p0 s3, s7;
	s7 =	simm.s32 @!p0 $0x108  }
0x21: {  	s3 =	sadd.s32 s3, s9;
	s6 =	sadd.s32 @!p0 $0x88, s6;
	s7 =	simm.s32 @p2 $0x1082  }
0x22: {  	[simem:s7], [sflag:s8] =	dma.local @!p0 [hbm:s6], $0xF7A  }
0x23: {  	s9 =	sor.u32 $0xD0000000, s2;
	s6 =	simm.s32 $0x108;
	_ =	swait.ge @!p0 [sflag:s8], $0x0  }
0x24: {  	s3 =	sadd.s32 $0x88, s3;
	s6 =	simm.s32 @!p1 $0x1082;
	[sflag:s4] =	ssyncset.s32 $0xFFFFF086  }
0x25: {  	[simem:s6], [sflag:s4] =	dma.local [hbm:s3], $0xF7A  }
0x26: {  	[smem:$0x3F70] =	sst s1;
	(tag) =	ssettag s2;
	_ =	strace s9  }
0x27: {  	s1 =	sld [smem:$0x3F80]  }
0x28: {  	s2 =	sld [smem:$0x3F81]  }
0x29: {  	s4 =	sld [smem:$0x3F83]  }
0x2a: {  	p0 =	seq.s32 s5, $0x0;
	s5 =	sld [smem:$0x3F84]  }
0x2b: {  	s6 =	sld [smem:$0x3F85]  }
0x2c: {  	s7 =	sld [smem:$0x3F86]  }
0x2d: {  	s3 =	simm.s32 $0x108;
	s8 =	sld [smem:$0x3F87]  }
0x2e: {  	s3 =	simm.s32 @!p0 $0x1082;
	s9 =	sld [smem:$0x3F88]  }
0x2f: {  	lr =	sadd.s32 s0, s3;
	s0 =	sld [smem:$0x3F7F]  }
0x30: {  	s3 =	sld [smem:$0x3F82]  }
0x31: {  	[smem:$0x3F8B] =	sst s10  }
0x32: {  	s10 =	sld [smem:$0x3F89];
	_ =	sdelay $0x3  }
0x33: {  	p0 =	seq.s32 s10, $0x1;
	s10 =	sld [smem:$0x3F8B];
	_ =	sdelay $0x3  }
0x34: {  	[smem:$0x3F8B] =	sst s10  }
0x35: {  	s10 =	sld [smem:$0x3F8A];
	_ =	sdelay $0x3  }
0x36: {  	p1 =	seq.s32 s10, $0x1;
	s10 =	sld [smem:$0x3F8B];
	_ =	sdelay $0x3  }
0x37: {  	[smem:$0x3F8B] =	sst s10  }
0x38: {  	s10 =	sld [smem:$0x3F8C]  }
0x39: {  	_ = 	snop;
	(pc) =	sbr.ind lr, $3  }
0x3a: {  	_ = 	snop  }
0x3b: {  	_ = 	snop  }
0x3c: {  	p2 =	seq.s32 s10, $0x1;
	s10 =	sld [smem:$0x3F8B]  }
0x3d: {  	_ =	shalt  }
0x3e: {  	_ =	shalt  }
0x3f: {  	_ =	shalt  }
0x40: {  	_ =	shalt  }
0x41: {  	_ =	shalt  }
0x42: {  	_ =	shalt  }
0x43: {  	_ =	shalt  }
0x44: {  	_ =	shalt  }
0x45: {  	_ =	shalt  }
0x46: {  	_ =	shalt  }
0x47: {  	_ =	shalt  }
0x48: {  	_ =	shalt  }
0x49: {  	_ =	shalt  }
0x4a: {  	_ =	shalt  }
0x4b: {  	_ =	shalt  }
0x4c: {  	_ =	shalt  }
0x4d: {  	_ =	shalt  }
0x4e: {  	_ =	shalt  }
0x4f: {  	_ =	shalt  }
0x50: {  	_ =	shalt  }
0x51: {  	_ =	shalt  }
0x52: {  	_ =	shalt  }
0x53: {  	_ =	shalt  }
0x54: {  	_ =	shalt  }
0x55: {  	_ =	shalt  }
0x56: {  	_ =	shalt  }
0x57: {  	_ =	shalt  }
0x58: {  	_ =	shalt  }
0x59: {  	_ =	shalt  }
0x5a: {  	_ =	shalt  }
0x5b: {  	_ =	shalt  }
0x5c: {  	_ =	shalt  }
0x5d: {  	_ =	shalt  }
0x5e: {  	_ =	shalt  }
0x5f: {  	_ =	shalt  }
0x60: {  	_ =	shalt  }
0x61: {  	_ =	shalt  }
0x62: {  	_ =	shalt  }
0x63: {  	_ =	shalt  }
0x64: {  	_ =	shalt  }
0x65: {  	_ =	shalt  }
0x66: {  	_ =	shalt  }
0x67: {  	_ =	shalt  }
0x68: {  	_ =	shalt  }
0x69: {  	_ =	shalt  }
0x6a: {  	_ =	shalt  }
0x6b: {  	_ =	shalt  }
0x6c: {  	_ =	shalt  }
0x6d: {  	_ =	shalt  }
0x6e: {  	_ =	shalt  }
0x6f: {  	_ =	shalt  }
0x70: {  	_ =	shalt  }
0x71: {  	_ =	shalt  }
0x72: {  	_ =	shalt  }
0x73: {  	_ =	shalt  }
0x74: {  	_ =	shalt  }
0x75: {  	_ =	shalt  }
0x76: {  	_ =	shalt  }
0x77: {  	_ =	shalt  }
0x78: {  	_ =	shalt  }
0x79: {  	_ =	shalt  }
0x7a: {  	_ =	shalt  }
0x7b: {  	_ =	shalt  }
0x7c: {  	_ =	shalt  }
0x7d: {  	_ =	shalt  }
0x7e: {  	_ =	shalt  }
0x7f: {  	_ =	shalt  }
0x80: {  	_ =	shalt  }
0x81: {  	_ =	shalt  }
0x82: {  	_ =	shalt  }
0x83: {  	_ =	shalt  }
0x84: {  	_ =	shalt  }
0x85: {  	_ =	shalt  }
0x86: {  	_ =	shalt  }
0x87: {  	_ =	shalt  }
.Lfunc_end0:
.L_simem_size_0:
called_computation_lowered:
.L_overlay_start_0:
0x88: {  	s2 =	sld [smem:$0x3FD9]  }
0x89: {  	s3 =	sld [smem:$0x3FFE];
	_ =	sdelay $0x1  }
0x8a: {  	s1 =	srdreg.scid  }
0x8b: {  	s0 =	sand.u32 $0x1, s1  }
0x8c: {  	s14 =	sshll.u32 s0, $0xA;
	s2 =	sadd.s32 s3, s2  }
0x8d: {  	s2 =	sadd.s32 s2, s14  }
0x8e: {  	[smem:$0x3F97] =	sst s2  }
0x8f: {  	_ = 	snop  }
0x90: {  	s2 =	sld [smem:$0x3FD0];
	_ =	sdelay $0x2  }
0x91: {  	s15 =	simm.s32 $0xA;
	s4 =	simm.s32 $0x10  }
0x92: {  	[smem:s4], [sflag:s15] =	dma.local [hbm:s2], $0x1  }
0x93: {  	_ =	swait.eq [sflag:s15], $0x1  }
0x94: {  	[sflag:s15] =	ssyncset.done $0x0  }
0x95: {  	[sflag:s15] =	ssyncadd.s32 $0xFFFFFFFF  }
0x96: {  	s16 =	sld [smem:$0x12];
	(tm) =	ssettm $0x1  }
0x97: {  	s17 =	sld [smem:$0x3FFB];
	_ =	sdelay $0x3  }
0x98: {  	_ =	strace s17  }
0x99: {  	s3 =	sld [smem:$0x3FFC];
	_ =	sdelay $0x3  }
0x9a: {  	_ =	strace s3  }
0x9b: {  	s3 =	sld [smem:$0x3FFD];
	_ =	sdelay $0x3  }
0x9c: {  	_ =	strace s3  }
0x9d: {  	_ =	strace $0x8FFFFFFF  }
0x9e: {  	s18 =	sld [smem:$0x3FDB];
	_ =	sdelay $0x1  }
0x9f: {  	s19 =	simm.s32 $_scs_section_size  }
0xa0: {  	s5 =	simm.s32 $_size__tile_overlayer_lowered;
	s6 =	simm.s32 $_tile_overlayer_lowered  }
0xa1: {  	s22 =	simm.s32 $0x1BFF;
	s21 =	sshll.u32 s6, $0x1;
	s3 =	sadd.s32 s19, s18  }
0xa2: {  	s7 =	simm.s32 $0x0;
	s20 =	sshll.u32 s5, $0x1;
	s5 =	sadd.s32 s21, s3  }
0xa3: {  	[timem:s7], [sflag:s22] =	dma.local [hbm:s5], s20  }
0xa4: {  	_ =	swait.ge [sflag:s22], s20  }
0xa5: {  	s4 =	ssub.s32 $0x0, s20;
	[sflag:s22] =	ssyncset.done $0x0  }
0xa6: {  	[sflag:s22] =	ssyncadd.s32 s4;
	_ =	sdelay $0x1  }
0xa7: {  	s23 =	simm.s32 $0x1B8B  }
0xa8: {  	_ =	swait.ge [sflag:s23], $0x1  }
0xa9: {  	[sflag:s23] =	ssyncset.done $0x0  }
0xaa: {  	s25 =	simm.s32 $0x1B8E;
	s24 =	sld [smem:$0x3FFE];
	[sflag:s23] =	ssyncadd.s32 $0xFFFFFFFF  }
0xab: {  	s26 =	simm.s32 $execute0_lowered;
	[smem:$0x3FD2] =	sst s25  }
0xac: {  	s5 =	sshll.u32 s26, $0x1;
	_ =	strace $0x80000046;
	[dreg:$0x1] =	wrdreg $0xFFFFFFFF  }
0xad: {  	s28 =	simm.s32 $_size_execute0_lowered;
	s3 =	sadd.s32 s3, s5;
	[dreg:$0x0] =	wrdreg $0x0  }
0xae: {  	s5 =	sshll.u32 s28, $0x1;
	[dreg:$0x2] =	wrdreg s3  }
0xaf: {  	[dreg:$0x3] =	wrdreg s5  }
0xb0: {  	[dreg:$0x4] =	wrdreg $0xC0  }
0xb1: {  	_ =	task [dreg:s7], $0x5FFFF  }
0xb2: {  	[dreg:$0x1] =	wrdreg $0xFFFFFFFF  }
0xb3: {  	[dreg:$0x0] =	wrdreg $0x60  }
0xb4: {  	[dreg:$0x2] =	wrdreg s16  }
0xb5: {  	[dreg:$0x3] =	wrdreg s24  }
0xb6: {  	[dreg:$0x4] =	wrdreg $0x9  }
0xb7: {  	_ =	task.clear_ibuf [dreg:s7], $0x5FFFF;
	_ =	strace $0x90000046  }
0xb8: {  	s29 =	simm.s32 $0x9;
	_ =	strace $0x80000048  }
0xb9: {  	_ =	swait.ge [sflag:s29], $0x1  }
0xba: {  	[sflag:s29] =	ssyncadd.s32 $0xFFFFFFFF  }
0xbb: {  	_ =	strace $0x90000048  }
0xbc: {  	_ =	sfence  }
0xbd: {  	s30 =	sld [smem:$0x0];
	_ =	sdelay $0x2  }
0xbe: {  	s31 =	sshll.u32 s1, $0xD;
	s1 =	sshrl.u32 s1, $0x2  }
0xbf: {  	s3 =	sand.u32 $0x4000, s31;
	s1 =	sadd.s32 s1, s30  }
0xc0: {  	s0 =	sor.u32 s3, s0;
	s1 =	sshll.u32 s1, $0x11  }
0xc1: {  	s0 =	sor.u32 s1, s0  }
0xc2: {  	s0 =	sadd.s32 $0x8F2B, s0  }
0xc3: {  	[sflag:s0] =	ssyncadd.remote.s32 $0x1  }
0xc4: {  	_ =	sfence.sel $0xFFFF  }
0xc5: {  	[dreg:$0x0] =	wrdreg $0xFFFFFFFF;
	(pc) =	sbr.abs _section_cstart, $3  }
0xc6: {  	[dreg:$0x1] =	wrdreg $0xFFFFFFFF  }
0xc7: {  	_ =	task.clear_ibuf [dreg:s7], $0x2FFFF;
	_ =	strace $0x9FFFFFFF  }
0xc8: {  	(tm) =	ssettm $0x7FFFFFFF  }
0xc9: {  	_ =	shalt  }
tec
execute0_lowered:
.L_overlay_start_1:
0x0: {  	(tag) =	ssettag $0x1  }
0x1: {  	s2 =	rddreg [dreg:$0x0]  }
0x2: {  	s4 =	rddreg [dreg:$0x1];
	s3 =	srdreg.scid  }
0x3: {  	s1 =	stileid.u32;
	s0 =	rddreg [dreg:$0x2];
	s9 =	simm.s32 $0x1400  }
0x4: {  	s10 =	simm.s32 $0x1C00;
	s11 =	simm.s32 $0x100;
	s12 =	simm.s32 $0x2400  }
0x5: {  	s13 =	simm.s32 $0x180;
	s14 =	simm.s32 $0x2C00;
	s15 =	simm.s32 $0x0  }
0x6: {  	s5 =	sand.u32 $0x1, s3;
	s6 =	smul.u32 $0x28000, s1;
	s7 =	sshll.u32 s1, $0x1  }
0x7: {  	s3 =	simm.s32 $0x0;
	s8 =	smul.u32 $0x14000, s5;
	s7 =	sor.u32 s5, s7  }
0x8: {  	[smem:$0x7FF] =	sst s3;
	s5 =	ssub.s32 $0x2, s5;
	s7 =	smul.u32 $0x280, s7  }
0x9: {  	_ =	strace $0x80000047;
	s31 =	sshrl.u32 s5, $0x1;
	s6 =	sadd.s32 s8, s6  }
0xa: {  	s5 =	ssub.s32 s5, s31;
	s8 =	simm.s32 $0x80;
	s6 =	sshrl.u32 s6, $0x3  }
0xb: {  	s7 =	sadd.s32 s7, s4;
	s5 =	smax.u32 s5, $0x1;
	s6 =	sadd.s32 s6, s4  }
0xc: {  	s4 =	sadd.s32 $0x8200, s7;
	s7 =	simm.s32 $0x5;
	s6 =	sadd.s32 $0xD200, s6  }
.LBB2_1:
0xd: {  	[tilespmem:s3], [sflag:$0x5] =	stream.linear.gather [hbm4b:s4+s3], $0x1400, $0x38;
	[tilespmem:$0x3400] =	vst v63  }
0xe: {  	_ =	swait.ge [sflag:s7], $0x1400  }
0xf: {  	[sflag:s7] =	ssyncset.done $0x0  }
0x10: {  	[sflag:s7] =	ssyncadd.s32 $0xFFFFEC00  }
0x11: {  	[tilespmem:s9], [sflag:$0x1] =	stream.indirect.gather [hbm4b:s2+s8], $0x10, s3, s8, $0xb8;
	[tilespmem:$0x3400] =	vst v63  }
0x12: {  	_ = 	snop  }
0x13: {  	[tilespmem:s10], [sflag:$0x2] =	stream.indirect.gather [hbm4b:s2+s8], $0x10, s8, s8, $0xb8;
	[tilespmem:$0x3400] =	vst v63  }
0x14: {  	_ = 	snop  }
0x15: {  	[tilespmem:s12], [sflag:$0x3] =	stream.indirect.gather [hbm4b:s2+s8], $0x10, s11, s8, $0xb8;
	[tilespmem:$0x3400] =	vst v63  }
0x16: {  	s16 =	simm.s32 $0x200;
	s17 =	smov.u32 s6;
	s18 =	simm.s32 $0x0  }
0x17: {  	[tilespmem:s14], [sflag:$0x4] =	stream.indirect.gather [hbm4b:s2+s8], $0x10, s13, s8, $0xb8;
	[tilespmem:$0x3400] =	vst v63  }
.LBB2_2:
0x18: {  	s19 =	sand.u32 $0x3, s18  }
0x19: {  	p0 =	sgt.s32 s19, $0x1  }
0x1a: {  	p1 =	seq.s32 @p0 s19, $0x2  }
0x1b: {  	p2 =	por !p1, !p0  }
0x1c: {  	s20 =	simm.s32 @!p2 $0x3  }
0x1d: {  	_ =	swait.ge @!p2 [sflag:s20], $0x800  }
0x1e: {  	s21 =	simm.s32 @!p2 $0x2400;
	[sflag:s20] =	ssyncset.done @!p2 $0x0  }
0x1f: {  	p3 =	sgt.u32 @!p2 s18, $0x23;
	[sflag:s20] =	ssyncadd.s32 @!p2 $0xFFFFF800;
	s20 =	simm.s32 @!p2 $0x0  }
0x20: {  	[hbm4b:s17+s20] =	stream.linear.scatter @!p2 [tilespmem:s21], [sflag:$0x5], $0x800, $0x38;
	[tilespmem:$0x3400] =	vst v63  }
0x21: {  	p3 =	por @p0 p3, !p1;
	s20 =	simm.s32 @!p2 $0x5  }
0x22: {  	p3 =	por p3, !p0;
	_ =	swait.ge @!p2 [sflag:s20], $0x800  }
0x23: {  	s21 =	simm.s32 @!p3 $0x2400;
	[sflag:s20] =	ssyncset.done @!p2 $0x0  }
0x24: {  	[sflag:s20] =	ssyncadd.s32 @!p2 $0xFFFFF800;
	s20 =	simm.s32 @!p3 $0x80;
	p2 =	por p1, !p0  }
0x25: {  	[tilespmem:s21], [sflag:$0x3] =	stream.indirect.gather @!p3 [hbm4b:s2+s20], $0x10, s16, s20, $0xb8;
	[tilespmem:$0x3400] =	vst v63  }
0x26: {  	s20 =	simm.s32 @!p2 $0x4  }
0x27: {  	_ =	swait.ge @!p2 [sflag:s20], $0x800  }
0x28: {  	[sflag:s20] =	ssyncset.done @!p2 $0x0  }
0x29: {  	s21 =	simm.s32 @!p2 $0x2C00;
	[sflag:s20] =	ssyncadd.s32 @!p2 $0xFFFFF800;
	s20 =	simm.s32 @!p2 $0x0  }
0x2a: {  	[hbm4b:s17+s20] =	stream.linear.scatter @!p2 [tilespmem:s21], [sflag:$0x5], $0x800, $0x38;
	[tilespmem:$0x3400] =	vst v63  }
0x2b: {  	p3 =	sgt.u32 @!p2 s18, $0x23;
	s20 =	simm.s32 @!p2 $0x5  }
0x2c: {  	p1 =	por @p0 p3, p1;
	_ =	swait.ge @!p2 [sflag:s20], $0x800  }
0x2d: {  	p1 =	por p1, !p0;
	[sflag:s20] =	ssyncset.done @!p2 $0x0  }
0x2e: {  	s21 =	simm.s32 @!p1 $0x2C00;
	[sflag:s20] =	ssyncadd.s32 @!p2 $0xFFFFF800;
	s20 =	simm.s32 @!p1 $0x80  }
0x2f: {  	[tilespmem:s21], [sflag:$0x4] =	stream.indirect.gather @!p1 [hbm4b:s2+s20], $0x10, s16, s20, $0xb8;
	[tilespmem:$0x3400] =	vst v63  }
0x30: {  	p1 =	seq.s32 @!p0 s19, $0x0  }
0x31: {  	p2 =	por !p1, p0  }
0x32: {  	s19 =	simm.s32 @!p2 $0x1  }
0x33: {  	_ =	swait.ge @!p2 [sflag:s19], $0x800  }
0x34: {  	s20 =	simm.s32 @!p2 $0x1400;
	[sflag:s19] =	ssyncset.done @!p2 $0x0  }
0x35: {  	p3 =	sgt.u32 @!p2 s18, $0x23;
	[sflag:s19] =	ssyncadd.s32 @!p2 $0xFFFFF800;
	s19 =	simm.s32 @!p2 $0x0  }
0x36: {  	[hbm4b:s17+s19] =	stream.linear.scatter @!p2 [tilespmem:s20], [sflag:$0x5], $0x800, $0x38;
	[tilespmem:$0x3400] =	vst v63  }
0x37: {  	p3 =	por @!p0 p3, !p1;
	s19 =	simm.s32 @!p2 $0x5  }
0x38: {  	p3 =	por p3, p0;
	_ =	swait.ge @!p2 [sflag:s19], $0x800  }
0x39: {  	s20 =	simm.s32 @!p3 $0x1400;
	[sflag:s19] =	ssyncset.done @!p2 $0x0  }
0x3a: {  	[sflag:s19] =	ssyncadd.s32 @!p2 $0xFFFFF800;
	s19 =	simm.s32 @!p3 $0x80;
	p2 =	por p1, p0  }
0x3b: {  	[tilespmem:s20], [sflag:$0x1] =	stream.indirect.gather @!p3 [hbm4b:s2+s19], $0x10, s16, s19, $0xb8;
	[tilespmem:$0x3400] =	vst v63  }
0x3c: {  	s19 =	simm.s32 @!p2 $0x2  }
0x3d: {  	_ =	swait.ge @!p2 [sflag:s19], $0x800  }
0x3e: {  	[sflag:s19] =	ssyncset.done @!p2 $0x0  }
0x3f: {  	s20 =	simm.s32 @!p2 $0x1C00;
	[sflag:s19] =	ssyncadd.s32 @!p2 $0xFFFFF800;
	s19 =	simm.s32 @!p2 $0x0  }
0x40: {  	[hbm4b:s17+s19] =	stream.linear.scatter @!p2 [tilespmem:s20], [sflag:$0x5], $0x800, $0x38;
	[tilespmem:$0x3400] =	vst v63  }
0x41: {  	p3 =	sgt.u32 @!p2 s18, $0x23;
	s19 =	simm.s32 @!p2 $0x5  }
0x42: {  	p1 =	por @!p0 p3, p1;
	_ =	swait.ge @!p2 [sflag:s19], $0x800  }
0x43: {  	s18 =	sadd.s32 $0x1, s18;
	p0 =	por p1, p0;
	[sflag:s19] =	ssyncset.done @!p2 $0x0  }
0x44: {  	s20 =	simm.s32 @!p0 $0x1C00;
	[sflag:s19] =	ssyncadd.s32 @!p2 $0xFFFFF800;
	s19 =	simm.s32 @!p0 $0x80  }
0x45: {  	[tilespmem:s20], [sflag:$0x2] =	stream.indirect.gather @!p0 [hbm4b:s2+s19], $0x10, s16, s19, $0xb8;
	[tilespmem:$0x3400] =	vst v63  }
0x46: {  	p0 =	sne.s32 s18, $0x28  }
.Ltmp0:
0x47: {  	_ = 	snop;
	(pc) =	sbr.rel @p0 .LBB2_2-.Ltmp0, $2  }
0x48: {  	_ =	sdelay $0x2  }
0x49: {  	s17 =	sadd.s32 $0x100, s17;
	s16 =	sadd.s32 $0x80, s16  }
0x4a: {  	s15 =	sadd.s32 $0x1, s15  }
0x4b: {  	p0 =	sne.s32 s15, s5  }
.Ltmp1:
0x4c: {  	_ = 	snop;
	(pc) =	sbr.rel @p0 .LBB2_1-.Ltmp1, $1  }
0x4d: {  	_ =	sdelay $0x3  }
0x4e: {  	_ =	sfence.sel $0x180000  }
0x4f: {  	[bflag:$0x0] =	sbarrier.arrive $0xFFFF  }
0x50: {  	p0 =	sne.s32 s1, $0x0;
	_ =	strace $0x90000047  }
0x51: {  	s0 =	sadd.s32 @!p0 $0x100000, s0;
	[bflag:$0x2] =	sbarrier.arrive $0xFFFF  }
0x52: {  	[sflag:s0] =	ssyncadd.tile.s32 @!p0 $0x1;
	_ =	shalt  }
.Lfunc_end2:
_tile_overlayer_lowered:
.L_overlay_start_2:
0x53: {  	(tag) =	ssettag $0x2  }
0x54: {  	s0 =	rddreg [dreg:$0x0];
	s2 =	stileid.u32  }
0x55: {  	s1 =	rddreg [dreg:$0x1];
	p0 =	sne.s32 s2, $0x0  }
0x56: {  	s3 =	rddreg [dreg:$0x2];
	[bflag:$0x3] =	sbarrier.arrive $0xFFFF;
	s2 =	simm.s32 @!p0 $0x1C05  }
0x57: {  	[timem:s3], [sflag:s2] =	dma.local @!p0 [hbm:s0], s1  }
0x58: {  	s0 =	simm.s32 @!p0 $0x5  }
0x59: {  	_ =	swait.ge @!p0 [sflag:s0], s1  }
0x5a: {  	s1 =	ssub.s32 @!p0 $0x0, s1;
	[sflag:s0] =	ssyncset.done @!p0 $0x0  }
0x5b: {  	[sflag:s0] =	ssyncadd.s32 @!p0 s1  }
0x5c: {  	[bflag:$0x3] =	sbarrier.arrive $0xFFFF  }
0x5d: {  	_ =	shalt  }

// kernel: kernel.13.cloned.1.call-start
scs
__scs_entry_jumppad:
0x0: {  	(pc) =	sbr.rel $0x88, $3  }
0x1: {  	(tag) =	ssettag $0x0;
	lr =	simm.s32 $0x1  }
0x2: {  	[smem:$0x3F70] =	sst lr;
	_ =	strace $0xD0000000  }
0x3: {  	_ = 	snop  }
0x4: {  	_ = 	snop  }
0x5: {  	_ = 	snop  }
0x6: {  	_ = 	snop  }
0x7: {  	_ = 	snop  }
__scs_overlays_trampoline_lowered:
0x8: {  	[smem:$0x3F7F] =	sst s0  }
0x9: {  	[smem:$0x3F80] =	sst s1  }
0xa: {  	[smem:$0x3F81] =	sst s2  }
0xb: {  	[smem:$0x3F82] =	sst s3  }
0xc: {  	[smem:$0x3F83] =	sst s4  }
0xd: {  	[smem:$0x3F84] =	sst s5  }
0xe: {  	[smem:$0x3F85] =	sst s6  }
0xf: {  	[smem:$0x3F86] =	sst s7  }
0x10: {  	[smem:$0x3F87] =	sst s8  }
0x11: {  	[smem:$0x3F88] =	sst s9;
	s0 =	simm.s32 @!p0 $0x0  }
0x12: {  	s1 =	sld [smem:$0x3F6E];
	s0 =	simm.s32 @p0 $0x1  }
0x13: {  	[smem:$0x3F89] =	sst s0;
	s0 =	simm.s32 @!p1 $0x0  }
0x14: {  	s2 =	sld [smem:$0x3F6D];
	s0 =	simm.s32 @p1 $0x1  }
0x15: {  	[smem:$0x3F8A] =	sst s0;
	s0 =	simm.s32 @!p2 $0x0  }
0x16: {  	s3 =	sld [smem:$0x3FDB];
	s0 =	simm.s32 @p2 $0x1  }
0x17: {  	s4 =	simm.s32 $0x1BF5;
	[smem:$0x3F8C] =	sst s0  }
0x18: {  	s0 =	sld [smem:$0x3F6F];
	_ =	swait.ge [sflag:s4], $0x0  }
0x19: {  	s7 =	sld [smem:$0x3F70]  }
0x1a: {  	s8 =	sadd.s32 $0xFFFFE003, lr  }
0x1b: {  	s9 =	sadd.s32 $0xFFFFFEF7, lr;
	s5 =	simm.s32 $0xFFFFFFFF;
	p2 =	slt.u32 s8, $0xFFFFF086  }
0x1c: {  	p1 =	slt.u32 s9, $0xF7A;
	s5 =	simm.s32 @!p2 $0x0  }
0x1d: {  	s5 =	simm.s32 @p1 $0x1;
	p0 =	seq.s32 s7, s2  }
0x1e: {  	s7 =	smul.u32 @!p0 $0xF7A, s2;
	p2 =	seq.s32 @!p0 s5, $0x0  }
0x1f: {  	s9 =	smul.u32 $0xF7A, s1;
	s8 =	simm.s32 @!p0 $0x1BF5;
	p2 =	por !p2, p0  }
0x20: {  	[sflag:s8] =	ssyncset.s32 @!p0 $0xFFFFF086;
	s6 =	sadd.s32 @!p0 s3, s7;
	s7 =	simm.s32 @!p0 $0x108  }
0x21: {  	s3 =	sadd.s32 s3, s9;
	s6 =	sadd.s32 @!p0 $0x88, s6;
	s7 =	simm.s32 @p2 $0x1082  }
0x22: {  	[simem:s7], [sflag:s8] =	dma.local @!p0 [hbm:s6], $0xF7A  }
0x23: {  	s9 =	sor.u32 $0xD0000000, s2;
	s6 =	simm.s32 $0x108;
	_ =	swait.ge @!p0 [sflag:s8], $0x0  }
0x24: {  	s3 =	sadd.s32 $0x88, s3;
	s6 =	simm.s32 @!p1 $0x1082;
	[sflag:s4] =	ssyncset.s32 $0xFFFFF086  }
0x25: {  	[simem:s6], [sflag:s4] =	dma.local [hbm:s3], $0xF7A  }
0x26: {  	[smem:$0x3F70] =	sst s1;
	(tag) =	ssettag s2;
	_ =	strace s9  }
0x27: {  	s1 =	sld [smem:$0x3F80]  }
0x28: {  	s2 =	sld [smem:$0x3F81]  }
0x29: {  	s4 =	sld [smem:$0x3F83]  }
0x2a: {  	p0 =	seq.s32 s5, $0x0;
	s5 =	sld [smem:$0x3F84]  }
0x2b: {  	s6 =	sld [smem:$0x3F85]  }
0x2c: {  	s7 =	sld [smem:$0x3F86]  }
0x2d: {  	s3 =	simm.s32 $0x108;
	s8 =	sld [smem:$0x3F87]  }
0x2e: {  	s3 =	simm.s32 @!p0 $0x1082;
	s9 =	sld [smem:$0x3F88]  }
0x2f: {  	lr =	sadd.s32 s0, s3;
	s0 =	sld [smem:$0x3F7F]  }
0x30: {  	s3 =	sld [smem:$0x3F82]  }
0x31: {  	[smem:$0x3F8B] =	sst s10  }
0x32: {  	s10 =	sld [smem:$0x3F89];
	_ =	sdelay $0x3  }
0x33: {  	p0 =	seq.s32 s10, $0x1;
	s10 =	sld [smem:$0x3F8B];
	_ =	sdelay $0x3  }
0x34: {  	[smem:$0x3F8B] =	sst s10  }
0x35: {  	s10 =	sld [smem:$0x3F8A];
	_ =	sdelay $0x3  }
0x36: {  	p1 =	seq.s32 s10, $0x1;
	s10 =	sld [smem:$0x3F8B];
	_ =	sdelay $0x3  }
0x37: {  	[smem:$0x3F8B] =	sst s10  }
0x38: {  	s10 =	sld [smem:$0x3F8C]  }
0x39: {  	_ = 	snop;
	(pc) =	sbr.ind lr, $3  }
0x3a: {  	_ = 	snop  }
0x3b: {  	_ = 	snop  }
0x3c: {  	p2 =	seq.s32 s10, $0x1;
	s10 =	sld [smem:$0x3F8B]  }
0x3d: {  	_ =	shalt  }
0x3e: {  	_ =	shalt  }
0x3f: {  	_ =	shalt  }
0x40: {  	_ =	shalt  }
0x41: {  	_ =	shalt  }
0x42: {  	_ =	shalt  }
0x43: {  	_ =	shalt  }
0x44: {  	_ =	shalt  }
0x45: {  	_ =	shalt  }
0x46: {  	_ =	shalt  }
0x47: {  	_ =	shalt  }
0x48: {  	_ =	shalt  }
0x49: {  	_ =	shalt  }
0x4a: {  	_ =	shalt  }
0x4b: {  	_ =	shalt  }
0x4c: {  	_ =	shalt  }
0x4d: {  	_ =	shalt  }
0x4e: {  	_ =	shalt  }
0x4f: {  	_ =	shalt  }
0x50: {  	_ =	shalt  }
0x51: {  	_ =	shalt  }
0x52: {  	_ =	shalt  }
0x53: {  	_ =	shalt  }
0x54: {  	_ =	shalt  }
0x55: {  	_ =	shalt  }
0x56: {  	_ =	shalt  }
0x57: {  	_ =	shalt  }
0x58: {  	_ =	shalt  }
0x59: {  	_ =	shalt  }
0x5a: {  	_ =	shalt  }
0x5b: {  	_ =	shalt  }
0x5c: {  	_ =	shalt  }
0x5d: {  	_ =	shalt  }
0x5e: {  	_ =	shalt  }
0x5f: {  	_ =	shalt  }
0x60: {  	_ =	shalt  }
0x61: {  	_ =	shalt  }
0x62: {  	_ =	shalt  }
0x63: {  	_ =	shalt  }
0x64: {  	_ =	shalt  }
0x65: {  	_ =	shalt  }
0x66: {  	_ =	shalt  }
0x67: {  	_ =	shalt  }
0x68: {  	_ =	shalt  }
0x69: {  	_ =	shalt  }
0x6a: {  	_ =	shalt  }
0x6b: {  	_ =	shalt  }
0x6c: {  	_ =	shalt  }
0x6d: {  	_ =	shalt  }
0x6e: {  	_ =	shalt  }
0x6f: {  	_ =	shalt  }
0x70: {  	_ =	shalt  }
0x71: {  	_ =	shalt  }
0x72: {  	_ =	shalt  }
0x73: {  	_ =	shalt  }
0x74: {  	_ =	shalt  }
0x75: {  	_ =	shalt  }
0x76: {  	_ =	shalt  }
0x77: {  	_ =	shalt  }
0x78: {  	_ =	shalt  }
0x79: {  	_ =	shalt  }
0x7a: {  	_ =	shalt  }
0x7b: {  	_ =	shalt  }
0x7c: {  	_ =	shalt  }
0x7d: {  	_ =	shalt  }
0x7e: {  	_ =	shalt  }
0x7f: {  	_ =	shalt  }
0x80: {  	_ =	shalt  }
0x81: {  	_ =	shalt  }
0x82: {  	_ =	shalt  }
0x83: {  	_ =	shalt  }
0x84: {  	_ =	shalt  }
0x85: {  	_ =	shalt  }
0x86: {  	_ =	shalt  }
0x87: {  	_ =	shalt  }
.Lfunc_end0:
.L_simem_size_0:
called_computation.1_lowered:
.L_overlay_start_0:
0x88: {  	s2 =	sld [smem:$0x3FD9]  }
0x89: {  	s3 =	sld [smem:$0x3FFE];
	_ =	sdelay $0x1  }
0x8a: {  	s1 =	srdreg.scid  }
0x8b: {  	s0 =	sand.u32 $0x1, s1  }
0x8c: {  	s14 =	sshll.u32 s0, $0xA;
	s2 =	sadd.s32 s3, s2  }
0x8d: {  	s2 =	sadd.s32 s2, s14  }
0x8e: {  	[smem:$0x3F97] =	sst s2  }
0x8f: {  	_ = 	snop  }
0x90: {  	s2 =	sld [smem:$0x3FD0];
	_ =	sdelay $0x2  }
0x91: {  	s15 =	simm.s32 $0xA;
	s4 =	simm.s32 $0x10  }
0x92: {  	[smem:s4], [sflag:s15] =	dma.local [hbm:s2], $0x1  }
0x93: {  	_ =	swait.eq [sflag:s15], $0x1  }
0x94: {  	[sflag:s15] =	ssyncset.done $0x0  }
0x95: {  	[sflag:s15] =	ssyncadd.s32 $0xFFFFFFFF  }
0x96: {  	s16 =	sld [smem:$0x12];
	(tm) =	ssettm $0x1  }
0x97: {  	s17 =	sld [smem:$0x3FFB];
	_ =	sdelay $0x3  }
0x98: {  	_ =	strace s17  }
0x99: {  	s3 =	sld [smem:$0x3FFC];
	_ =	sdelay $0x3  }
0x9a: {  	_ =	strace s3  }
0x9b: {  	s3 =	sld [smem:$0x3FFD];
	_ =	sdelay $0x3  }
0x9c: {  	_ =	strace s3  }
0x9d: {  	_ =	strace $0x8FFFFFFF  }
0x9e: {  	s18 =	sld [smem:$0x3FDB];
	_ =	sdelay $0x1  }
0x9f: {  	s19 =	simm.s32 $_scs_section_size  }
0xa0: {  	s5 =	simm.s32 $_size__tile_overlayer_lowered;
	s6 =	simm.s32 $_tile_overlayer_lowered  }
0xa1: {  	s22 =	simm.s32 $0x1BFF;
	s21 =	sshll.u32 s6, $0x1;
	s3 =	sadd.s32 s19, s18  }
0xa2: {  	s7 =	simm.s32 $0x0;
	s20 =	sshll.u32 s5, $0x1;
	s5 =	sadd.s32 s21, s3  }
0xa3: {  	[timem:s7], [sflag:s22] =	dma.local [hbm:s5], s20  }
0xa4: {  	_ =	swait.ge [sflag:s22], s20  }
0xa5: {  	s4 =	ssub.s32 $0x0, s20;
	[sflag:s22] =	ssyncset.done $0x0  }
0xa6: {  	[sflag:s22] =	ssyncadd.s32 s4;
	_ =	sdelay $0x1  }
0xa7: {  	s23 =	simm.s32 $0x1B8B  }
0xa8: {  	_ =	swait.ge [sflag:s23], $0x1  }
0xa9: {  	[sflag:s23] =	ssyncset.done $0x0  }
0xaa: {  	s25 =	simm.s32 $0x1B8E;
	s24 =	sld [smem:$0x3FFE];
	[sflag:s23] =	ssyncadd.s32 $0xFFFFFFFF  }
0xab: {  	s26 =	simm.s32 $execute0_lowered;
	[smem:$0x3FD2] =	sst s25  }
0xac: {  	s5 =	sshll.u32 s26, $0x1;
	_ =	strace $0x80000049;
	[dreg:$0x1] =	wrdreg $0xFFFFFFFF  }
0xad: {  	s28 =	simm.s32 $_size_execute0_lowered;
	s3 =	sadd.s32 s3, s5;
	[dreg:$0x0] =	wrdreg $0x0  }
0xae: {  	s5 =	sshll.u32 s28, $0x1;
	[dreg:$0x2] =	wrdreg s3  }
0xaf: {  	[dreg:$0x3] =	wrdreg s5  }
0xb0: {  	[dreg:$0x4] =	wrdreg $0xC0  }
0xb1: {  	_ =	task [dreg:s7], $0x5FFFF  }
0xb2: {  	[dreg:$0x1] =	wrdreg $0xFFFFFFFF  }
0xb3: {  	[dreg:$0x0] =	wrdreg $0x60  }
0xb4: {  	[dreg:$0x2] =	wrdreg s24  }
0xb5: {  	[dreg:$0x3] =	wrdreg s16  }
0xb6: {  	[dreg:$0x4] =	wrdreg $0x54000  }
0xb7: {  	[dreg:$0x5] =	wrdreg $0x9  }
0xb8: {  	_ =	task.clear_ibuf [dreg:s7], $0x6FFFF;
	_ =	strace $0x90000049  }
0xb9: {  	s29 =	simm.s32 $0x9;
	_ =	strace $0x8000004B  }
0xba: {  	_ =	swait.ge [sflag:s29], $0x1  }
0xbb: {  	[sflag:s29] =	ssyncadd.s32 $0xFFFFFFFF  }
0xbc: {  	_ =	strace $0x9000004B  }
0xbd: {  	_ =	sfence  }
0xbe: {  	s30 =	sld [smem:$0x0];
	_ =	sdelay $0x2  }
0xbf: {  	s31 =	sshll.u32 s1, $0xD;
	s1 =	sshrl.u32 s1, $0x2  }
0xc0: {  	s3 =	sand.u32 $0x4000, s31;
	s1 =	sadd.s32 s1, s30  }
0xc1: {  	s0 =	sor.u32 s3, s0;
	s1 =	sshll.u32 s1, $0x11  }
0xc2: {  	s0 =	sor.u32 s1, s0  }
0xc3: {  	s0 =	sadd.s32 $0x8F2B, s0  }
0xc4: {  	[sflag:s0] =	ssyncadd.remote.s32 $0x1  }
0xc5: {  	_ =	sfence.sel $0xFFFF  }
0xc6: {  	[dreg:$0x0] =	wrdreg $0xFFFFFFFF;
	(pc) =	sbr.abs _section_cstart, $3  }
0xc7: {  	[dreg:$0x1] =	wrdreg $0xFFFFFFFF  }
0xc8: {  	_ =	task.clear_ibuf [dreg:s7], $0x2FFFF;
	_ =	strace $0x9FFFFFFF  }
0xc9: {  	(tm) =	ssettm $0x7FFFFFFF  }
tec
execute0_lowered:
.L_overlay_start_1:
0x0: {  	(tag) =	ssettag $0x1  }
0x1: {  	s4 =	rddreg [dreg:$0x0];
	s1 =	srdreg.scid  }
0x2: {  	s0 =	stileid.u32;
	s11 =	rddreg [dreg:$0x1]  }
0x3: {  	s2 =	rddreg [dreg:$0x2];
	s3 =	simm.s32 $0x0;
	s18 =	simm.s32 $0x3400  }
0x4: {  	s19 =	simm.s32 $0x4400;
	s20 =	simm.s32 $0x0;
	s5 =	sand.u32 $0x1, s1  }
0x5: {  	s25 =	sshll.u32 s0, $0x1;
	s1 =	rddreg [dreg:$0x3];
	s9 =	smul.u32 $0x5000, s0  }
0x6: {  	[smem:$0x7FF] =	sst s3;
	s13 =	sadd.s32 $0x62200, s4;
	s28 =	smul.u32 $0x50000, s0  }
0x7: {  	s29 =	sshll.u32 s0, $0x6;
	s6 =	sor.u32 s5, s25;
	s14 =	smul.u32 $0x50000, s5  }
0x8: {  	_ =	strace $0x8000004A;
	s10 =	ssub.s32 $0x2, s5;
	s17 =	smul.u32 $0x28000, s5  }
0x9: {  	s5 =	sor.u32 $0x1C05, s29;
	s7 =	smul.u32 $0x280, s6;
	s8 =	sshrl.u32 s9, $0x3  }
0xa: {  	s12 =	smul.u32 $0x5000, s6;
	s26 =	sshrl.u32 s10, $0x1;
	s16 =	sadd.s32 s9, s2  }
0xb: {  	s15 =	ssub.s32 s10, s26;
	s30 =	sadd.s32 s9, s14;
	s10 =	sadd.s32 s17, s28  }
0xc: {  	s17 =	simm.s32 $0x2400;
	s7 =	sadd.s32 s7, s4;
	s4 =	sadd.s32 s8, s4  }
0xd: {  	s31 =	sor.u32 $0x4000, s10;
	s4 =	sadd.s32 $0xD200, s4;
	s6 =	sadd.s32 $0x5D200, s7  }
0xe: {  	s7 =	sadd.s32 s13, s12;
	s12 =	sshrl.u32 s30, $0x3;
	s14 =	sshrl.u32 s31, $0x3  }
0xf: {  	s8 =	sadd.s32 $0x200, s7;
	s9 =	sadd.s32 $0x400, s7;
	s10 =	sadd.s32 $0x600, s7  }
0x10: {  	s11 =	sadd.s32 s11, s12;
	s12 =	smax.u32 s15, $0x1;
	s13 =	sadd.s32 s14, s13  }
0x11: {  	s14 =	sshrl.u32 s16, $0x3;
	s15 =	simm.s32 $0x5;
	s16 =	simm.s32 $0x1400  }
.LBB2_1:
0x12: {  	[spmem:s14], [sflag:s5] =	dma.local [hbm:s4], $0xA00  }
0x13: {  	_ =	swait.ge [sflag:s15], $0xA00  }
0x14: {  	[sflag:s15] =	ssyncset.done $0x0  }
0x15: {  	[sflag:s15] =	ssyncadd.s32 $0xFFFFF600  }
0x16: {  	[tilespmem:s3], [sflag:$0x5] =	stream.linear.gather [hbm4b:s6+s3], $0x1400, $0x38;
	[tilespmem:$0xA400] =	vst v63  }
0x17: {  	_ =	swait.ge [sflag:s15], $0x1400  }
0x18: {  	[sflag:s15] =	ssyncset.done $0x0  }
0x19: {  	[sflag:s15] =	ssyncadd.s32 $0xFFFFEC00  }
0x1a: {  	[bflag:$0x0] =	sbarrier.arrive $0xFFFF  }
0x1b: {  	[tilespmem:s16], [sflag:$0x1] =	stream.linear.gather [hbm4b:s7+s3], $0x1000, $0x38;
	[tilespmem:$0xA400] =	vst v63  }
0x1c: {  	_ = 	snop  }
0x1d: {  	[tilespmem:s17], [sflag:$0x2] =	stream.linear.gather [hbm4b:s8+s3], $0x1000, $0x38;
	[tilespmem:$0xA400] =	vst v63  }
0x1e: {  	_ = 	snop  }
0x1f: {  	[tilespmem:s18], [sflag:$0x3] =	stream.linear.gather [hbm4b:s9+s3], $0x1000, $0x38;
	[tilespmem:$0xA400] =	vst v63  }
0x20: {  	s21 =	simm.s32 $0x0;
	s22 =	smov.u32 s13;
	s23 =	simm.s32 $0x0  }
0x21: {  	[tilespmem:s19], [sflag:$0x4] =	stream.linear.gather [hbm4b:s10+s3], $0x1000, $0x38;
	[tilespmem:$0xA400] =	vst v63  }
.LBB2_2:
0x22: {  	s24 =	sand.u32 $0x3, s23  }
0x23: {  	p0 =	sgt.s32 s24, $0x1  }
0x24: {  	p1 =	seq.s32 @p0 s24, $0x2  }
0x25: {  	p2 =	por !p1, !p0  }
0x26: {  	s25 =	simm.s32 @!p2 $0x3  }
0x27: {  	_ =	swait.ge @!p2 [sflag:s25], $0x1000  }
0x28: {  	s26 =	simm.s32 @!p2 $0x3400;
	[sflag:s25] =	ssyncset.done @!p2 $0x0  }
0x29: {  	p3 =	sgt.u32 @!p2 s23, $0x23;
	[sflag:s25] =	ssyncadd.s32 @!p2 $0xFFFFF000;
	s25 =	simm.s32 @!p2 $0x80  }
0x2a: {  	[spmem:s2] =	stream.indirect.scatter.add.f32 @!p2 [tilespmem:s26], [sflag:$0x5], $0x20, s21, s25, $0xb8;
	[tilespmem:$0xA400] =	vst v63  }
0x2b: {  	p3 =	por @p0 p3, !p1;
	s25 =	simm.s32 @!p2 $0x5  }
0x2c: {  	p3 =	por p3, !p0;
	_ =	swait.ge @!p2 [sflag:s25], $0x1000  }
0x2d: {  	s26 =	simm.s32 @!p3 $0x3400;
	[sflag:s25] =	ssyncset.done @!p2 $0x0  }
0x2e: {  	[sflag:s25] =	ssyncadd.s32 @!p2 $0xFFFFF000;
	s25 =	simm.s32 @!p3 $0x0;
	p2 =	por p1, !p0  }
0x2f: {  	[tilespmem:s26], [sflag:$0x3] =	stream.linear.gather @!p3 [hbm4b:s22+s25], $0x1000, $0x38;
	[tilespmem:$0xA400] =	vst v63  }
0x30: {  	s25 =	simm.s32 @!p2 $0x4  }
0x31: {  	_ =	swait.ge @!p2 [sflag:s25], $0x1000  }
0x32: {  	[sflag:s25] =	ssyncset.done @!p2 $0x0  }
0x33: {  	s26 =	simm.s32 @!p2 $0x4400;
	[sflag:s25] =	ssyncadd.s32 @!p2 $0xFFFFF000;
	s25 =	simm.s32 @!p2 $0x80  }
0x34: {  	[spmem:s2] =	stream.indirect.scatter.add.f32 @!p2 [tilespmem:s26], [sflag:$0x5], $0x20, s21, s25, $0xb8;
	[tilespmem:$0xA400] =	vst v63  }
0x35: {  	p3 =	sgt.u32 @!p2 s23, $0x23;
	s25 =	simm.s32 @!p2 $0x5  }
0x36: {  	p1 =	por @p0 p3, p1;
	_ =	swait.ge @!p2 [sflag:s25], $0x1000  }
0x37: {  	p1 =	por p1, !p0;
	[sflag:s25] =	ssyncset.done @!p2 $0x0  }
0x38: {  	s26 =	simm.s32 @!p1 $0x4400;
	[sflag:s25] =	ssyncadd.s32 @!p2 $0xFFFFF000;
	s25 =	simm.s32 @!p1 $0x0  }
0x39: {  	[tilespmem:s26], [sflag:$0x4] =	stream.linear.gather @!p1 [hbm4b:s22+s25], $0x1000, $0x38;
	[tilespmem:$0xA400] =	vst v63  }
0x3a: {  	p1 =	seq.s32 @!p0 s24, $0x0  }
0x3b: {  	p2 =	por !p1, p0  }
0x3c: {  	s24 =	simm.s32 @!p2 $0x1  }
0x3d: {  	_ =	swait.ge @!p2 [sflag:s24], $0x1000  }
0x3e: {  	s25 =	simm.s32 @!p2 $0x1400;
	[sflag:s24] =	ssyncset.done @!p2 $0x0  }
0x3f: {  	p3 =	sgt.u32 @!p2 s23, $0x23;
	[sflag:s24] =	ssyncadd.s32 @!p2 $0xFFFFF000;
	s24 =	simm.s32 @!p2 $0x80  }
0x40: {  	[spmem:s2] =	stream.indirect.scatter.add.f32 @!p2 [tilespmem:s25], [sflag:$0x5], $0x20, s21, s24, $0xb8;
	[tilespmem:$0xA400] =	vst v63  }
0x41: {  	p3 =	por @!p0 p3, !p1;
	s24 =	simm.s32 @!p2 $0x5  }
0x42: {  	p3 =	por p3, p0;
	_ =	swait.ge @!p2 [sflag:s24], $0x1000  }
0x43: {  	s25 =	simm.s32 @!p3 $0x1400;
	[sflag:s24] =	ssyncset.done @!p2 $0x0  }
0x44: {  	[sflag:s24] =	ssyncadd.s32 @!p2 $0xFFFFF000;
	s24 =	simm.s32 @!p3 $0x0;
	p2 =	por p1, p0  }
0x45: {  	[tilespmem:s25], [sflag:$0x1] =	stream.linear.gather @!p3 [hbm4b:s22+s24], $0x1000, $0x38;
	[tilespmem:$0xA400] =	vst v63  }
0x46: {  	s24 =	simm.s32 @!p2 $0x2  }
0x47: {  	_ =	swait.ge @!p2 [sflag:s24], $0x1000  }
0x48: {  	[sflag:s24] =	ssyncset.done @!p2 $0x0  }
0x49: {  	s25 =	simm.s32 @!p2 $0x2400;
	[sflag:s24] =	ssyncadd.s32 @!p2 $0xFFFFF000;
	s24 =	simm.s32 @!p2 $0x80  }
0x4a: {  	[spmem:s2] =	stream.indirect.scatter.add.f32 @!p2 [tilespmem:s25], [sflag:$0x5], $0x20, s21, s24, $0xb8;
	[tilespmem:$0xA400] =	vst v63  }
0x4b: {  	p3 =	sgt.u32 @!p2 s23, $0x23;
	s24 =	simm.s32 @!p2 $0x5  }
0x4c: {  	p1 =	por @!p0 p3, p1;
	_ =	swait.ge @!p2 [sflag:s24], $0x1000  }
0x4d: {  	s23 =	sadd.s32 $0x1, s23;
	p0 =	por p1, p0;
	[sflag:s24] =	ssyncset.done @!p2 $0x0  }
0x4e: {  	s25 =	simm.s32 @!p0 $0x2400;
	[sflag:s24] =	ssyncadd.s32 @!p2 $0xFFFFF000;
	s24 =	simm.s32 @!p0 $0x0  }
0x4f: {  	[tilespmem:s25], [sflag:$0x2] =	stream.linear.gather @!p0 [hbm4b:s22+s24], $0x1000, $0x38;
	[tilespmem:$0xA400] =	vst v63  }
0x50: {  	p0 =	sne.s32 s23, $0x28  }
.Ltmp0:
0x51: {  	_ = 	snop;
	(pc) =	sbr.rel @p0 .LBB2_2-.Ltmp0, $2  }
0x52: {  	_ =	sdelay $0x2  }
0x53: {  	s21 =	sadd.s32 $0x80, s21;
	s22 =	sadd.s32 $0x200, s22  }
0x54: {  	s20 =	sadd.s32 $0x1, s20  }
0x55: {  	p0 =	sne.s32 s20, s12  }
.Ltmp1:
0x56: {  	[bflag:$0x0] =	sbarrier.arrive $0xFFFF;
	(pc) =	sbr.rel @p0 .LBB2_1-.Ltmp1, $4  }
0x57: {  	[hbm:s11], [sflag:s5] =	dma.local [spmem:s14], $0xA00  }
0x58: {  	_ =	swait.ge [sflag:s15], $0xA00  }
0x59: {  	[sflag:s15] =	ssyncset.done $0x0  }
0x5a: {  	[sflag:s15] =	ssyncadd.s32 $0xFFFFF600  }
0x5b: {  	_ =	sfence.sel $0x180000  }
0x5c: {  	[bflag:$0x0] =	sbarrier.arrive $0xFFFF  }
0x5d: {  	p0 =	sne.s32 s0, $0x0;
	_ =	strace $0x9000004A  }
0x5e: {  	s0 =	sadd.s32 @!p0 $0x100000, s1;
	[bflag:$0x2] =	sbarrier.arrive $0xFFFF  }
0x5f: {  	[sflag:s0] =	ssyncadd.tile.s32 @!p0 $0x1;
	_ =	shalt  }
.Lfunc_end2:
_tile_overlayer_lowered:
.L_overlay_start_2:
0x60: {  	(tag) =	ssettag $0x2  }
0x61: {  	s0 =	rddreg [dreg:$0x0];
	s2 =	stileid.u32  }
0x62: {  	s1 =	rddreg [dreg:$0x1];
	p0 =	sne.s32 s2, $0x0  }
0x63: {  	s3 =	rddreg [dreg:$0x2];
	[bflag:$0x3] =	sbarrier.arrive $0xFFFF;
	s2 =	simm.s32 @!p0 $0x1C05  }
0x64: {  	[timem:s3], [sflag:s2] =	dma.local @!p0 [hbm:s0], s1  }
0x65: {  	s0 =	simm.s32 @!p0 $0x5  }
0x66: {  	_ =	swait.ge @!p0 [sflag:s0], s1  }
0x67: {  	s1 =	ssub.s32 @!p0 $0x0, s1;
	[sflag:s0] =	ssyncset.done @!p0 $0x0  }
0x68: {  	[sflag:s0] =	ssyncadd.s32 @!p0 s1  }
0x69: {  	[bflag:$0x3] =	sbarrier.arrive $0xFFFF  }
0x6a: {  	_ =	shalt  }

// kernel: kernel.16.cloned.1.call-start
scs
__scs_entry_jumppad:
0x0: {  	(pc) =	sbr.rel $0x88, $3  }
0x1: {  	(tag) =	ssettag $0x0;
	lr =	simm.s32 $0x1  }
0x2: {  	[smem:$0x3F70] =	sst lr;
	_ =	strace $0xD0000000  }
0x3: {  	_ = 	snop  }
0x4: {  	_ = 	snop  }
0x5: {  	_ = 	snop  }
0x6: {  	_ = 	snop  }
0x7: {  	_ = 	snop  }
__scs_overlays_trampoline_lowered:
0x8: {  	[smem:$0x3F7F] =	sst s0  }
0x9: {  	[smem:$0x3F80] =	sst s1  }
0xa: {  	[smem:$0x3F81] =	sst s2  }
0xb: {  	[smem:$0x3F82] =	sst s3  }
0xc: {  	[smem:$0x3F83] =	sst s4  }
0xd: {  	[smem:$0x3F84] =	sst s5  }
0xe: {  	[smem:$0x3F85] =	sst s6  }
0xf: {  	[smem:$0x3F86] =	sst s7  }
0x10: {  	[smem:$0x3F87] =	sst s8  }
0x11: {  	[smem:$0x3F88] =	sst s9;
	s0 =	simm.s32 @!p0 $0x0  }
0x12: {  	s1 =	sld [smem:$0x3F6E];
	s0 =	simm.s32 @p0 $0x1  }
0x13: {  	[smem:$0x3F89] =	sst s0;
	s0 =	simm.s32 @!p1 $0x0  }
0x14: {  	s2 =	sld [smem:$0x3F6D];
	s0 =	simm.s32 @p1 $0x1  }
0x15: {  	[smem:$0x3F8A] =	sst s0;
	s0 =	simm.s32 @!p2 $0x0  }
0x16: {  	s3 =	sld [smem:$0x3FDB];
	s0 =	simm.s32 @p2 $0x1  }
0x17: {  	s4 =	simm.s32 $0x1BF5;
	[smem:$0x3F8C] =	sst s0  }
0x18: {  	s0 =	sld [smem:$0x3F6F];
	_ =	swait.ge [sflag:s4], $0x0  }
0x19: {  	s7 =	sld [smem:$0x3F70]  }
0x1a: {  	s8 =	sadd.s32 $0xFFFFE003, lr  }
0x1b: {  	s9 =	sadd.s32 $0xFFFFFEF7, lr;
	s5 =	simm.s32 $0xFFFFFFFF;
	p2 =	slt.u32 s8, $0xFFFFF086  }
0x1c: {  	p1 =	slt.u32 s9, $0xF7A;
	s5 =	simm.s32 @!p2 $0x0  }
0x1d: {  	s5 =	simm.s32 @p1 $0x1;
	p0 =	seq.s32 s7, s2  }
0x1e: {  	s7 =	smul.u32 @!p0 $0xF7A, s2;
	p2 =	seq.s32 @!p0 s5, $0x0  }
0x1f: {  	s9 =	smul.u32 $0xF7A, s1;
	s8 =	simm.s32 @!p0 $0x1BF5;
	p2 =	por !p2, p0  }
0x20: {  	[sflag:s8] =	ssyncset.s32 @!p0 $0xFFFFF086;
	s6 =	sadd.s32 @!p0 s3, s7;
	s7 =	simm.s32 @!p0 $0x108  }
0x21: {  	s3 =	sadd.s32 s3, s9;
	s6 =	sadd.s32 @!p0 $0x88, s6;
	s7 =	simm.s32 @p2 $0x1082  }
0x22: {  	[simem:s7], [sflag:s8] =	dma.local @!p0 [hbm:s6], $0xF7A  }
0x23: {  	s9 =	sor.u32 $0xD0000000, s2;
	s6 =	simm.s32 $0x108;
	_ =	swait.ge @!p0 [sflag:s8], $0x0  }
0x24: {  	s3 =	sadd.s32 $0x88, s3;
	s6 =	simm.s32 @!p1 $0x1082;
	[sflag:s4] =	ssyncset.s32 $0xFFFFF086  }
0x25: {  	[simem:s6], [sflag:s4] =	dma.local [hbm:s3], $0xF7A  }
0x26: {  	[smem:$0x3F70] =	sst s1;
	(tag) =	ssettag s2;
	_ =	strace s9  }
0x27: {  	s1 =	sld [smem:$0x3F80]  }
0x28: {  	s2 =	sld [smem:$0x3F81]  }
0x29: {  	s4 =	sld [smem:$0x3F83]  }
0x2a: {  	p0 =	seq.s32 s5, $0x0;
	s5 =	sld [smem:$0x3F84]  }
0x2b: {  	s6 =	sld [smem:$0x3F85]  }
0x2c: {  	s7 =	sld [smem:$0x3F86]  }
0x2d: {  	s3 =	simm.s32 $0x108;
	s8 =	sld [smem:$0x3F87]  }
0x2e: {  	s3 =	simm.s32 @!p0 $0x1082;
	s9 =	sld [smem:$0x3F88]  }
0x2f: {  	lr =	sadd.s32 s0, s3;
	s0 =	sld [smem:$0x3F7F]  }
0x30: {  	s3 =	sld [smem:$0x3F82]  }
0x31: {  	[smem:$0x3F8B] =	sst s10  }
0x32: {  	s10 =	sld [smem:$0x3F89];
	_ =	sdelay $0x3  }
0x33: {  	p0 =	seq.s32 s10, $0x1;
	s10 =	sld [smem:$0x3F8B];
	_ =	sdelay $0x3  }
0x34: {  	[smem:$0x3F8B] =	sst s10  }
0x35: {  	s10 =	sld [smem:$0x3F8A];
	_ =	sdelay $0x3  }
0x36: {  	p1 =	seq.s32 s10, $0x1;
	s10 =	sld [smem:$0x3F8B];
	_ =	sdelay $0x3  }
0x37: {  	[smem:$0x3F8B] =	sst s10  }
0x38: {  	s10 =	sld [smem:$0x3F8C]  }
0x39: {  	_ = 	snop;
	(pc) =	sbr.ind lr, $3  }
0x3a: {  	_ = 	snop  }
0x3b: {  	_ = 	snop  }
0x3c: {  	p2 =	seq.s32 s10, $0x1;
	s10 =	sld [smem:$0x3F8B]  }
0x3d: {  	_ =	shalt  }
0x3e: {  	_ =	shalt  }
0x3f: {  	_ =	shalt  }
0x40: {  	_ =	shalt  }
0x41: {  	_ =	shalt  }
0x42: {  	_ =	shalt  }
0x43: {  	_ =	shalt  }
0x44: {  	_ =	shalt  }
0x45: {  	_ =	shalt  }
0x46: {  	_ =	shalt  }
0x47: {  	_ =	shalt  }
0x48: {  	_ =	shalt  }
0x49: {  	_ =	shalt  }
0x4a: {  	_ =	shalt  }
0x4b: {  	_ =	shalt  }
0x4c: {  	_ =	shalt  }
0x4d: {  	_ =	shalt  }
0x4e: {  	_ =	shalt  }
0x4f: {  	_ =	shalt  }
0x50: {  	_ =	shalt  }
0x51: {  	_ =	shalt  }
0x52: {  	_ =	shalt  }
0x53: {  	_ =	shalt  }
0x54: {  	_ =	shalt  }
0x55: {  	_ =	shalt  }
0x56: {  	_ =	shalt  }
0x57: {  	_ =	shalt  }
0x58: {  	_ =	shalt  }
0x59: {  	_ =	shalt  }
0x5a: {  	_ =	shalt  }
0x5b: {  	_ =	shalt  }
0x5c: {  	_ =	shalt  }
0x5d: {  	_ =	shalt  }
0x5e: {  	_ =	shalt  }
0x5f: {  	_ =	shalt  }
0x60: {  	_ =	shalt  }
0x61: {  	_ =	shalt  }
0x62: {  	_ =	shalt  }
0x63: {  	_ =	shalt  }
0x64: {  	_ =	shalt  }
0x65: {  	_ =	shalt  }
0x66: {  	_ =	shalt  }
0x67: {  	_ =	shalt  }
0x68: {  	_ =	shalt  }
0x69: {  	_ =	shalt  }
0x6a: {  	_ =	shalt  }
0x6b: {  	_ =	shalt  }
0x6c: {  	_ =	shalt  }
0x6d: {  	_ =	shalt  }
0x6e: {  	_ =	shalt  }
0x6f: {  	_ =	shalt  }
0x70: {  	_ =	shalt  }
0x71: {  	_ =	shalt  }
0x72: {  	_ =	shalt  }
0x73: {  	_ =	shalt  }
0x74: {  	_ =	shalt  }
0x75: {  	_ =	shalt  }
0x76: {  	_ =	shalt  }
0x77: {  	_ =	shalt  }
0x78: {  	_ =	shalt  }
0x79: {  	_ =	shalt  }
0x7a: {  	_ =	shalt  }
0x7b: {  	_ =	shalt  }
0x7c: {  	_ =	shalt  }
0x7d: {  	_ =	shalt  }
0x7e: {  	_ =	shalt  }
0x7f: {  	_ =	shalt  }
0x80: {  	_ =	shalt  }
0x81: {  	_ =	shalt  }
0x82: {  	_ =	shalt  }
0x83: {  	_ =	shalt  }
0x84: {  	_ =	shalt  }
0x85: {  	_ =	shalt  }
0x86: {  	_ =	shalt  }
0x87: {  	_ =	shalt  }
.Lfunc_end0:
.L_simem_size_0:
called_computation.2_lowered:
.L_overlay_start_0:
0x88: {  	s2 =	sld [smem:$0x3FD9]  }
0x89: {  	s3 =	sld [smem:$0x3FFE];
	_ =	sdelay $0x1  }
0x8a: {  	s1 =	srdreg.scid  }
0x8b: {  	s0 =	sand.u32 $0x1, s1  }
0x8c: {  	s14 =	sshll.u32 s0, $0xA;
	s2 =	sadd.s32 s3, s2  }
0x8d: {  	s2 =	sadd.s32 s2, s14  }
0x8e: {  	[smem:$0x3F97] =	sst s2  }
0x8f: {  	_ = 	snop  }
0x90: {  	s2 =	sld [smem:$0x3FD0];
	_ =	sdelay $0x2  }
0x91: {  	s15 =	simm.s32 $0xA;
	s4 =	simm.s32 $0x10  }
0x92: {  	[smem:s4], [sflag:s15] =	dma.local [hbm:s2], $0x1  }
0x93: {  	_ =	swait.eq [sflag:s15], $0x1  }
0x94: {  	[sflag:s15] =	ssyncset.done $0x0  }
0x95: {  	[sflag:s15] =	ssyncadd.s32 $0xFFFFFFFF  }
0x96: {  	s16 =	sld [smem:$0x12];
	(tm) =	ssettm $0x1  }
0x97: {  	s17 =	sld [smem:$0x3FFB];
	_ =	sdelay $0x3  }
0x98: {  	_ =	strace s17  }
0x99: {  	s3 =	sld [smem:$0x3FFC];
	_ =	sdelay $0x3  }
0x9a: {  	_ =	strace s3  }
0x9b: {  	s3 =	sld [smem:$0x3FFD];
	_ =	sdelay $0x3  }
0x9c: {  	_ =	strace s3  }
0x9d: {  	_ =	strace $0x8FFFFFFF  }
0x9e: {  	s18 =	sld [smem:$0x3FDB];
	_ =	sdelay $0x1  }
0x9f: {  	s19 =	simm.s32 $_scs_section_size  }
0xa0: {  	s5 =	simm.s32 $_size__tile_overlayer_lowered;
	s6 =	simm.s32 $_tile_overlayer_lowered  }
0xa1: {  	s22 =	simm.s32 $0x1BFF;
	s21 =	sshll.u32 s6, $0x1;
	s3 =	sadd.s32 s19, s18  }
0xa2: {  	s7 =	simm.s32 $0x0;
	s20 =	sshll.u32 s5, $0x1;
	s5 =	sadd.s32 s21, s3  }
0xa3: {  	[timem:s7], [sflag:s22] =	dma.local [hbm:s5], s20  }
0xa4: {  	_ =	swait.ge [sflag:s22], s20  }
0xa5: {  	s4 =	ssub.s32 $0x0, s20;
	[sflag:s22] =	ssyncset.done $0x0  }
0xa6: {  	[sflag:s22] =	ssyncadd.s32 s4;
	_ =	sdelay $0x1  }
0xa7: {  	s23 =	simm.s32 $0x1B8B  }
0xa8: {  	_ =	swait.ge [sflag:s23], $0x1  }
0xa9: {  	[sflag:s23] =	ssyncset.done $0x0  }
0xaa: {  	s25 =	simm.s32 $0x1B8E;
	s24 =	sld [smem:$0x3FFE];
	[sflag:s23] =	ssyncadd.s32 $0xFFFFFFFF  }
0xab: {  	s26 =	simm.s32 $execute0_lowered;
	[smem:$0x3FD2] =	sst s25  }
0xac: {  	s5 =	sshll.u32 s26, $0x1;
	_ =	strace $0x8000004C;
	[dreg:$0x1] =	wrdreg $0xFFFFFFFF  }
0xad: {  	s28 =	simm.s32 $_size_execute0_lowered;
	s3 =	sadd.s32 s3, s5;
	[dreg:$0x0] =	wrdreg $0x0  }
0xae: {  	s5 =	sshll.u32 s28, $0x1;
	[dreg:$0x2] =	wrdreg s3  }
0xaf: {  	[dreg:$0x3] =	wrdreg s5  }
0xb0: {  	[dreg:$0x4] =	wrdreg $0xC0  }
0xb1: {  	_ =	task [dreg:s7], $0x5FFFF  }
0xb2: {  	[dreg:$0x1] =	wrdreg $0xFFFFFFFF  }
0xb3: {  	[dreg:$0x0] =	wrdreg $0x60  }
0xb4: {  	[dreg:$0x2] =	wrdreg s16  }
0xb5: {  	[dreg:$0x3] =	wrdreg s24  }
0xb6: {  	[dreg:$0x4] =	wrdreg $0x9  }
0xb7: {  	_ =	task.clear_ibuf [dreg:s7], $0x5FFFF;
	_ =	strace $0x9000004C  }
0xb8: {  	s29 =	simm.s32 $0x9;
	_ =	strace $0x8000004E  }
0xb9: {  	_ =	swait.ge [sflag:s29], $0x1  }
0xba: {  	[sflag:s29] =	ssyncadd.s32 $0xFFFFFFFF  }
0xbb: {  	_ =	strace $0x9000004E  }
0xbc: {  	_ =	sfence  }
0xbd: {  	s30 =	sld [smem:$0x0];
	_ =	sdelay $0x2  }
0xbe: {  	s31 =	sshll.u32 s1, $0xD;
	s1 =	sshrl.u32 s1, $0x2  }
0xbf: {  	s3 =	sand.u32 $0x4000, s31;
	s1 =	sadd.s32 s1, s30  }
0xc0: {  	s0 =	sor.u32 s3, s0;
	s1 =	sshll.u32 s1, $0x11  }
0xc1: {  	s0 =	sor.u32 s1, s0  }
0xc2: {  	s0 =	sadd.s32 $0x8F2B, s0  }
0xc3: {  	[sflag:s0] =	ssyncadd.remote.s32 $0x1  }
0xc4: {  	_ =	sfence.sel $0xFFFF  }
0xc5: {  	[dreg:$0x0] =	wrdreg $0xFFFFFFFF;
	(pc) =	sbr.abs _section_cstart, $3  }
0xc6: {  	[dreg:$0x1] =	wrdreg $0xFFFFFFFF  }
0xc7: {  	_ =	task.clear_ibuf [dreg:s7], $0x2FFFF;
	_ =	strace $0x9FFFFFFF  }
0xc8: {  	(tm) =	ssettm $0x7FFFFFFF  }
0xc9: {  	_ =	shalt  }
tec
execute0_lowered:
.L_overlay_start_1:
0x0: {  	(tag) =	ssettag $0x1  }
0x1: {  	s2 =	rddreg [dreg:$0x0]  }
0x2: {  	s4 =	rddreg [dreg:$0x1];
	s3 =	srdreg.scid  }
0x3: {  	s1 =	stileid.u32;
	s0 =	rddreg [dreg:$0x2];
	s9 =	simm.s32 $0x1400  }
0x4: {  	s10 =	simm.s32 $0x1C00;
	s11 =	simm.s32 $0x100;
	s12 =	simm.s32 $0x2400  }
0x5: {  	s13 =	simm.s32 $0x180;
	s14 =	simm.s32 $0x2C00;
	s15 =	simm.s32 $0x0  }
0x6: {  	s5 =	sand.u32 $0x1, s3;
	s6 =	smul.u32 $0x28000, s1;
	s7 =	sshll.u32 s1, $0x1  }
0x7: {  	s3 =	simm.s32 $0x0;
	s8 =	smul.u32 $0x14000, s5;
	s7 =	sor.u32 s5, s7  }
0x8: {  	[smem:$0x7FF] =	sst s3;
	s5 =	ssub.s32 $0x2, s5;
	s7 =	smul.u32 $0x280, s7  }
0x9: {  	_ =	strace $0x8000004D;
	s31 =	sshrl.u32 s5, $0x1;
	s6 =	sadd.s32 s8, s6  }
0xa: {  	s5 =	ssub.s32 s5, s31;
	s8 =	simm.s32 $0x80;
	s6 =	sshrl.u32 s6, $0x3  }
0xb: {  	s7 =	sadd.s32 s7, s4;
	s5 =	smax.u32 s5, $0x1;
	s6 =	sadd.s32 s6, s4  }
0xc: {  	s4 =	sadd.s32 $0x8200, s7;
	s7 =	simm.s32 $0x5;
	s6 =	sadd.s32 $0x62200, s6  }
.LBB2_1:
0xd: {  	[tilespmem:s3], [sflag:$0x5] =	stream.linear.gather [hbm4b:s4+s3], $0x1400, $0x38;
	[tilespmem:$0x3400] =	vst v63  }
0xe: {  	_ =	swait.ge [sflag:s7], $0x1400  }
0xf: {  	[sflag:s7] =	ssyncset.done $0x0  }
0x10: {  	[sflag:s7] =	ssyncadd.s32 $0xFFFFEC00  }
0x11: {  	[tilespmem:s9], [sflag:$0x1] =	stream.indirect.gather [hbm4b:s2+s8], $0x10, s3, s8, $0xb8;
	[tilespmem:$0x3400] =	vst v63  }
0x12: {  	_ = 	snop  }
0x13: {  	[tilespmem:s10], [sflag:$0x2] =	stream.indirect.gather [hbm4b:s2+s8], $0x10, s8, s8, $0xb8;
	[tilespmem:$0x3400] =	vst v63  }
0x14: {  	_ = 	snop  }
0x15: {  	[tilespmem:s12], [sflag:$0x3] =	stream.indirect.gather [hbm4b:s2+s8], $0x10, s11, s8, $0xb8;
	[tilespmem:$0x3400] =	vst v63  }
0x16: {  	s16 =	simm.s32 $0x200;
	s17 =	smov.u32 s6;
	s18 =	simm.s32 $0x0  }
0x17: {  	[tilespmem:s14], [sflag:$0x4] =	stream.indirect.gather [hbm4b:s2+s8], $0x10, s13, s8, $0xb8;
	[tilespmem:$0x3400] =	vst v63  }
.LBB2_2:
0x18: {  	s19 =	sand.u32 $0x3, s18  }
0x19: {  	p0 =	sgt.s32 s19, $0x1  }
0x1a: {  	p1 =	seq.s32 @p0 s19, $0x2  }
0x1b: {  	p2 =	por !p1, !p0  }
0x1c: {  	s20 =	simm.s32 @!p2 $0x3  }
0x1d: {  	_ =	swait.ge @!p2 [sflag:s20], $0x800  }
0x1e: {  	s21 =	simm.s32 @!p2 $0x2400;
	[sflag:s20] =	ssyncset.done @!p2 $0x0  }
0x1f: {  	p3 =	sgt.u32 @!p2 s18, $0x23;
	[sflag:s20] =	ssyncadd.s32 @!p2 $0xFFFFF800;
	s20 =	simm.s32 @!p2 $0x0  }
0x20: {  	[hbm4b:s17+s20] =	stream.linear.scatter @!p2 [tilespmem:s21], [sflag:$0x5], $0x800, $0x38;
	[tilespmem:$0x3400] =	vst v63  }
0x21: {  	p3 =	por @p0 p3, !p1;
	s20 =	simm.s32 @!p2 $0x5  }
0x22: {  	p3 =	por p3, !p0;
	_ =	swait.ge @!p2 [sflag:s20], $0x800  }
0x23: {  	s21 =	simm.s32 @!p3 $0x2400;
	[sflag:s20] =	ssyncset.done @!p2 $0x0  }
0x24: {  	[sflag:s20] =	ssyncadd.s32 @!p2 $0xFFFFF800;
	s20 =	simm.s32 @!p3 $0x80;
	p2 =	por p1, !p0  }
0x25: {  	[tilespmem:s21], [sflag:$0x3] =	stream.indirect.gather @!p3 [hbm4b:s2+s20], $0x10, s16, s20, $0xb8;
	[tilespmem:$0x3400] =	vst v63  }
0x26: {  	s20 =	simm.s32 @!p2 $0x4  }
0x27: {  	_ =	swait.ge @!p2 [sflag:s20], $0x800  }
0x28: {  	[sflag:s20] =	ssyncset.done @!p2 $0x0  }
0x29: {  	s21 =	simm.s32 @!p2 $0x2C00;
	[sflag:s20] =	ssyncadd.s32 @!p2 $0xFFFFF800;
	s20 =	simm.s32 @!p2 $0x0  }
0x2a: {  	[hbm4b:s17+s20] =	stream.linear.scatter @!p2 [tilespmem:s21], [sflag:$0x5], $0x800, $0x38;
	[tilespmem:$0x3400] =	vst v63  }
0x2b: {  	p3 =	sgt.u32 @!p2 s18, $0x23;
	s20 =	simm.s32 @!p2 $0x5  }
0x2c: {  	p1 =	por @p0 p3, p1;
	_ =	swait.ge @!p2 [sflag:s20], $0x800  }
0x2d: {  	p1 =	por p1, !p0;
	[sflag:s20] =	ssyncset.done @!p2 $0x0  }
0x2e: {  	s21 =	simm.s32 @!p1 $0x2C00;
	[sflag:s20] =	ssyncadd.s32 @!p2 $0xFFFFF800;
	s20 =	simm.s32 @!p1 $0x80  }
0x2f: {  	[tilespmem:s21], [sflag:$0x4] =	stream.indirect.gather @!p1 [hbm4b:s2+s20], $0x10, s16, s20, $0xb8;
	[tilespmem:$0x3400] =	vst v63  }
0x30: {  	p1 =	seq.s32 @!p0 s19, $0x0  }
0x31: {  	p2 =	por !p1, p0  }
0x32: {  	s19 =	simm.s32 @!p2 $0x1  }
0x33: {  	_ =	swait.ge @!p2 [sflag:s19], $0x800  }
0x34: {  	s20 =	simm.s32 @!p2 $0x1400;
	[sflag:s19] =	ssyncset.done @!p2 $0x0  }
0x35: {  	p3 =	sgt.u32 @!p2 s18, $0x23;
	[sflag:s19] =	ssyncadd.s32 @!p2 $0xFFFFF800;
	s19 =	simm.s32 @!p2 $0x0  }
0x36: {  	[hbm4b:s17+s19] =	stream.linear.scatter @!p2 [tilespmem:s20], [sflag:$0x5], $0x800, $0x38;
	[tilespmem:$0x3400] =	vst v63  }
0x37: {  	p3 =	por @!p0 p3, !p1;
	s19 =	simm.s32 @!p2 $0x5  }
0x38: {  	p3 =	por p3, p0;
	_ =	swait.ge @!p2 [sflag:s19], $0x800  }
0x39: {  	s20 =	simm.s32 @!p3 $0x1400;
	[sflag:s19] =	ssyncset.done @!p2 $0x0  }
0x3a: {  	[sflag:s19] =	ssyncadd.s32 @!p2 $0xFFFFF800;
	s19 =	simm.s32 @!p3 $0x80;
	p2 =	por p1, p0  }
0x3b: {  	[tilespmem:s20], [sflag:$0x1] =	stream.indirect.gather @!p3 [hbm4b:s2+s19], $0x10, s16, s19, $0xb8;
	[tilespmem:$0x3400] =	vst v63  }
0x3c: {  	s19 =	simm.s32 @!p2 $0x2  }
0x3d: {  	_ =	swait.ge @!p2 [sflag:s19], $0x800  }
0x3e: {  	[sflag:s19] =	ssyncset.done @!p2 $0x0  }
0x3f: {  	s20 =	simm.s32 @!p2 $0x1C00;
	[sflag:s19] =	ssyncadd.s32 @!p2 $0xFFFFF800;
	s19 =	simm.s32 @!p2 $0x0  }
0x40: {  	[hbm4b:s17+s19] =	stream.linear.scatter @!p2 [tilespmem:s20], [sflag:$0x5], $0x800, $0x38;
	[tilespmem:$0x3400] =	vst v63  }
0x41: {  	p3 =	sgt.u32 @!p2 s18, $0x23;
	s19 =	simm.s32 @!p2 $0x5  }
0x42: {  	p1 =	por @!p0 p3, p1;
	_ =	swait.ge @!p2 [sflag:s19], $0x800  }
0x43: {  	s18 =	sadd.s32 $0x1, s18;
	p0 =	por p1, p0;
	[sflag:s19] =	ssyncset.done @!p2 $0x0  }
0x44: {  	s20 =	simm.s32 @!p0 $0x1C00;
	[sflag:s19] =	ssyncadd.s32 @!p2 $0xFFFFF800;
	s19 =	simm.s32 @!p0 $0x80  }
0x45: {  	[tilespmem:s20], [sflag:$0x2] =	stream.indirect.gather @!p0 [hbm4b:s2+s19], $0x10, s16, s19, $0xb8;
	[tilespmem:$0x3400] =	vst v63  }
0x46: {  	p0 =	sne.s32 s18, $0x28  }
.Ltmp0:
0x47: {  	_ = 	snop;
	(pc) =	sbr.rel @p0 .LBB2_2-.Ltmp0, $2  }
0x48: {  	_ =	sdelay $0x2  }
0x49: {  	s17 =	sadd.s32 $0x100, s17;
	s16 =	sadd.s32 $0x80, s16  }
0x4a: {  	s15 =	sadd.s32 $0x1, s15  }
0x4b: {  	p0 =	sne.s32 s15, s5  }
.Ltmp1:
0x4c: {  	_ = 	snop;
	(pc) =	sbr.rel @p0 .LBB2_1-.Ltmp1, $1  }
0x4d: {  	_ =	sdelay $0x3  }
0x4e: {  	_ =	sfence.sel $0x180000  }
0x4f: {  	[bflag:$0x0] =	sbarrier.arrive $0xFFFF  }
0x50: {  	p0 =	sne.s32 s1, $0x0;
	_ =	strace $0x9000004D  }
0x51: {  	s0 =	sadd.s32 @!p0 $0x100000, s0;
	[bflag:$0x2] =	sbarrier.arrive $0xFFFF  }
0x52: {  	[sflag:s0] =	ssyncadd.tile.s32 @!p0 $0x1;
	_ =	shalt  }
.Lfunc_end2:
_tile_overlayer_lowered:
.L_overlay_start_2:
0x53: {  	(tag) =	ssettag $0x2  }
0x54: {  	s0 =	rddreg [dreg:$0x0];
	s2 =	stileid.u32  }
0x55: {  	s1 =	rddreg [dreg:$0x1];
	p0 =	sne.s32 s2, $0x0  }
0x56: {  	s3 =	rddreg [dreg:$0x2];
	[bflag:$0x3] =	sbarrier.arrive $0xFFFF;
	s2 =	simm.s32 @!p0 $0x1C05  }
0x57: {  	[timem:s3], [sflag:s2] =	dma.local @!p0 [hbm:s0], s1  }
0x58: {  	s0 =	simm.s32 @!p0 $0x5  }
0x59: {  	_ =	swait.ge @!p0 [sflag:s0], s1  }
0x5a: {  	s1 =	ssub.s32 @!p0 $0x0, s1;
	[sflag:s0] =	ssyncset.done @!p0 $0x0  }
0x5b: {  	[sflag:s0] =	ssyncadd.s32 @!p0 s1  }
0x5c: {  	[bflag:$0x3] =	sbarrier.arrive $0xFFFF  }
0x5d: {  	_ =	shalt  }

// kernel: kernel.19.cloned.1.call-start
scs
__scs_entry_jumppad:
0x0: {  	(pc) =	sbr.rel $0x88, $3  }
0x1: {  	(tag) =	ssettag $0x0;
	lr =	simm.s32 $0x1  }
0x2: {  	[smem:$0x3F70] =	sst lr;
	_ =	strace $0xD0000000  }
0x3: {  	_ = 	snop  }
0x4: {  	_ = 	snop  }
0x5: {  	_ = 	snop  }
0x6: {  	_ = 	snop  }
0x7: {  	_ = 	snop  }
__scs_overlays_trampoline_lowered:
0x8: {  	[smem:$0x3F7F] =	sst s0  }
0x9: {  	[smem:$0x3F80] =	sst s1  }
0xa: {  	[smem:$0x3F81] =	sst s2  }
0xb: {  	[smem:$0x3F82] =	sst s3  }
0xc: {  	[smem:$0x3F83] =	sst s4  }
0xd: {  	[smem:$0x3F84] =	sst s5  }
0xe: {  	[smem:$0x3F85] =	sst s6  }
0xf: {  	[smem:$0x3F86] =	sst s7  }
0x10: {  	[smem:$0x3F87] =	sst s8  }
0x11: {  	[smem:$0x3F88] =	sst s9;
	s0 =	simm.s32 @!p0 $0x0  }
0x12: {  	s1 =	sld [smem:$0x3F6E];
	s0 =	simm.s32 @p0 $0x1  }
0x13: {  	[smem:$0x3F89] =	sst s0;
	s0 =	simm.s32 @!p1 $0x0  }
0x14: {  	s2 =	sld [smem:$0x3F6D];
	s0 =	simm.s32 @p1 $0x1  }
0x15: {  	[smem:$0x3F8A] =	sst s0;
	s0 =	simm.s32 @!p2 $0x0  }
0x16: {  	s3 =	sld [smem:$0x3FDB];
	s0 =	simm.s32 @p2 $0x1  }
0x17: {  	s4 =	simm.s32 $0x1BF5;
	[smem:$0x3F8C] =	sst s0  }
0x18: {  	s0 =	sld [smem:$0x3F6F];
	_ =	swait.ge [sflag:s4], $0x0  }
0x19: {  	s7 =	sld [smem:$0x3F70]  }
0x1a: {  	s8 =	sadd.s32 $0xFFFFE003, lr  }
0x1b: {  	s9 =	sadd.s32 $0xFFFFFEF7, lr;
	s5 =	simm.s32 $0xFFFFFFFF;
	p2 =	slt.u32 s8, $0xFFFFF086  }
0x1c: {  	p1 =	slt.u32 s9, $0xF7A;
	s5 =	simm.s32 @!p2 $0x0  }
0x1d: {  	s5 =	simm.s32 @p1 $0x1;
	p0 =	seq.s32 s7, s2  }
0x1e: {  	s7 =	smul.u32 @!p0 $0xF7A, s2;
	p2 =	seq.s32 @!p0 s5, $0x0  }
0x1f: {  	s9 =	smul.u32 $0xF7A, s1;
	s8 =	simm.s32 @!p0 $0x1BF5;
	p2 =	por !p2, p0  }
0x20: {  	[sflag:s8] =	ssyncset.s32 @!p0 $0xFFFFF086;
	s6 =	sadd.s32 @!p0 s3, s7;
	s7 =	simm.s32 @!p0 $0x108  }
0x21: {  	s3 =	sadd.s32 s3, s9;
	s6 =	sadd.s32 @!p0 $0x88, s6;
	s7 =	simm.s32 @p2 $0x1082  }
0x22: {  	[simem:s7], [sflag:s8] =	dma.local @!p0 [hbm:s6], $0xF7A  }
0x23: {  	s9 =	sor.u32 $0xD0000000, s2;
	s6 =	simm.s32 $0x108;
	_ =	swait.ge @!p0 [sflag:s8], $0x0  }
0x24: {  	s3 =	sadd.s32 $0x88, s3;
	s6 =	simm.s32 @!p1 $0x1082;
	[sflag:s4] =	ssyncset.s32 $0xFFFFF086  }
0x25: {  	[simem:s6], [sflag:s4] =	dma.local [hbm:s3], $0xF7A  }
0x26: {  	[smem:$0x3F70] =	sst s1;
	(tag) =	ssettag s2;
	_ =	strace s9  }
0x27: {  	s1 =	sld [smem:$0x3F80]  }
0x28: {  	s2 =	sld [smem:$0x3F81]  }
0x29: {  	s4 =	sld [smem:$0x3F83]  }
0x2a: {  	p0 =	seq.s32 s5, $0x0;
	s5 =	sld [smem:$0x3F84]  }
0x2b: {  	s6 =	sld [smem:$0x3F85]  }
0x2c: {  	s7 =	sld [smem:$0x3F86]  }
0x2d: {  	s3 =	simm.s32 $0x108;
	s8 =	sld [smem:$0x3F87]  }
0x2e: {  	s3 =	simm.s32 @!p0 $0x1082;
	s9 =	sld [smem:$0x3F88]  }
0x2f: {  	lr =	sadd.s32 s0, s3;
	s0 =	sld [smem:$0x3F7F]  }
0x30: {  	s3 =	sld [smem:$0x3F82]  }
0x31: {  	[smem:$0x3F8B] =	sst s10  }
0x32: {  	s10 =	sld [smem:$0x3F89];
	_ =	sdelay $0x3  }
0x33: {  	p0 =	seq.s32 s10, $0x1;
	s10 =	sld [smem:$0x3F8B];
	_ =	sdelay $0x3  }
0x34: {  	[smem:$0x3F8B] =	sst s10  }
0x35: {  	s10 =	sld [smem:$0x3F8A];
	_ =	sdelay $0x3  }
0x36: {  	p1 =	seq.s32 s10, $0x1;
	s10 =	sld [smem:$0x3F8B];
	_ =	sdelay $0x3  }
0x37: {  	[smem:$0x3F8B] =	sst s10  }
0x38: {  	s10 =	sld [smem:$0x3F8C]  }
0x39: {  	_ = 	snop;
	(pc) =	sbr.ind lr, $3  }
0x3a: {  	_ = 	snop  }
0x3b: {  	_ = 	snop  }
0x3c: {  	p2 =	seq.s32 s10, $0x1;
	s10 =	sld [smem:$0x3F8B]  }
0x3d: {  	_ =	shalt  }
0x3e: {  	_ =	shalt  }
0x3f: {  	_ =	shalt  }
0x40: {  	_ =	shalt  }
0x41: {  	_ =	shalt  }
0x42: {  	_ =	shalt  }
0x43: {  	_ =	shalt  }
0x44: {  	_ =	shalt  }
0x45: {  	_ =	shalt  }
0x46: {  	_ =	shalt  }
0x47: {  	_ =	shalt  }
0x48: {  	_ =	shalt  }
0x49: {  	_ =	shalt  }
0x4a: {  	_ =	shalt  }
0x4b: {  	_ =	shalt  }
0x4c: {  	_ =	shalt  }
0x4d: {  	_ =	shalt  }
0x4e: {  	_ =	shalt  }
0x4f: {  	_ =	shalt  }
0x50: {  	_ =	shalt  }
0x51: {  	_ =	shalt  }
0x52: {  	_ =	shalt  }
0x53: {  	_ =	shalt  }
0x54: {  	_ =	shalt  }
0x55: {  	_ =	shalt  }
0x56: {  	_ =	shalt  }
0x57: {  	_ =	shalt  }
0x58: {  	_ =	shalt  }
0x59: {  	_ =	shalt  }
0x5a: {  	_ =	shalt  }
0x5b: {  	_ =	shalt  }
0x5c: {  	_ =	shalt  }
0x5d: {  	_ =	shalt  }
0x5e: {  	_ =	shalt  }
0x5f: {  	_ =	shalt  }
0x60: {  	_ =	shalt  }
0x61: {  	_ =	shalt  }
0x62: {  	_ =	shalt  }
0x63: {  	_ =	shalt  }
0x64: {  	_ =	shalt  }
0x65: {  	_ =	shalt  }
0x66: {  	_ =	shalt  }
0x67: {  	_ =	shalt  }
0x68: {  	_ =	shalt  }
0x69: {  	_ =	shalt  }
0x6a: {  	_ =	shalt  }
0x6b: {  	_ =	shalt  }
0x6c: {  	_ =	shalt  }
0x6d: {  	_ =	shalt  }
0x6e: {  	_ =	shalt  }
0x6f: {  	_ =	shalt  }
0x70: {  	_ =	shalt  }
0x71: {  	_ =	shalt  }
0x72: {  	_ =	shalt  }
0x73: {  	_ =	shalt  }
0x74: {  	_ =	shalt  }
0x75: {  	_ =	shalt  }
0x76: {  	_ =	shalt  }
0x77: {  	_ =	shalt  }
0x78: {  	_ =	shalt  }
0x79: {  	_ =	shalt  }
0x7a: {  	_ =	shalt  }
0x7b: {  	_ =	shalt  }
0x7c: {  	_ =	shalt  }
0x7d: {  	_ =	shalt  }
0x7e: {  	_ =	shalt  }
0x7f: {  	_ =	shalt  }
0x80: {  	_ =	shalt  }
0x81: {  	_ =	shalt  }
0x82: {  	_ =	shalt  }
0x83: {  	_ =	shalt  }
0x84: {  	_ =	shalt  }
0x85: {  	_ =	shalt  }
0x86: {  	_ =	shalt  }
0x87: {  	_ =	shalt  }
.Lfunc_end0:
.L_simem_size_0:
called_computation.3_lowered:
.L_overlay_start_0:
0x88: {  	s2 =	sld [smem:$0x3FD9]  }
0x89: {  	s3 =	sld [smem:$0x3FFE];
	_ =	sdelay $0x1  }
0x8a: {  	s1 =	srdreg.scid  }
0x8b: {  	s0 =	sand.u32 $0x1, s1  }
0x8c: {  	s14 =	sshll.u32 s0, $0xA;
	s2 =	sadd.s32 s3, s2  }
0x8d: {  	s2 =	sadd.s32 s2, s14  }
0x8e: {  	[smem:$0x3F97] =	sst s2  }
0x8f: {  	_ = 	snop  }
0x90: {  	s2 =	sld [smem:$0x3FD0];
	_ =	sdelay $0x2  }
0x91: {  	s15 =	simm.s32 $0xA;
	s4 =	simm.s32 $0x10  }
0x92: {  	[smem:s4], [sflag:s15] =	dma.local [hbm:s2], $0x1  }
0x93: {  	_ =	swait.eq [sflag:s15], $0x1  }
0x94: {  	[sflag:s15] =	ssyncset.done $0x0  }
0x95: {  	[sflag:s15] =	ssyncadd.s32 $0xFFFFFFFF  }
0x96: {  	s16 =	sld [smem:$0x12];
	(tm) =	ssettm $0x1  }
0x97: {  	s17 =	sld [smem:$0x3FFB];
	_ =	sdelay $0x3  }
0x98: {  	_ =	strace s17  }
0x99: {  	s3 =	sld [smem:$0x3FFC];
	_ =	sdelay $0x3  }
0x9a: {  	_ =	strace s3  }
0x9b: {  	s3 =	sld [smem:$0x3FFD];
	_ =	sdelay $0x3  }
0x9c: {  	_ =	strace s3  }
0x9d: {  	_ =	strace $0x8FFFFFFF  }
0x9e: {  	s18 =	sld [smem:$0x3FDB];
	_ =	sdelay $0x1  }
0x9f: {  	s19 =	simm.s32 $_scs_section_size  }
0xa0: {  	s5 =	simm.s32 $_size__tile_overlayer_lowered;
	s6 =	simm.s32 $_tile_overlayer_lowered  }
0xa1: {  	s22 =	simm.s32 $0x1BFF;
	s21 =	sshll.u32 s6, $0x1;
	s3 =	sadd.s32 s19, s18  }
0xa2: {  	s7 =	simm.s32 $0x0;
	s20 =	sshll.u32 s5, $0x1;
	s5 =	sadd.s32 s21, s3  }
0xa3: {  	[timem:s7], [sflag:s22] =	dma.local [hbm:s5], s20  }
0xa4: {  	_ =	swait.ge [sflag:s22], s20  }
0xa5: {  	s4 =	ssub.s32 $0x0, s20;
	[sflag:s22] =	ssyncset.done $0x0  }
0xa6: {  	[sflag:s22] =	ssyncadd.s32 s4;
	_ =	sdelay $0x1  }
0xa7: {  	s23 =	simm.s32 $0x1B8B  }
0xa8: {  	_ =	swait.ge [sflag:s23], $0x1  }
0xa9: {  	[sflag:s23] =	ssyncset.done $0x0  }
0xaa: {  	s25 =	simm.s32 $0x1B8E;
	s24 =	sld [smem:$0x3FFE];
	[sflag:s23] =	ssyncadd.s32 $0xFFFFFFFF  }
0xab: {  	s26 =	simm.s32 $execute0_lowered;
	[smem:$0x3FD2] =	sst s25  }
0xac: {  	s5 =	sshll.u32 s26, $0x1;
	_ =	strace $0x8000004F;
	[dreg:$0x1] =	wrdreg $0xFFFFFFFF  }
0xad: {  	s28 =	simm.s32 $_size_execute0_lowered;
	s3 =	sadd.s32 s3, s5;
	[dreg:$0x0] =	wrdreg $0x0  }
0xae: {  	s5 =	sshll.u32 s28, $0x1;
	[dreg:$0x2] =	wrdreg s3  }
0xaf: {  	[dreg:$0x3] =	wrdreg s5  }
0xb0: {  	[dreg:$0x4] =	wrdreg $0xC0  }
0xb1: {  	_ =	task [dreg:s7], $0x5FFFF  }
0xb2: {  	[dreg:$0x1] =	wrdreg $0xFFFFFFFF  }
0xb3: {  	[dreg:$0x0] =	wrdreg $0x60  }
0xb4: {  	[dreg:$0x2] =	wrdreg s24  }
0xb5: {  	[dreg:$0x3] =	wrdreg s16  }
0xb6: {  	[dreg:$0x4] =	wrdreg $0x54000  }
0xb7: {  	[dreg:$0x5] =	wrdreg $0x9  }
0xb8: {  	_ =	task.clear_ibuf [dreg:s7], $0x6FFFF;
	_ =	strace $0x9000004F  }
0xb9: {  	s29 =	simm.s32 $0x9;
	_ =	strace $0x80000051  }
0xba: {  	_ =	swait.ge [sflag:s29], $0x1  }
0xbb: {  	[sflag:s29] =	ssyncadd.s32 $0xFFFFFFFF  }
0xbc: {  	_ =	strace $0x90000051  }
0xbd: {  	_ =	sfence  }
0xbe: {  	s30 =	sld [smem:$0x0];
	_ =	sdelay $0x2  }
0xbf: {  	s31 =	sshll.u32 s1, $0xD;
	s1 =	sshrl.u32 s1, $0x2  }
0xc0: {  	s3 =	sand.u32 $0x4000, s31;
	s1 =	sadd.s32 s1, s30  }
0xc1: {  	s0 =	sor.u32 s3, s0;
	s1 =	sshll.u32 s1, $0x11  }
0xc2: {  	s0 =	sor.u32 s1, s0  }
0xc3: {  	s0 =	sadd.s32 $0x8F2B, s0  }
0xc4: {  	[sflag:s0] =	ssyncadd.remote.s32 $0x1  }
0xc5: {  	_ =	sfence.sel $0xFFFF  }
0xc6: {  	[dreg:$0x0] =	wrdreg $0xFFFFFFFF;
	(pc) =	sbr.abs _section_cstart, $3  }
0xc7: {  	[dreg:$0x1] =	wrdreg $0xFFFFFFFF  }
0xc8: {  	_ =	task.clear_ibuf [dreg:s7], $0x2FFFF;
	_ =	strace $0x9FFFFFFF  }
0xc9: {  	(tm) =	ssettm $0x7FFFFFFF  }
tec
execute0_lowered:
.L_overlay_start_1:
0x0: {  	(tag) =	ssettag $0x1  }
0x1: {  	s4 =	rddreg [dreg:$0x0];
	s1 =	srdreg.scid  }
0x2: {  	s0 =	stileid.u32;
	s11 =	rddreg [dreg:$0x1]  }
0x3: {  	s2 =	rddreg [dreg:$0x2];
	s3 =	simm.s32 $0x0;
	s18 =	simm.s32 $0x3400  }
0x4: {  	s19 =	simm.s32 $0x4400;
	s20 =	simm.s32 $0x0;
	s5 =	sand.u32 $0x1, s1  }
0x5: {  	s25 =	sshll.u32 s0, $0x1;
	s1 =	rddreg [dreg:$0x3];
	s9 =	smul.u32 $0x5000, s0  }
0x6: {  	[smem:$0x7FF] =	sst s3;
	s13 =	sadd.s32 $0x62200, s4;
	s28 =	smul.u32 $0x50000, s0  }
0x7: {  	s29 =	sshll.u32 s0, $0x6;
	s6 =	sor.u32 s5, s25;
	s14 =	smul.u32 $0x50000, s5  }
0x8: {  	_ =	strace $0x80000050;
	s10 =	ssub.s32 $0x2, s5;
	s17 =	smul.u32 $0x28000, s5  }
0x9: {  	s5 =	sor.u32 $0x1C05, s29;
	s7 =	smul.u32 $0x280, s6;
	s8 =	sshrl.u32 s9, $0x3  }
0xa: {  	s12 =	smul.u32 $0x5000, s6;
	s26 =	sshrl.u32 s10, $0x1;
	s16 =	sadd.s32 s9, s2  }
0xb: {  	s15 =	ssub.s32 s10, s26;
	s30 =	sadd.s32 s9, s14;
	s10 =	sadd.s32 s17, s28  }
0xc: {  	s17 =	simm.s32 $0x2400;
	s7 =	sadd.s32 s7, s4;
	s4 =	sadd.s32 s8, s4  }
0xd: {  	s31 =	sor.u32 $0x4000, s10;
	s4 =	sadd.s32 $0xD200, s4;
	s6 =	sadd.s32 $0x5D200, s7  }
0xe: {  	s7 =	sadd.s32 s13, s12;
	s12 =	sshrl.u32 s30, $0x3;
	s14 =	sshrl.u32 s31, $0x3  }
0xf: {  	s8 =	sadd.s32 $0x200, s7;
	s9 =	sadd.s32 $0x400, s7;
	s10 =	sadd.s32 $0x600, s7  }
0x10: {  	s11 =	sadd.s32 s11, s12;
	s12 =	smax.u32 s15, $0x1;
	s13 =	sadd.s32 s14, s13  }
0x11: {  	s14 =	sshrl.u32 s16, $0x3;
	s15 =	simm.s32 $0x5;
	s16 =	simm.s32 $0x1400  }
.LBB2_1:
0x12: {  	[spmem:s14], [sflag:s5] =	dma.local [hbm:s4], $0xA00  }
0x13: {  	_ =	swait.ge [sflag:s15], $0xA00  }
0x14: {  	[sflag:s15] =	ssyncset.done $0x0  }
0x15: {  	[sflag:s15] =	ssyncadd.s32 $0xFFFFF600  }
0x16: {  	[tilespmem:s3], [sflag:$0x5] =	stream.linear.gather [hbm4b:s6+s3], $0x1400, $0x38;
	[tilespmem:$0xA400] =	vst v63  }
0x17: {  	_ =	swait.ge [sflag:s15], $0x1400  }
0x18: {  	[sflag:s15] =	ssyncset.done $0x0  }
0x19: {  	[sflag:s15] =	ssyncadd.s32 $0xFFFFEC00  }
0x1a: {  	[bflag:$0x0] =	sbarrier.arrive $0xFFFF  }
0x1b: {  	[tilespmem:s16], [sflag:$0x1] =	stream.linear.gather [hbm4b:s7+s3], $0x1000, $0x38;
	[tilespmem:$0xA400] =	vst v63  }
0x1c: {  	_ = 	snop  }
0x1d: {  	[tilespmem:s17], [sflag:$0x2] =	stream.linear.gather [hbm4b:s8+s3], $0x1000, $0x38;
	[tilespmem:$0xA400] =	vst v63  }
0x1e: {  	_ = 	snop  }
0x1f: {  	[tilespmem:s18], [sflag:$0x3] =	stream.linear.gather [hbm4b:s9+s3], $0x1000, $0x38;
	[tilespmem:$0xA400] =	vst v63  }
0x20: {  	s21 =	simm.s32 $0x0;
	s22 =	smov.u32 s13;
	s23 =	simm.s32 $0x0  }
0x21: {  	[tilespmem:s19], [sflag:$0x4] =	stream.linear.gather [hbm4b:s10+s3], $0x1000, $0x38;
	[tilespmem:$0xA400] =	vst v63  }
.LBB2_2:
0x22: {  	s24 =	sand.u32 $0x3, s23  }
0x23: {  	p0 =	sgt.s32 s24, $0x1  }
0x24: {  	p1 =	seq.s32 @p0 s24, $0x2  }
0x25: {  	p2 =	por !p1, !p0  }
0x26: {  	s25 =	simm.s32 @!p2 $0x3  }
0x27: {  	_ =	swait.ge @!p2 [sflag:s25], $0x1000  }
0x28: {  	s26 =	simm.s32 @!p2 $0x3400;
	[sflag:s25] =	ssyncset.done @!p2 $0x0  }
0x29: {  	p3 =	sgt.u32 @!p2 s23, $0x23;
	[sflag:s25] =	ssyncadd.s32 @!p2 $0xFFFFF000;
	s25 =	simm.s32 @!p2 $0x80  }
0x2a: {  	[spmem:s2] =	stream.indirect.scatter.add.f32 @!p2 [tilespmem:s26], [sflag:$0x5], $0x20, s21, s25, $0xb8;
	[tilespmem:$0xA400] =	vst v63  }
0x2b: {  	p3 =	por @p0 p3, !p1;
	s25 =	simm.s32 @!p2 $0x5  }
0x2c: {  	p3 =	por p3, !p0;
	_ =	swait.ge @!p2 [sflag:s25], $0x1000  }
0x2d: {  	s26 =	simm.s32 @!p3 $0x3400;
	[sflag:s25] =	ssyncset.done @!p2 $0x0  }
0x2e: {  	[sflag:s25] =	ssyncadd.s32 @!p2 $0xFFFFF000;
	s25 =	simm.s32 @!p3 $0x0;
	p2 =	por p1, !p0  }
0x2f: {  	[tilespmem:s26], [sflag:$0x3] =	stream.linear.gather @!p3 [hbm4b:s22+s25], $0x1000, $0x38;
	[tilespmem:$0xA400] =	vst v63  }
0x30: {  	s25 =	simm.s32 @!p2 $0x4  }
0x31: {  	_ =	swait.ge @!p2 [sflag:s25], $0x1000  }
0x32: {  	[sflag:s25] =	ssyncset.done @!p2 $0x0  }
0x33: {  	s26 =	simm.s32 @!p2 $0x4400;
	[sflag:s25] =	ssyncadd.s32 @!p2 $0xFFFFF000;
	s25 =	simm.s32 @!p2 $0x80  }
0x34: {  	[spmem:s2] =	stream.indirect.scatter.add.f32 @!p2 [tilespmem:s26], [sflag:$0x5], $0x20, s21, s25, $0xb8;
	[tilespmem:$0xA400] =	vst v63  }
0x35: {  	p3 =	sgt.u32 @!p2 s23, $0x23;
	s25 =	simm.s32 @!p2 $0x5  }
0x36: {  	p1 =	por @p0 p3, p1;
	_ =	swait.ge @!p2 [sflag:s25], $0x1000  }
0x37: {  	p1 =	por p1, !p0;
	[sflag:s25] =	ssyncset.done @!p2 $0x0  }
0x38: {  	s26 =	simm.s32 @!p1 $0x4400;
	[sflag:s25] =	ssyncadd.s32 @!p2 $0xFFFFF000;
	s25 =	simm.s32 @!p1 $0x0  }
0x39: {  	[tilespmem:s26], [sflag:$0x4] =	stream.linear.gather @!p1 [hbm4b:s22+s25], $0x1000, $0x38;
	[tilespmem:$0xA400] =	vst v63  }
0x3a: {  	p1 =	seq.s32 @!p0 s24, $0x0  }
0x3b: {  	p2 =	por !p1, p0  }
0x3c: {  	s24 =	simm.s32 @!p2 $0x1  }
0x3d: {  	_ =	swait.ge @!p2 [sflag:s24], $0x1000  }
0x3e: {  	s25 =	simm.s32 @!p2 $0x1400;
	[sflag:s24] =	ssyncset.done @!p2 $0x0  }
0x3f: {  	p3 =	sgt.u32 @!p2 s23, $0x23;
	[sflag:s24] =	ssyncadd.s32 @!p2 $0xFFFFF000;
	s24 =	simm.s32 @!p2 $0x80  }
0x40: {  	[spmem:s2] =	stream.indirect.scatter.add.f32 @!p2 [tilespmem:s25], [sflag:$0x5], $0x20, s21, s24, $0xb8;
	[tilespmem:$0xA400] =	vst v63  }
0x41: {  	p3 =	por @!p0 p3, !p1;
	s24 =	simm.s32 @!p2 $0x5  }
0x42: {  	p3 =	por p3, p0;
	_ =	swait.ge @!p2 [sflag:s24], $0x1000  }
0x43: {  	s25 =	simm.s32 @!p3 $0x1400;
	[sflag:s24] =	ssyncset.done @!p2 $0x0  }
0x44: {  	[sflag:s24] =	ssyncadd.s32 @!p2 $0xFFFFF000;
	s24 =	simm.s32 @!p3 $0x0;
	p2 =	por p1, p0  }
0x45: {  	[tilespmem:s25], [sflag:$0x1] =	stream.linear.gather @!p3 [hbm4b:s22+s24], $0x1000, $0x38;
	[tilespmem:$0xA400] =	vst v63  }
0x46: {  	s24 =	simm.s32 @!p2 $0x2  }
0x47: {  	_ =	swait.ge @!p2 [sflag:s24], $0x1000  }
0x48: {  	[sflag:s24] =	ssyncset.done @!p2 $0x0  }
0x49: {  	s25 =	simm.s32 @!p2 $0x2400;
	[sflag:s24] =	ssyncadd.s32 @!p2 $0xFFFFF000;
	s24 =	simm.s32 @!p2 $0x80  }
0x4a: {  	[spmem:s2] =	stream.indirect.scatter.add.f32 @!p2 [tilespmem:s25], [sflag:$0x5], $0x20, s21, s24, $0xb8;
	[tilespmem:$0xA400] =	vst v63  }
0x4b: {  	p3 =	sgt.u32 @!p2 s23, $0x23;
	s24 =	simm.s32 @!p2 $0x5  }
0x4c: {  	p1 =	por @!p0 p3, p1;
	_ =	swait.ge @!p2 [sflag:s24], $0x1000  }
0x4d: {  	s23 =	sadd.s32 $0x1, s23;
	p0 =	por p1, p0;
	[sflag:s24] =	ssyncset.done @!p2 $0x0  }
0x4e: {  	s25 =	simm.s32 @!p0 $0x2400;
	[sflag:s24] =	ssyncadd.s32 @!p2 $0xFFFFF000;
	s24 =	simm.s32 @!p0 $0x0  }
0x4f: {  	[tilespmem:s25], [sflag:$0x2] =	stream.linear.gather @!p0 [hbm4b:s22+s24], $0x1000, $0x38;
	[tilespmem:$0xA400] =	vst v63  }
0x50: {  	p0 =	sne.s32 s23, $0x28  }
.Ltmp0:
0x51: {  	_ = 	snop;
	(pc) =	sbr.rel @p0 .LBB2_2-.Ltmp0, $2  }
0x52: {  	_ =	sdelay $0x2  }
0x53: {  	s21 =	sadd.s32 $0x80, s21;
	s22 =	sadd.s32 $0x200, s22  }
0x54: {  	s20 =	sadd.s32 $0x1, s20  }
0x55: {  	p0 =	sne.s32 s20, s12  }
.Ltmp1:
0x56: {  	[bflag:$0x0] =	sbarrier.arrive $0xFFFF;
	(pc) =	sbr.rel @p0 .LBB2_1-.Ltmp1, $4  }
0x57: {  	[hbm:s11], [sflag:s5] =	dma.local [spmem:s14], $0xA00  }
0x58: {  	_ =	swait.ge [sflag:s15], $0xA00  }
0x59: {  	[sflag:s15] =	ssyncset.done $0x0  }
0x5a: {  	[sflag:s15] =	ssyncadd.s32 $0xFFFFF600  }
0x5b: {  	_ =	sfence.sel $0x180000  }
0x5c: {  	[bflag:$0x0] =	sbarrier.arrive $0xFFFF  }
0x5d: {  	p0 =	sne.s32 s0, $0x0;
	_ =	strace $0x90000050  }
0x5e: {  	s0 =	sadd.s32 @!p0 $0x100000, s1;
	[bflag:$0x2] =	sbarrier.arrive $0xFFFF  }
0x5f: {  	[sflag:s0] =	ssyncadd.tile.s32 @!p0 $0x1;
	_ =	shalt  }
.Lfunc_end2:
_tile_overlayer_lowered:
.L_overlay_start_2:
0x60: {  	(tag) =	ssettag $0x2  }
0x61: {  	s0 =	rddreg [dreg:$0x0];
	s2 =	stileid.u32  }
0x62: {  	s1 =	rddreg [dreg:$0x1];
	p0 =	sne.s32 s2, $0x0  }
0x63: {  	s3 =	rddreg [dreg:$0x2];
	[bflag:$0x3] =	sbarrier.arrive $0xFFFF;
	s2 =	simm.s32 @!p0 $0x1C05  }
0x64: {  	[timem:s3], [sflag:s2] =	dma.local @!p0 [hbm:s0], s1  }
0x65: {  	s0 =	simm.s32 @!p0 $0x5  }
0x66: {  	_ =	swait.ge @!p0 [sflag:s0], s1  }
0x67: {  	s1 =	ssub.s32 @!p0 $0x0, s1;
	[sflag:s0] =	ssyncset.done @!p0 $0x0  }
0x68: {  	[sflag:s0] =	ssyncadd.s32 @!p0 s1  }
0x69: {  	[bflag:$0x3] =	sbarrier.arrive $0xFFFF  }
0x6a: {  	_ =	shalt  }

</sc_bundles>
